<compile_context>
chip_gen: v7x
topology: tpu7x:2x2x1
jax: 0.10.2.dev20260603
libtpu: 0.0.44.dev20260713+nightly
codegen_flags: <defaults>
</compile_context>

<pallas_src>
import functools

import jax
import jax.numpy as jnp
from jax import lax
from jax.experimental import pallas as pl
from jax.experimental.pallas import tpu as pltpu
from jax.experimental.pallas import tpu_sc as plsc

N = 10000
E = 320000
D = 128
H = 4
C = 32

NC = 2
NS = 16
NW = NC * NS

CHUNK = 128
NCHUNKS = E // CHUNK
N_PAD = 10240
ROWS_PER_TILE = N_PAD // NS

_HI = lax.Precision.HIGHEST
_f32 = jnp.float32


def _k1_body(x_ref, wl_ref, wr_ref, xl_ref, xr_ref):
    xv = x_ref[...]
    xl_ref[...] = jnp.dot(xv, wl_ref[...], preferred_element_type=_f32,
                          precision=_HI)
    xr_ref[...] = jnp.dot(xv, wr_ref[...], preferred_element_type=_f32,
                          precision=_HI)


def _k1(x_pad, W_l, W_r):
    return pl.pallas_call(
        _k1_body,
        out_shape=[jax.ShapeDtypeStruct((N_PAD, D), _f32),
                   jax.ShapeDtypeStruct((N_PAD, D), _f32)],
    )(x_pad, W_l, W_r)


SUP = 640
NSUP = E // SUP


def _sc_gather2(tab_a, tab_b, idx3_a, idx3_b):
    mesh = plsc.VectorSubcoreMesh(core_axis_name="c", subcore_axis_name="s")
    nsub = SUP // CHUNK

    @functools.partial(
        pl.kernel, mesh=mesh,
        out_type=[jax.ShapeDtypeStruct((E, D), _f32),
                  jax.ShapeDtypeStruct((E, D), _f32)],
        scratch_types=[pltpu.VMEM((nsub, CHUNK), jnp.int32),
                       pltpu.VMEM((SUP, D), _f32),
                       pltpu.SemaphoreType.DMA],
    )
    def k(ta, tb, ia, ib, oa, ob, idx_v, r_v, sem):
        c = lax.axis_index("c")
        s = lax.axis_index("s")

        def one_stream(tab, idx3, out, sid):
            base = sid * SUP
            pltpu.sync_copy(idx3.at[sid], idx_v)
            cps = []
            for t in range(nsub):
                cps.append(pltpu.async_copy(
                    tab.at[idx_v.at[t]],
                    r_v.at[pl.ds(t * CHUNK, CHUNK)], sem))
            for cp in cps:
                cp.wait()
            pltpu.sync_copy(r_v, out.at[pl.ds(base, SUP)])

        def body(j, carry):
            sid = j * NS + s

            @pl.when(sid < NSUP)
            def _():
                @pl.when(c == 0)
                def _():
                    one_stream(ta, ia, oa, sid)

                @pl.when(c == 1)
                def _():
                    one_stream(tb, ib, ob, sid)

            return carry

        lax.fori_loop(0, (NSUP + NS - 1) // NS, body, 0)

    return k(tab_a, tab_b, idx3_a, idx3_b)


_BE3 = 4000


def _k3_body(gl_ref, gr_ref, ea_ref, we_ref, attf_ref, m8_ref, b8_ref,
             msg_ref, exb_ref):
    gl = gl_ref[...]
    ef = jnp.dot(ea_ref[...], we_ref[...], preferred_element_type=_f32,
                 precision=_HI)
    s = gl + gr_ref[...] + ef
    s = jnp.where(s >= 0, s, 0.2 * s)
    ew = s * attf_ref[...]
    logits8 = jnp.dot(ew, m8_ref[...], preferred_element_type=_f32,
                      precision=_HI)
    ex = jnp.exp(logits8)
    exb = jnp.dot(ex, b8_ref[...], preferred_element_type=_f32,
                  precision=_HI)
    exb_ref[...] = exb
    msg_ref[...] = gl * exb


def _k3(g_l, g_r, edge_attr, W_e, att_flat, m8, b8):
    n_blk = E // _BE3
    return pl.pallas_call(
        _k3_body,
        grid=(n_blk,),
        in_specs=[
            pl.BlockSpec((_BE3, D), lambda i: (i, 0)),
            pl.BlockSpec((_BE3, D), lambda i: (i, 0)),
            pl.BlockSpec((_BE3, D), lambda i: (i, 0)),
            pl.BlockSpec((D, D), lambda i: (0, 0)),
            pl.BlockSpec((1, D), lambda i: (0, 0)),
            pl.BlockSpec((D, 8), lambda i: (0, 0)),
            pl.BlockSpec((8, D), lambda i: (0, 0)),
        ],
        out_specs=[
            pl.BlockSpec((_BE3, D), lambda i: (i, 0)),
            pl.BlockSpec((_BE3, D), lambda i: (i, 0)),
        ],
        out_shape=[jax.ShapeDtypeStruct((E, D), _f32),
                   jax.ShapeDtypeStruct((E, D), _f32)],
    )(g_l, g_r, edge_attr, W_e, att_flat, m8, b8)


def _sc_scatter(msg, exb, dst, zS):
    mesh = plsc.VectorSubcoreMesh(core_axis_name="c", subcore_axis_name="s")

    @functools.partial(
        pl.kernel, mesh=mesh,
        out_type=jax.ShapeDtypeStruct((NC, N_PAD, D), _f32),
        scratch_types=[pltpu.VMEM((CHUNK,), jnp.int32),
                       pltpu.VMEM((CHUNK, D), _f32),
                       pltpu.VMEM_SHARED((N_PAD, D), _f32)],
    )
    def k(msg_h, exb_h, dst_h, zS_h, So, idx_v, m_v, acc):
        c = lax.axis_index("c")
        s = lax.axis_index("s")
        r0 = s * ROWS_PER_TILE
        pltpu.sync_copy(zS_h, m_v)
        for t in range(ROWS_PER_TILE // CHUNK):
            pltpu.sync_copy(m_v, acc.at[pl.ds(r0 + t * CHUNK, CHUNK)])
        plsc.subcore_barrier()

        def body(j, carry):
            k_id = j * NS + s

            @pl.when(k_id < NCHUNKS)
            def _():
                base = k_id * CHUNK
                pltpu.sync_copy(dst_h.at[pl.ds(base, CHUNK)], idx_v)

                @pl.when(c == 0)
                def _():
                    pltpu.sync_copy(msg_h.at[pl.ds(base, CHUNK)], m_v)

                @pl.when(c == 1)
                def _():
                    pltpu.sync_copy(exb_h.at[pl.ds(base, CHUNK)], m_v)

                pltpu.sync_copy(m_v, acc.at[idx_v], add=True)

            return carry

        lax.fori_loop(0, (NCHUNKS + NS - 1) // NS, body, 0)
        plsc.subcore_barrier()
        for t in range(ROWS_PER_TILE // CHUNK):
            rb = r0 + t * CHUNK
            pltpu.sync_copy(acc.at[pl.ds(rb, CHUNK)], m_v)
            pltpu.sync_copy(m_v, So.at[c, pl.ds(rb, CHUNK)])

    return k(msg, exb, dst, zS)


_BN5 = 2048


def _k5_body(sp_ref, bias_ref, xout_ref):
    xout_ref[...] = sp_ref[0] / (sp_ref[1] + 1e-16) + bias_ref[...]


def _k5(S_p, bias_row):
    n_blk = N_PAD // _BN5
    return pl.pallas_call(
        _k5_body,
        grid=(n_blk,),
        in_specs=[
            pl.BlockSpec((NC, _BN5, D), lambda i: (0, i, 0)),
            pl.BlockSpec((1, D), lambda i: (0, 0)),
        ],
        out_specs=pl.BlockSpec((_BN5, D), lambda i: (i, 0)),
        out_shape=jax.ShapeDtypeStruct((N_PAD, D), _f32),
    )(S_p, bias_row)


_BE7 = 4000


def _k7_body(q_ref, k_ref, ea_ref, gq_ref, gk_ref, bq_ref, bk_ref,
             wt_ref, wb_ref, bm_ref, out_ref):
    qv = q_ref[...]
    kv = k_ref[...]
    mu = (jnp.sum(qv, axis=1, keepdims=True)
          + jnp.sum(kv, axis=1, keepdims=True)) * (1.0 / (2 * D))
    ssq = (jnp.sum(qv * qv, axis=1, keepdims=True)
           + jnp.sum(kv * kv, axis=1, keepdims=True))
    var = ssq * (1.0 / (2 * D)) - mu * mu
    inv = 1.0 / jnp.sqrt(var + 1e-5)
    qn = jnp.maximum((qv - mu) * inv * gq_ref[...] + bq_ref[...], 0.0)
    kn = jnp.maximum((kv - mu) * inv * gk_ref[...] + bk_ref[...], 0.0)
    out_ref[...] = (ea_ref[...] + bm_ref[...]
                    + jnp.dot(qn, wt_ref[...], preferred_element_type=_f32,
                              precision=_HI)
                    + jnp.dot(kn, wb_ref[...], preferred_element_type=_f32,
                              precision=_HI))


def _k7(q, k, edge_attr, gq, gk, bq, bk, W_top, W_bot, bm_row):
    n_blk = E // _BE7
    row = lambda i: (0, 0)
    return pl.pallas_call(
        _k7_body,
        grid=(n_blk,),
        in_specs=[
            pl.BlockSpec((_BE7, D), lambda i: (i, 0)),
            pl.BlockSpec((_BE7, D), lambda i: (i, 0)),
            pl.BlockSpec((_BE7, D), lambda i: (i, 0)),
            pl.BlockSpec((1, D), row),
            pl.BlockSpec((1, D), row),
            pl.BlockSpec((1, D), row),
            pl.BlockSpec((1, D), row),
            pl.BlockSpec((D, D), row),
            pl.BlockSpec((D, D), row),
            pl.BlockSpec((1, D), row),
        ],
        out_specs=pl.BlockSpec((_BE7, D), lambda i: (i, 0)),
        out_shape=jax.ShapeDtypeStruct((E, D), _f32),
    )(q, k, edge_attr, gq, gk, bq, bk, W_top, W_bot, bm_row)


def kernel(x, edge_index, edge_attr, W_l, W_r, W_e, att, bias,
           ln_gamma, ln_beta, W_mlp, b_mlp):
    src = edge_index[0]
    dst = edge_index[1]

    att_flat = att.reshape(1, H * C)
    m8 = jnp.concatenate(
        [jnp.repeat(jnp.eye(H, dtype=_f32), C, axis=0),
         jnp.zeros((D, 8 - H), _f32)], axis=1)
    b8 = m8.T
    bias_row = bias.reshape(1, D)
    gq = ln_gamma[:D].reshape(1, D)
    gk = ln_gamma[D:].reshape(1, D)
    bq = ln_beta[:D].reshape(1, D)
    bk = ln_beta[D:].reshape(1, D)
    W_top = W_mlp[:D]
    W_bot = W_mlp[D:]
    bm_row = b_mlp.reshape(1, D)
    zS = jnp.zeros((CHUNK, D), _f32)

    src3 = src.reshape(NSUP, SUP // CHUNK, CHUNK)
    dst3 = dst.reshape(NSUP, SUP // CHUNK, CHUNK)
    x_pad = jnp.pad(x, ((0, N_PAD - N), (0, 0)))

    x_l, x_r = _k1(x_pad, W_l, W_r)
    g_l, g_r = _sc_gather2(x_l, x_r, src3, dst3)
    msg, exb = _k3(g_l, g_r, edge_attr, W_e, att_flat, m8, b8)
    S_p = _sc_scatter(msg, exb, dst, zS)
    x_out_pad = _k5(S_p, bias_row)
    q, kk = _sc_gather2(x_out_pad, x_out_pad, src3, dst3)
    edge_attr_new = _k7(q, kk, edge_attr, gq, gk, bq, bk, W_top, W_bot, bm_row)
    return x_out_pad[:N], edge_attr_new

# --- scband reference (transcript-rebuilt; emitter-appended) ---
"""Pipeline reference for scband-node-edge-layer-81123342287183 (READ-ONLY COPY).

The authoritative reference and input builder live on the scoring server;
editing this copy changes nothing except your own understanding.
"""

import jax, jax.numpy as jnp
import numpy as np

N = 10000
E = 320000
D = 128
H = 4
C = 32  # dim_out // heads = 128 // 4


def setup_inputs(seed: int = 0) -> dict:
    key = jax.random.key(seed)
    ks = jax.random.split(key, 12)
    x = jax.random.normal(ks[0], (N, D), dtype=jnp.float32)
    edge_index = jax.random.randint(ks[1], (2, E), 0, N, dtype=jnp.int32)
    edge_attr = jax.random.normal(ks[2], (E, D), dtype=jnp.float32)
    # GATv2-style conv parameters (heads=4, out_per_head=32, edge_dim=128)
    W_l = jax.random.normal(ks[3], (D, H * C), dtype=jnp.float32) * 0.05
    W_r = jax.random.normal(ks[4], (D, H * C), dtype=jnp.float32) * 0.05
    W_e = jax.random.normal(ks[5], (D, H * C), dtype=jnp.float32) * 0.05
    att = jax.random.normal(ks[6], (H, C), dtype=jnp.float32) * 0.05
    bias = jnp.zeros((H * C,), dtype=jnp.float32)
    # edgeMLP: LayerNorm(2*dim_out) -> ReLU -> Linear(2*dim_out, dim_out)
    ln_gamma = jnp.ones((2 * D,), dtype=jnp.float32)
    ln_beta = jnp.zeros((2 * D,), dtype=jnp.float32)
    W_mlp = jax.random.normal(ks[7], (2 * D, D), dtype=jnp.float32) * 0.05
    b_mlp = jnp.zeros((D,), dtype=jnp.float32)
    return {"x": x, "edge_index": edge_index, "edge_attr": edge_attr,
            "W_l": W_l, "W_r": W_r, "W_e": W_e, "att": att, "bias": bias,
            "ln_gamma": ln_gamma, "ln_beta": ln_beta, "W_mlp": W_mlp, "b_mlp": b_mlp}


def reference(x, edge_index, edge_attr, W_l, W_r, W_e, att, bias, ln_gamma, ln_beta, W_mlp, b_mlp):
    src = edge_index[0]
    dst = edge_index[1]
    # GATv2Conv(dim_in, dim_out//heads, heads=4, edge_dim=128)
    x_l = (x @ W_l).reshape(N, H, C)
    x_r = (x @ W_r).reshape(N, H, C)
    e_feat = (edge_attr @ W_e).reshape(E, H, C)
    e = x_l[src] + x_r[dst] + e_feat
    e = jax.nn.leaky_relu(e, negative_slope=0.2)
    logits = jnp.sum(e * att[None, :, :], axis=-1)  # [E, H]
    seg_max = jax.ops.segment_max(logits, dst, num_segments=N)
    seg_max = jnp.where(jnp.isfinite(seg_max), seg_max, 0.0)
    seg_max = jax.lax.stop_gradient(seg_max)
    ex = jnp.exp(logits - seg_max[dst])
    denom = jax.ops.segment_sum(ex, dst, num_segments=N)
    alpha = ex / (denom[dst] + 1e-16)  # [E, H]
    msg = x_l[src] * alpha[:, :, None]
    x_out = jax.ops.segment_sum(msg, dst, num_segments=N).reshape(N, H * C) + bias
    # edge update: edge_attr = edge_attr + edgeMLP(cat(x[src], x[dst]))
    h = jnp.concatenate([x_out[src], x_out[dst]], axis=-1)  # [E, 2D]
    mu = jnp.mean(h, axis=-1, keepdims=True)
    var = jnp.var(h, axis=-1, keepdims=True)
    hn = (h - mu) / jnp.sqrt(var + 1e-5) * ln_gamma + ln_beta
    hr = jax.nn.relu(hn)
    eAttr = hr @ W_mlp + b_mlp
    edge_attr_new = edge_attr + eAttr
    return x_out, edge_attr_new

if __name__ == "__main__":
    import jax
    _d = setup_inputs()
    print(jax.jit(kernel)(*tuple(_d.values())))

</pallas_src>

<mosaic_0001>
#map = affine_map<(d0, d1) -> (0, 0)>
#map1 = affine_map<(d0, d1) -> (0, 0, 0)>
module attributes {stable_mosaic.version = 14 : i64} {
  func.func @k(%arg0: i32, %arg1: i32, %arg2: memref<10240x128xf32, #tpu.memory_space<hbm>>, %arg3: memref<10240x128xf32, #tpu.memory_space<hbm>>, %arg4: memref<500x5x128xi32, #tpu.memory_space<hbm>>, %arg5: memref<500x5x128xi32, #tpu.memory_space<hbm>>, %arg6: memref<320000x128xf32, #tpu.memory_space<hbm>>, %arg7: memref<320000x128xf32, #tpu.memory_space<hbm>>, %arg8: memref<5x128xi32, #tpu.memory_space<vmem>>, %arg9: memref<640x128xf32, #tpu.memory_space<vmem>>, %arg10: memref<!tpu.dma_semaphore, #tpu.memory_space<semaphore_mem>>) attributes {dimension_semantics = [#tpu.dimension_semantics<core_parallel>, #tpu.dimension_semantics<subcore_parallel>], iteration_bounds = array<i64: 2, 16>, scalar_prefetch = 0 : i64, scratch_operands = 3 : i64, tpu.core_type = #tpu.core_type<sc_vector_subcore>, window_params = [{transform_indices = #map}, {transform_indices = #map}, {transform_indices = #map1}, {transform_indices = #map1}, {transform_indices = #map}, {transform_indices = #map}]} {
    %scan3A = arith.constant 0 : i32
    %scan3A_0 = arith.constant 0 : i32
    %scan3A_1 = arith.constant 32 : i32
    %scan3A_2 = arith.addi %scan3A_0, %scan3A_1 : i32
    %scan3A_3 = arith.constant 1 : i32
    scf.for %scan3A_5 = %scan3A_0 to %scan3A_2 step %scan3A_3  : i32 {
      %mul3A = arith.constant 16 : i32
      %mul3A_6 = arith.muli %scan3A_5, %mul3A : i32
      %add3A = arith.addi %mul3A_6, %arg1 : i32
      %lt3A = arith.constant 500 : i32
      %lt3A_7 = arith.cmpi slt, %add3A, %lt3A : i32
      %convert_element_type3A = arith.extui %lt3A_7 : i1 to i32
      %cond3A = arith.constant 0 : i32
      %cond3A_8 = arith.cmpi ne, %convert_element_type3A, %cond3A : i32
      scf.if %cond3A_8 {
        %eq3A = arith.constant 0 : i32
        %eq3A_9 = arith.cmpi eq, %arg0, %eq3A : i32
        %convert_element_type3A_10 = arith.extui %eq3A_9 : i1 to i32
        %cond3A_11 = arith.constant 0 : i32
        %cond3A_12 = arith.cmpi ne, %convert_element_type3A_10, %cond3A_11 : i32
        scf.if %cond3A_12 {
          %mul3A_18 = arith.constant 640 : i32
          %mul3A_19 = arith.muli %add3A, %mul3A_18 : i32
          "tpu.region"() ({
            %run_scoped3A = tpu.sem_alloc : memref<!tpu.dma_semaphore, #tpu.memory_space<semaphore_mem>>
            %dma_start3A_118 = arith.constant 0 : i32
            %dma_start3A_119 = arith.constant 0 : i32
            %dma_start3A_120 = tpu.memref_slice %arg4[%add3A, %dma_start3A_118, %dma_start3A_119] : memref<500x5x128xi32, #tpu.memory_space<hbm>> -> memref<1x5x128xi32, #tpu.memory_space<hbm>>
            %dma_start3A_121 = tpu.memref_squeeze %dma_start3A_120 : memref<1x5x128xi32, #tpu.memory_space<hbm>> -> memref<5x128xi32, #tpu.memory_space<hbm>>
            %dma_start3A_122 = arith.constant 0 : i32
            %dma_start3A_123 = arith.constant 0 : i32
            %dma_start3A_124 = tpu.memref_slice %arg4[%add3A, %dma_start3A_122, %dma_start3A_123] : memref<500x5x128xi32, #tpu.memory_space<hbm>> -> memref<1x5x128xi32, #tpu.memory_space<hbm>>
            %dma_start3A_125 = tpu.memref_squeeze %dma_start3A_124 : memref<1x5x128xi32, #tpu.memory_space<hbm>> -> memref<5x128xi32, #tpu.memory_space<hbm>>
            tpu.enqueue_dma source(%dma_start3A_125 : memref<5x128xi32, #tpu.memory_space<hbm>>) target(%arg8 : memref<5x128xi32, #tpu.memory_space<vmem>>) target_semaphore(%run_scoped3A : memref<!tpu.dma_semaphore, #tpu.memory_space<semaphore_mem>>)
            %dma_wait3A_126 = arith.constant 0 : i32
            %dma_wait3A_127 = arith.constant 0 : i32
            %dma_wait3A_128 = tpu.memref_slice %arg4[%add3A, %dma_wait3A_126, %dma_wait3A_127] : memref<500x5x128xi32, #tpu.memory_space<hbm>> -> memref<1x5x128xi32, #tpu.memory_space<hbm>>
            %dma_wait3A_129 = tpu.memref_squeeze %dma_wait3A_128 : memref<1x5x128xi32, #tpu.memory_space<hbm>> -> memref<5x128xi32, #tpu.memory_space<hbm>>
            %dma_wait3A_130 = arith.constant 0 : i32
            %dma_wait3A_131 = arith.constant 0 : i32
            %dma_wait3A_132 = tpu.memref_slice %arg4[%add3A, %dma_wait3A_130, %dma_wait3A_131] : memref<500x5x128xi32, #tpu.memory_space<hbm>> -> memref<1x5x128xi32, #tpu.memory_space<hbm>>
            %dma_wait3A_133 = tpu.memref_squeeze %dma_wait3A_132 : memref<1x5x128xi32, #tpu.memory_space<hbm>> -> memref<5x128xi32, #tpu.memory_space<hbm>>
            tpu.wait_dma2 semaphore(%run_scoped3A : memref<!tpu.dma_semaphore, #tpu.memory_space<semaphore_mem>>) src(%dma_wait3A_133 : memref<5x128xi32, #tpu.memory_space<hbm>>) dst(%arg8 : memref<5x128xi32, #tpu.memory_space<vmem>>)
            tpu.yield
          }) : () -> ()
          %dma_start3A = arith.constant 0 : i32
          %dma_start3A_20 = arith.constant 0 : i32
          %dma_start3A_21 = arith.constant 0 : i32
          %dma_start3A_22 = tpu.memref_slice %arg9[%dma_start3A_20, %dma_start3A_21] : memref<640x128xf32, #tpu.memory_space<vmem>> -> memref<128x128xf32, #tpu.memory_space<vmem>>
          %dma_start3A_23 = arith.constant 0 : i32
          %dma_start3A_24 = tpu.memref_slice %arg8[%dma_start3A, %dma_start3A_23] : memref<5x128xi32, #tpu.memory_space<vmem>> -> memref<1x128xi32, #tpu.memory_space<vmem>>
          %dma_start3A_25 = tpu.memref_squeeze %dma_start3A_24 : memref<1x128xi32, #tpu.memory_space<vmem>> -> memref<128xi32, #tpu.memory_space<vmem>>
          %dma_start3A_26 = arith.constant 0 : i32
          %dma_start3A_27 = arith.constant 0 : i32
          %dma_start3A_28 = tpu.memref_slice %arg2[%dma_start3A_26, %dma_start3A_27] : memref<10240x128xf32, #tpu.memory_space<hbm>> -> memref<10240x128xf32, #tpu.memory_space<hbm>>
          tpu.enqueue_indirect_dma source(%dma_start3A_28 : memref<10240x128xf32, #tpu.memory_space<hbm>>) target(%dma_start3A_22 : memref<128x128xf32, #tpu.memory_space<vmem>>) offsets(%dma_start3A_25 : memref<128xi32, #tpu.memory_space<vmem>>) semaphore(%arg10 : memref<!tpu.dma_semaphore, #tpu.memory_space<semaphore_mem>>)
          %dma_start3A_29 = arith.constant 1 : i32
          %dma_start3A_30 = arith.constant 128 : i32
          %dma_start3A_31 = arith.constant 0 : i32
          %dma_start3A_32 = tpu.memref_slice %arg9[%dma_start3A_30, %dma_start3A_31] : memref<640x128xf32, #tpu.memory_space<vmem>> -> memref<128x128xf32, #tpu.memory_space<vmem>>
          %dma_start3A_33 = arith.constant 0 : i32
          %dma_start3A_34 = tpu.memref_slice %arg8[%dma_start3A_29, %dma_start3A_33] : memref<5x128xi32, #tpu.memory_space<vmem>> -> memref<1x128xi32, #tpu.memory_space<vmem>>
          %dma_start3A_35 = tpu.memref_squeeze %dma_start3A_34 : memref<1x128xi32, #tpu.memory_space<vmem>> -> memref<128xi32, #tpu.memory_space<vmem>>
          %dma_start3A_36 = arith.constant 0 : i32
          %dma_start3A_37 = arith.constant 0 : i32
          %dma_start3A_38 = tpu.memref_slice %arg2[%dma_start3A_36, %dma_start3A_37] : memref<10240x128xf32, #tpu.memory_space<hbm>> -> memref<10240x128xf32, #tpu.memory_space<hbm>>
          tpu.enqueue_indirect_dma source(%dma_start3A_38 : memref<10240x128xf32, #tpu.memory_space<hbm>>) target(%dma_start3A_32 : memref<128x128xf32, #tpu.memory_space<vmem>>) offsets(%dma_start3A_35 : memref<128xi32, #tpu.memory_space<vmem>>) semaphore(%arg10 : memref<!tpu.dma_semaphore, #tpu.memory_space<semaphore_mem>>)
          %dma_start3A_39 = arith.constant 2 : i32
          %dma_start3A_40 = arith.constant 256 : i32
          %dma_start3A_41 = arith.constant 0 : i32
          %dma_start3A_42 = tpu.memref_slice %arg9[%dma_start3A_40, %dma_start3A_41] : memref<640x128xf32, #tpu.memory_space<vmem>> -> memref<128x128xf32, #tpu.memory_space<vmem>>
          %dma_start3A_43 = arith.constant 0 : i32
          %dma_start3A_44 = tpu.memref_slice %arg8[%dma_start3A_39, %dma_start3A_43] : memref<5x128xi32, #tpu.memory_space<vmem>> -> memref<1x128xi32, #tpu.memory_space<vmem>>
          %dma_start3A_45 = tpu.memref_squeeze %dma_start3A_44 : memref<1x128xi32, #tpu.memory_space<vmem>> -> memref<128xi32, #tpu.memory_space<vmem>>
          %dma_start3A_46 = arith.constant 0 : i32
          %dma_start3A_47 = arith.constant 0 : i32
          %dma_start3A_48 = tpu.memref_slice %arg2[%dma_start3A_46, %dma_start3A_47] : memref<10240x128xf32, #tpu.memory_space<hbm>> -> memref<10240x128xf32, #tpu.memory_space<hbm>>
          tpu.enqueue_indirect_dma source(%dma_start3A_48 : memref<10240x128xf32, #tpu.memory_space<hbm>>) target(%dma_start3A_42 : memref<128x128xf32, #tpu.memory_space<vmem>>) offsets(%dma_start3A_45 : memref<128xi32, #tpu.memory_space<vmem>>) semaphore(%arg10 : memref<!tpu.dma_semaphore, #tpu.memory_space<semaphore_mem>>)
          %dma_start3A_49 = arith.constant 3 : i32
          %dma_start3A_50 = arith.constant 384 : i32
          %dma_start3A_51 = arith.constant 0 : i32
          %dma_start3A_52 = tpu.memref_slice %arg9[%dma_start3A_50, %dma_start3A_51] : memref<640x128xf32, #tpu.memory_space<vmem>> -> memref<128x128xf32, #tpu.memory_space<vmem>>
          %dma_start3A_53 = arith.constant 0 : i32
          %dma_start3A_54 = tpu.memref_slice %arg8[%dma_start3A_49, %dma_start3A_53] : memref<5x128xi32, #tpu.memory_space<vmem>> -> memref<1x128xi32, #tpu.memory_space<vmem>>
          %dma_start3A_55 = tpu.memref_squeeze %dma_start3A_54 : memref<1x128xi32, #tpu.memory_space<vmem>> -> memref<128xi32, #tpu.memory_space<vmem>>
          %dma_start3A_56 = arith.constant 0 : i32
          %dma_start3A_57 = arith.constant 0 : i32
          %dma_start3A_58 = tpu.memref_slice %arg2[%dma_start3A_56, %dma_start3A_57] : memref<10240x128xf32, #tpu.memory_space<hbm>> -> memref<10240x128xf32, #tpu.memory_space<hbm>>
          tpu.enqueue_indirect_dma source(%dma_start3A_58 : memref<10240x128xf32, #tpu.memory_space<hbm>>) target(%dma_start3A_52 : memref<128x128xf32, #tpu.memory_space<vmem>>) offsets(%dma_start3A_55 : memref<128xi32, #tpu.memory_space<vmem>>) semaphore(%arg10 : memref<!tpu.dma_semaphore, #tpu.memory_space<semaphore_mem>>)
          %dma_start3A_59 = arith.constant 4 : i32
          %dma_start3A_60 = arith.constant 512 : i32
          %dma_start3A_61 = arith.constant 0 : i32
          %dma_start3A_62 = tpu.memref_slice %arg9[%dma_start3A_60, %dma_start3A_61] : memref<640x128xf32, #tpu.memory_space<vmem>> -> memref<128x128xf32, #tpu.memory_space<vmem>>
          %dma_start3A_63 = arith.constant 0 : i32
          %dma_start3A_64 = tpu.memref_slice %arg8[%dma_start3A_59, %dma_start3A_63] : memref<5x128xi32, #tpu.memory_space<vmem>> -> memref<1x128xi32, #tpu.memory_space<vmem>>
          %dma_start3A_65 = tpu.memref_squeeze %dma_start3A_64 : memref<1x128xi32, #tpu.memory_space<vmem>> -> memref<128xi32, #tpu.memory_space<vmem>>
          %dma_start3A_66 = arith.constant 0 : i32
          %dma_start3A_67 = arith.constant 0 : i32
          %dma_start3A_68 = tpu.memref_slice %arg2[%dma_start3A_66, %dma_start3A_67] : memref<10240x128xf32, #tpu.memory_space<hbm>> -> memref<10240x128xf32, #tpu.memory_space<hbm>>
          tpu.enqueue_indirect_dma source(%dma_start3A_68 : memref<10240x128xf32, #tpu.memory_space<hbm>>) target(%dma_start3A_62 : memref<128x128xf32, #tpu.memory_space<vmem>>) offsets(%dma_start3A_65 : memref<128xi32, #tpu.memory_space<vmem>>) semaphore(%arg10 : memref<!tpu.dma_semaphore, #tpu.memory_space<semaphore_mem>>)
          %dma_wait3A = arith.constant 0 : i32
          %dma_wait3A_69 = arith.constant 0 : i32
          %dma_wait3A_70 = arith.constant 0 : i32
          %dma_wait3A_71 = tpu.memref_slice %arg9[%dma_wait3A_69, %dma_wait3A_70] : memref<640x128xf32, #tpu.memory_space<vmem>> -> memref<128x128xf32, #tpu.memory_space<vmem>>
          %dma_wait3A_72 = arith.constant 0 : i32
          %dma_wait3A_73 = tpu.memref_slice %arg8[%dma_wait3A, %dma_wait3A_72] : memref<5x128xi32, #tpu.memory_space<vmem>> -> memref<1x128xi32, #tpu.memory_space<vmem>>
          %dma_wait3A_74 = tpu.memref_squeeze %dma_wait3A_73 : memref<1x128xi32, #tpu.memory_space<vmem>> -> memref<128xi32, #tpu.memory_space<vmem>>
          %dma_wait3A_75 = arith.constant 0 : i32
          %dma_wait3A_76 = arith.constant 0 : i32
          %dma_wait3A_77 = tpu.memref_slice %arg2[%dma_wait3A_75, %dma_wait3A_76] : memref<10240x128xf32, #tpu.memory_space<hbm>> -> memref<10240x128xf32, #tpu.memory_space<hbm>>
          tpu.wait_indirect_dma semaphore(%arg10 : memref<!tpu.dma_semaphore, #tpu.memory_space<semaphore_mem>>) src(%dma_wait3A_77 : memref<10240x128xf32, #tpu.memory_space<hbm>>) dst(%dma_wait3A_71 : memref<128x128xf32, #tpu.memory_space<vmem>>)
          %dma_wait3A_78 = arith.constant 1 : i32
          %dma_wait3A_79 = arith.constant 128 : i32
          %dma_wait3A_80 = arith.constant 0 : i32
          %dma_wait3A_81 = tpu.memref_slice %arg9[%dma_wait3A_79, %dma_wait3A_80] : memref<640x128xf32, #tpu.memory_space<vmem>> -> memref<128x128xf32, #tpu.memory_space<vmem>>
          %dma_wait3A_82 = arith.constant 0 : i32
          %dma_wait3A_83 = tpu.memref_slice %arg8[%dma_wait3A_78, %dma_wait3A_82] : memref<5x128xi32, #tpu.memory_space<vmem>> -> memref<1x128xi32, #tpu.memory_space<vmem>>
          %dma_wait3A_84 = tpu.memref_squeeze %dma_wait3A_83 : memref<1x128xi32, #tpu.memory_space<vmem>> -> memref<128xi32, #tpu.memory_space<vmem>>
          %dma_wait3A_85 = arith.constant 0 : i32
          %dma_wait3A_86 = arith.constant 0 : i32
          %dma_wait3A_87 = tpu.memref_slice %arg2[%dma_wait3A_85, %dma_wait3A_86] : memref<10240x128xf32, #tpu.memory_space<hbm>> -> memref<10240x128xf32, #tpu.memory_space<hbm>>
          tpu.wait_indirect_dma semaphore(%arg10 : memref<!tpu.dma_semaphore, #tpu.memory_space<semaphore_mem>>) src(%dma_wait3A_87 : memref<10240x128xf32, #tpu.memory_space<hbm>>) dst(%dma_wait3A_81 : memref<128x128xf32, #tpu.memory_space<vmem>>)
          %dma_wait3A_88 = arith.constant 2 : i32
          %dma_wait3A_89 = arith.constant 256 : i32
          %dma_wait3A_90 = arith.constant 0 : i32
          %dma_wait3A_91 = tpu.memref_slice %arg9[%dma_wait3A_89, %dma_wait3A_90] : memref<640x128xf32, #tpu.memory_space<vmem>> -> memref<128x128xf32, #tpu.memory_space<vmem>>
          %dma_wait3A_92 = arith.constant 0 : i32
          %dma_wait3A_93 = tpu.memref_slice %arg8[%dma_wait3A_88, %dma_wait3A_92] : memref<5x128xi32, #tpu.memory_space<vmem>> -> memref<1x128xi32, #tpu.memory_space<vmem>>
          %dma_wait3A_94 = tpu.memref_squeeze %dma_wait3A_93 : memref<1x128xi32, #tpu.memory_space<vmem>> -> memref<128xi32, #tpu.memory_space<vmem>>
          %dma_wait3A_95 = arith.constant 0 : i32
          %dma_wait3A_96 = arith.constant 0 : i32
          %dma_wait3A_97 = tpu.memref_slice %arg2[%dma_wait3A_95, %dma_wait3A_96] : memref<10240x128xf32, #tpu.memory_space<hbm>> -> memref<10240x128xf32, #tpu.memory_space<hbm>>
          tpu.wait_indirect_dma semaphore(%arg10 : memref<!tpu.dma_semaphore, #tpu.memory_space<semaphore_mem>>) src(%dma_wait3A_97 : memref<10240x128xf32, #tpu.memory_space<hbm>>) dst(%dma_wait3A_91 : memref<128x128xf32, #tpu.memory_space<vmem>>)
          %dma_wait3A_98 = arith.constant 3 : i32
          %dma_wait3A_99 = arith.constant 384 : i32
          %dma_wait3A_100 = arith.constant 0 : i32
          %dma_wait3A_101 = tpu.memref_slice %arg9[%dma_wait3A_99, %dma_wait3A_100] : memref<640x128xf32, #tpu.memory_space<vmem>> -> memref<128x128xf32, #tpu.memory_space<vmem>>
          %dma_wait3A_102 = arith.constant 0 : i32
          %dma_wait3A_103 = tpu.memref_slice %arg8[%dma_wait3A_98, %dma_wait3A_102] : memref<5x128xi32, #tpu.memory_space<vmem>> -> memref<1x128xi32, #tpu.memory_space<vmem>>
          %dma_wait3A_104 = tpu.memref_squeeze %dma_wait3A_103 : memref<1x128xi32, #tpu.memory_space<vmem>> -> memref<128xi32, #tpu.memory_space<vmem>>
          %dma_wait3A_105 = arith.constant 0 : i32
          %dma_wait3A_106 = arith.constant 0 : i32
          %dma_wait3A_107 = tpu.memref_slice %arg2[%dma_wait3A_105, %dma_wait3A_106] : memref<10240x128xf32, #tpu.memory_space<hbm>> -> memref<10240x128xf32, #tpu.memory_space<hbm>>
          tpu.wait_indirect_dma semaphore(%arg10 : memref<!tpu.dma_semaphore, #tpu.memory_space<semaphore_mem>>) src(%dma_wait3A_107 : memref<10240x128xf32, #tpu.memory_space<hbm>>) dst(%dma_wait3A_101 : memref<128x128xf32, #tpu.memory_space<vmem>>)
          %dma_wait3A_108 = arith.constant 4 : i32
          %dma_wait3A_109 = arith.constant 512 : i32
          %dma_wait3A_110 = arith.constant 0 : i32
          %dma_wait3A_111 = tpu.memref_slice %arg9[%dma_wait3A_109, %dma_wait3A_110] : memref<640x128xf32, #tpu.memory_space<vmem>> -> memref<128x128xf32, #tpu.memory_space<vmem>>
          %dma_wait3A_112 = arith.constant 0 : i32
          %dma_wait3A_113 = tpu.memref_slice %arg8[%dma_wait3A_108, %dma_wait3A_112] : memref<5x128xi32, #tpu.memory_space<vmem>> -> memref<1x128xi32, #tpu.memory_space<vmem>>
          %dma_wait3A_114 = tpu.memref_squeeze %dma_wait3A_113 : memref<1x128xi32, #tpu.memory_space<vmem>> -> memref<128xi32, #tpu.memory_space<vmem>>
          %dma_wait3A_115 = arith.constant 0 : i32
          %dma_wait3A_116 = arith.constant 0 : i32
          %dma_wait3A_117 = tpu.memref_slice %arg2[%dma_wait3A_115, %dma_wait3A_116] : memref<10240x128xf32, #tpu.memory_space<hbm>> -> memref<10240x128xf32, #tpu.memory_space<hbm>>
          tpu.wait_indirect_dma semaphore(%arg10 : memref<!tpu.dma_semaphore, #tpu.memory_space<semaphore_mem>>) src(%dma_wait3A_117 : memref<10240x128xf32, #tpu.memory_space<hbm>>) dst(%dma_wait3A_111 : memref<128x128xf32, #tpu.memory_space<vmem>>)
          "tpu.region"() ({
            %run_scoped3A = tpu.sem_alloc : memref<!tpu.dma_semaphore, #tpu.memory_space<semaphore_mem>>
            %dma_start3A_118 = arith.constant 0 : i32
            %dma_start3A_119 = tpu.memref_slice %arg6[%mul3A_19, %dma_start3A_118] : memref<320000x128xf32, #tpu.memory_space<hbm>> -> memref<640x128xf32, #tpu.memory_space<hbm>>
            %dma_start3A_120 = arith.constant 0 : i32
            %dma_start3A_121 = tpu.memref_slice %arg6[%mul3A_19, %dma_start3A_120] : memref<320000x128xf32, #tpu.memory_space<hbm>> -> memref<640x128xf32, #tpu.memory_space<hbm>>
            tpu.enqueue_dma source(%arg9 : memref<640x128xf32, #tpu.memory_space<vmem>>) target(%dma_start3A_121 : memref<640x128xf32, #tpu.memory_space<hbm>>) target_semaphore(%run_scoped3A : memref<!tpu.dma_semaphore, #tpu.memory_space<semaphore_mem>>)
            %dma_wait3A_122 = arith.constant 0 : i32
            %dma_wait3A_123 = tpu.memref_slice %arg6[%mul3A_19, %dma_wait3A_122] : memref<320000x128xf32, #tpu.memory_space<hbm>> -> memref<640x128xf32, #tpu.memory_space<hbm>>
            %dma_wait3A_124 = arith.constant 0 : i32
            %dma_wait3A_125 = tpu.memref_slice %arg6[%mul3A_19, %dma_wait3A_124] : memref<320000x128xf32, #tpu.memory_space<hbm>> -> memref<640x128xf32, #tpu.memory_space<hbm>>
            tpu.wait_dma2 semaphore(%run_scoped3A : memref<!tpu.dma_semaphore, #tpu.memory_space<semaphore_mem>>) src(%arg9 : memref<640x128xf32, #tpu.memory_space<vmem>>) dst(%dma_wait3A_125 : memref<640x128xf32, #tpu.memory_space<hbm>>)
            tpu.yield
          }) : () -> ()
        } else {
        }
        %eq3A_13 = arith.constant 1 : i32
        %eq3A_14 = arith.cmpi eq, %arg0, %eq3A_13 : i32
        %convert_element_type3A_15 = arith.extui %eq3A_14 : i1 to i32
        %cond3A_16 = arith.constant 0 : i32
        %cond3A_17 = arith.cmpi ne, %convert_element_type3A_15, %cond3A_16 : i32
        scf.if %cond3A_17 {
          %mul3A_18 = arith.constant 640 : i32
          %mul3A_19 = arith.muli %add3A, %mul3A_18 : i32
          "tpu.region"() ({
            %run_scoped3A = tpu.sem_alloc : memref<!tpu.dma_semaphore, #tpu.memory_space<semaphore_mem>>
            %dma_start3A_118 = arith.constant 0 : i32
            %dma_start3A_119 = arith.constant 0 : i32
            %dma_start3A_120 = tpu.memref_slice %arg5[%add3A, %dma_start3A_118, %dma_start3A_119] : memref<500x5x128xi32, #tpu.memory_space<hbm>> -> memref<1x5x128xi32, #tpu.memory_space<hbm>>
            %dma_start3A_121 = tpu.memref_squeeze %dma_start3A_120 : memref<1x5x128xi32, #tpu.memory_space<hbm>> -> memref<5x128xi32, #tpu.memory_space<hbm>>
            %dma_start3A_122 = arith.constant 0 : i32
            %dma_start3A_123 = arith.constant 0 : i32
            %dma_start3A_124 = tpu.memref_slice %arg5[%add3A, %dma_start3A_122, %dma_start3A_123] : memref<500x5x128xi32, #tpu.memory_space<hbm>> -> memref<1x5x128xi32, #tpu.memory_space<hbm>>
            %dma_start3A_125 = tpu.memref_squeeze %dma_start3A_124 : memref<1x5x128xi32, #tpu.memory_space<hbm>> -> memref<5x128xi32, #tpu.memory_space<hbm>>
            tpu.enqueue_dma source(%dma_start3A_125 : memref<5x128xi32, #tpu.memory_space<hbm>>) target(%arg8 : memref<5x128xi32, #tpu.memory_space<vmem>>) target_semaphore(%run_scoped3A : memref<!tpu.dma_semaphore, #tpu.memory_space<semaphore_mem>>)
            %dma_wait3A_126 = arith.constant 0 : i32
            %dma_wait3A_127 = arith.constant 0 : i32
            %dma_wait3A_128 = tpu.memref_slice %arg5[%add3A, %dma_wait3A_126, %dma_wait3A_127] : memref<500x5x128xi32, #tpu.memory_space<hbm>> -> memref<1x5x128xi32, #tpu.memory_space<hbm>>
            %dma_wait3A_129 = tpu.memref_squeeze %dma_wait3A_128 : memref<1x5x128xi32, #tpu.memory_space<hbm>> -> memref<5x128xi32, #tpu.memory_space<hbm>>
            %dma_wait3A_130 = arith.constant 0 : i32
            %dma_wait3A_131 = arith.constant 0 : i32
            %dma_wait3A_132 = tpu.memref_slice %arg5[%add3A, %dma_wait3A_130, %dma_wait3A_131] : memref<500x5x128xi32, #tpu.memory_space<hbm>> -> memref<1x5x128xi32, #tpu.memory_space<hbm>>
            %dma_wait3A_133 = tpu.memref_squeeze %dma_wait3A_132 : memref<1x5x128xi32, #tpu.memory_space<hbm>> -> memref<5x128xi32, #tpu.memory_space<hbm>>
            tpu.wait_dma2 semaphore(%run_scoped3A : memref<!tpu.dma_semaphore, #tpu.memory_space<semaphore_mem>>) src(%dma_wait3A_133 : memref<5x128xi32, #tpu.memory_space<hbm>>) dst(%arg8 : memref<5x128xi32, #tpu.memory_space<vmem>>)
            tpu.yield
          }) : () -> ()
          %dma_start3A = arith.constant 0 : i32
          %dma_start3A_20 = arith.constant 0 : i32
          %dma_start3A_21 = arith.constant 0 : i32
          %dma_start3A_22 = tpu.memref_slice %arg9[%dma_start3A_20, %dma_start3A_21] : memref<640x128xf32, #tpu.memory_space<vmem>> -> memref<128x128xf32, #tpu.memory_space<vmem>>
          %dma_start3A_23 = arith.constant 0 : i32
          %dma_start3A_24 = tpu.memref_slice %arg8[%dma_start3A, %dma_start3A_23] : memref<5x128xi32, #tpu.memory_space<vmem>> -> memref<1x128xi32, #tpu.memory_space<vmem>>
          %dma_start3A_25 = tpu.memref_squeeze %dma_start3A_24 : memref<1x128xi32, #tpu.memory_space<vmem>> -> memref<128xi32, #tpu.memory_space<vmem>>
          %dma_start3A_26 = arith.constant 0 : i32
          %dma_start3A_27 = arith.constant 0 : i32
          %dma_start3A_28 = tpu.memref_slice %arg3[%dma_start3A_26, %dma_start3A_27] : memref<10240x128xf32, #tpu.memory_space<hbm>> -> memref<10240x128xf32, #tpu.memory_space<hbm>>
          tpu.enqueue_indirect_dma source(%dma_start3A_28 : memref<10240x128xf32, #tpu.memory_space<hbm>>) target(%dma_start3A_22 : memref<128x128xf32, #tpu.memory_space<vmem>>) offsets(%dma_start3A_25 : memref<128xi32, #tpu.memory_space<vmem>>) semaphore(%arg10 : memref<!tpu.dma_semaphore, #tpu.memory_space<semaphore_mem>>)
          %dma_start3A_29 = arith.constant 1 : i32
          %dma_start3A_30 = arith.constant 128 : i32
          %dma_start3A_31 = arith.constant 0 : i32
          %dma_start3A_32 = tpu.memref_slice %arg9[%dma_start3A_30, %dma_start3A_31] : memref<640x128xf32, #tpu.memory_space<vmem>> -> memref<128x128xf32, #tpu.memory_space<vmem>>
          %dma_start3A_33 = arith.constant 0 : i32
          %dma_start3A_34 = tpu.memref_slice %arg8[%dma_start3A_29, %dma_start3A_33] : memref<5x128xi32, #tpu.memory_space<vmem>> -> memref<1x128xi32, #tpu.memory_space<vmem>>
          %dma_start3A_35 = tpu.memref_squeeze %dma_start3A_34 : memref<1x128xi32, #tpu.memory_space<vmem>> -> memref<128xi32, #tpu.memory_space<vmem>>
          %dma_start3A_36 = arith.constant 0 : i32
          %dma_start3A_37 = arith.constant 0 : i32
          %dma_start3A_38 = tpu.memref_slice %arg3[%dma_start3A_36, %dma_start3A_37] : memref<10240x128xf32, #tpu.memory_space<hbm>> -> memref<10240x128xf32, #tpu.memory_space<hbm>>
          tpu.enqueue_indirect_dma source(%dma_start3A_38 : memref<10240x128xf32, #tpu.memory_space<hbm>>) target(%dma_start3A_32 : memref<128x128xf32, #tpu.memory_space<vmem>>) offsets(%dma_start3A_35 : memref<128xi32, #tpu.memory_space<vmem>>) semaphore(%arg10 : memref<!tpu.dma_semaphore, #tpu.memory_space<semaphore_mem>>)
          %dma_start3A_39 = arith.constant 2 : i32
          %dma_start3A_40 = arith.constant 256 : i32
          %dma_start3A_41 = arith.constant 0 : i32
          %dma_start3A_42 = tpu.memref_slice %arg9[%dma_start3A_40, %dma_start3A_41] : memref<640x128xf32, #tpu.memory_space<vmem>> -> memref<128x128xf32, #tpu.memory_space<vmem>>
          %dma_start3A_43 = arith.constant 0 : i32
          %dma_start3A_44 = tpu.memref_slice %arg8[%dma_start3A_39, %dma_start3A_43] : memref<5x128xi32, #tpu.memory_space<vmem>> -> memref<1x128xi32, #tpu.memory_space<vmem>>
          %dma_start3A_45 = tpu.memref_squeeze %dma_start3A_44 : memref<1x128xi32, #tpu.memory_space<vmem>> -> memref<128xi32, #tpu.memory_space<vmem>>
          %dma_start3A_46 = arith.constant 0 : i32
          %dma_start3A_47 = arith.constant 0 : i32
          %dma_start3A_48 = tpu.memref_slice %arg3[%dma_start3A_46, %dma_start3A_47] : memref<10240x128xf32, #tpu.memory_space<hbm>> -> memref<10240x128xf32, #tpu.memory_space<hbm>>
          tpu.enqueue_indirect_dma source(%dma_start3A_48 : memref<10240x128xf32, #tpu.memory_space<hbm>>) target(%dma_start3A_42 : memref<128x128xf32, #tpu.memory_space<vmem>>) offsets(%dma_start3A_45 : memref<128xi32, #tpu.memory_space<vmem>>) semaphore(%arg10 : memref<!tpu.dma_semaphore, #tpu.memory_space<semaphore_mem>>)
          %dma_start3A_49 = arith.constant 3 : i32
          %dma_start3A_50 = arith.constant 384 : i32
          %dma_start3A_51 = arith.constant 0 : i32
          %dma_start3A_52 = tpu.memref_slice %arg9[%dma_start3A_50, %dma_start3A_51] : memref<640x128xf32, #tpu.memory_space<vmem>> -> memref<128x128xf32, #tpu.memory_space<vmem>>
          %dma_start3A_53 = arith.constant 0 : i32
          %dma_start3A_54 = tpu.memref_slice %arg8[%dma_start3A_49, %dma_start3A_53] : memref<5x128xi32, #tpu.memory_space<vmem>> -> memref<1x128xi32, #tpu.memory_space<vmem>>
          %dma_start3A_55 = tpu.memref_squeeze %dma_start3A_54 : memref<1x128xi32, #tpu.memory_space<vmem>> -> memref<128xi32, #tpu.memory_space<vmem>>
          %dma_start3A_56 = arith.constant 0 : i32
          %dma_start3A_57 = arith.constant 0 : i32
          %dma_start3A_58 = tpu.memref_slice %arg3[%dma_start3A_56, %dma_start3A_57] : memref<10240x128xf32, #tpu.memory_space<hbm>> -> memref<10240x128xf32, #tpu.memory_space<hbm>>
          tpu.enqueue_indirect_dma source(%dma_start3A_58 : memref<10240x128xf32, #tpu.memory_space<hbm>>) target(%dma_start3A_52 : memref<128x128xf32, #tpu.memory_space<vmem>>) offsets(%dma_start3A_55 : memref<128xi32, #tpu.memory_space<vmem>>) semaphore(%arg10 : memref<!tpu.dma_semaphore, #tpu.memory_space<semaphore_mem>>)
          %dma_start3A_59 = arith.constant 4 : i32
          %dma_start3A_60 = arith.constant 512 : i32
          %dma_start3A_61 = arith.constant 0 : i32
          %dma_start3A_62 = tpu.memref_slice %arg9[%dma_start3A_60, %dma_start3A_61] : memref<640x128xf32, #tpu.memory_space<vmem>> -> memref<128x128xf32, #tpu.memory_space<vmem>>
          %dma_start3A_63 = arith.constant 0 : i32
          %dma_start3A_64 = tpu.memref_slice %arg8[%dma_start3A_59, %dma_start3A_63] : memref<5x128xi32, #tpu.memory_space<vmem>> -> memref<1x128xi32, #tpu.memory_space<vmem>>
          %dma_start3A_65 = tpu.memref_squeeze %dma_start3A_64 : memref<1x128xi32, #tpu.memory_space<vmem>> -> memref<128xi32, #tpu.memory_space<vmem>>
          %dma_start3A_66 = arith.constant 0 : i32
          %dma_start3A_67 = arith.constant 0 : i32
          %dma_start3A_68 = tpu.memref_slice %arg3[%dma_start3A_66, %dma_start3A_67] : memref<10240x128xf32, #tpu.memory_space<hbm>> -> memref<10240x128xf32, #tpu.memory_space<hbm>>
          tpu.enqueue_indirect_dma source(%dma_start3A_68 : memref<10240x128xf32, #tpu.memory_space<hbm>>) target(%dma_start3A_62 : memref<128x128xf32, #tpu.memory_space<vmem>>) offsets(%dma_start3A_65 : memref<128xi32, #tpu.memory_space<vmem>>) semaphore(%arg10 : memref<!tpu.dma_semaphore, #tpu.memory_space<semaphore_mem>>)
          %dma_wait3A = arith.constant 0 : i32
          %dma_wait3A_69 = arith.constant 0 : i32
          %dma_wait3A_70 = arith.constant 0 : i32
          %dma_wait3A_71 = tpu.memref_slice %arg9[%dma_wait3A_69, %dma_wait3A_70] : memref<640x128xf32, #tpu.memory_space<vmem>> -> memref<128x128xf32, #tpu.memory_space<vmem>>
          %dma_wait3A_72 = arith.constant 0 : i32
          %dma_wait3A_73 = tpu.memref_slice %arg8[%dma_wait3A, %dma_wait3A_72] : memref<5x128xi32, #tpu.memory_space<vmem>> -> memref<1x128xi32, #tpu.memory_space<vmem>>
          %dma_wait3A_74 = tpu.memref_squeeze %dma_wait3A_73 : memref<1x128xi32, #tpu.memory_space<vmem>> -> memref<128xi32, #tpu.memory_space<vmem>>
          %dma_wait3A_75 = arith.constant 0 : i32
          %dma_wait3A_76 = arith.constant 0 : i32
          %dma_wait3A_77 = tpu.memref_slice %arg3[%dma_wait3A_75, %dma_wait3A_76] : memref<10240x128xf32, #tpu.memory_space<hbm>> -> memref<10240x128xf32, #tpu.memory_space<hbm>>
          tpu.wait_indirect_dma semaphore(%arg10 : memref<!tpu.dma_semaphore, #tpu.memory_space<semaphore_mem>>) src(%dma_wait3A_77 : memref<10240x128xf32, #tpu.memory_space<hbm>>) dst(%dma_wait3A_71 : memref<128x128xf32, #tpu.memory_space<vmem>>)
          %dma_wait3A_78 = arith.constant 1 : i32
          %dma_wait3A_79 = arith.constant 128 : i32
          %dma_wait3A_80 = arith.constant 0 : i32
          %dma_wait3A_81 = tpu.memref_slice %arg9[%dma_wait3A_79, %dma_wait3A_80] : memref<640x128xf32, #tpu.memory_space<vmem>> -> memref<128x128xf32, #tpu.memory_space<vmem>>
          %dma_wait3A_82 = arith.constant 0 : i32
          %dma_wait3A_83 = tpu.memref_slice %arg8[%dma_wait3A_78, %dma_wait3A_82] : memref<5x128xi32, #tpu.memory_space<vmem>> -> memref<1x128xi32, #tpu.memory_space<vmem>>
          %dma_wait3A_84 = tpu.memref_squeeze %dma_wait3A_83 : memref<1x128xi32, #tpu.memory_space<vmem>> -> memref<128xi32, #tpu.memory_space<vmem>>
          %dma_wait3A_85 = arith.constant 0 : i32
          %dma_wait3A_86 = arith.constant 0 : i32
          %dma_wait3A_87 = tpu.memref_slice %arg3[%dma_wait3A_85, %dma_wait3A_86] : memref<10240x128xf32, #tpu.memory_space<hbm>> -> memref<10240x128xf32, #tpu.memory_space<hbm>>
          tpu.wait_indirect_dma semaphore(%arg10 : memref<!tpu.dma_semaphore, #tpu.memory_space<semaphore_mem>>) src(%dma_wait3A_87 : memref<10240x128xf32, #tpu.memory_space<hbm>>) dst(%dma_wait3A_81 : memref<128x128xf32, #tpu.memory_space<vmem>>)
          %dma_wait3A_88 = arith.constant 2 : i32
          %dma_wait3A_89 = arith.constant 256 : i32
          %dma_wait3A_90 = arith.constant 0 : i32
          %dma_wait3A_91 = tpu.memref_slice %arg9[%dma_wait3A_89, %dma_wait3A_90] : memref<640x128xf32, #tpu.memory_space<vmem>> -> memref<128x128xf32, #tpu.memory_space<vmem>>
          %dma_wait3A_92 = arith.constant 0 : i32
          %dma_wait3A_93 = tpu.memref_slice %arg8[%dma_wait3A_88, %dma_wait3A_92] : memref<5x128xi32, #tpu.memory_space<vmem>> -> memref<1x128xi32, #tpu.memory_space<vmem>>
          %dma_wait3A_94 = tpu.memref_squeeze %dma_wait3A_93 : memref<1x128xi32, #tpu.memory_space<vmem>> -> memref<128xi32, #tpu.memory_space<vmem>>
          %dma_wait3A_95 = arith.constant 0 : i32
          %dma_wait3A_96 = arith.constant 0 : i32
          %dma_wait3A_97 = tpu.memref_slice %arg3[%dma_wait3A_95, %dma_wait3A_96] : memref<10240x128xf32, #tpu.memory_space<hbm>> -> memref<10240x128xf32, #tpu.memory_space<hbm>>
          tpu.wait_indirect_dma semaphore(%arg10 : memref<!tpu.dma_semaphore, #tpu.memory_space<semaphore_mem>>) src(%dma_wait3A_97 : memref<10240x128xf32, #tpu.memory_space<hbm>>) dst(%dma_wait3A_91 : memref<128x128xf32, #tpu.memory_space<vmem>>)
          %dma_wait3A_98 = arith.constant 3 : i32
          %dma_wait3A_99 = arith.constant 384 : i32
          %dma_wait3A_100 = arith.constant 0 : i32
          %dma_wait3A_101 = tpu.memref_slice %arg9[%dma_wait3A_99, %dma_wait3A_100] : memref<640x128xf32, #tpu.memory_space<vmem>> -> memref<128x128xf32, #tpu.memory_space<vmem>>
          %dma_wait3A_102 = arith.constant 0 : i32
          %dma_wait3A_103 = tpu.memref_slice %arg8[%dma_wait3A_98, %dma_wait3A_102] : memref<5x128xi32, #tpu.memory_space<vmem>> -> memref<1x128xi32, #tpu.memory_space<vmem>>
          %dma_wait3A_104 = tpu.memref_squeeze %dma_wait3A_103 : memref<1x128xi32, #tpu.memory_space<vmem>> -> memref<128xi32, #tpu.memory_space<vmem>>
          %dma_wait3A_105 = arith.constant 0 : i32
          %dma_wait3A_106 = arith.constant 0 : i32
          %dma_wait3A_107 = tpu.memref_slice %arg3[%dma_wait3A_105, %dma_wait3A_106] : memref<10240x128xf32, #tpu.memory_space<hbm>> -> memref<10240x128xf32, #tpu.memory_space<hbm>>
          tpu.wait_indirect_dma semaphore(%arg10 : memref<!tpu.dma_semaphore, #tpu.memory_space<semaphore_mem>>) src(%dma_wait3A_107 : memref<10240x128xf32, #tpu.memory_space<hbm>>) dst(%dma_wait3A_101 : memref<128x128xf32, #tpu.memory_space<vmem>>)
          %dma_wait3A_108 = arith.constant 4 : i32
          %dma_wait3A_109 = arith.constant 512 : i32
          %dma_wait3A_110 = arith.constant 0 : i32
          %dma_wait3A_111 = tpu.memref_slice %arg9[%dma_wait3A_109, %dma_wait3A_110] : memref<640x128xf32, #tpu.memory_space<vmem>> -> memref<128x128xf32, #tpu.memory_space<vmem>>
          %dma_wait3A_112 = arith.constant 0 : i32
          %dma_wait3A_113 = tpu.memref_slice %arg8[%dma_wait3A_108, %dma_wait3A_112] : memref<5x128xi32, #tpu.memory_space<vmem>> -> memref<1x128xi32, #tpu.memory_space<vmem>>
          %dma_wait3A_114 = tpu.memref_squeeze %dma_wait3A_113 : memref<1x128xi32, #tpu.memory_space<vmem>> -> memref<128xi32, #tpu.memory_space<vmem>>
          %dma_wait3A_115 = arith.constant 0 : i32
          %dma_wait3A_116 = arith.constant 0 : i32
          %dma_wait3A_117 = tpu.memref_slice %arg3[%dma_wait3A_115, %dma_wait3A_116] : memref<10240x128xf32, #tpu.memory_space<hbm>> -> memref<10240x128xf32, #tpu.memory_space<hbm>>
          tpu.wait_indirect_dma semaphore(%arg10 : memref<!tpu.dma_semaphore, #tpu.memory_space<semaphore_mem>>) src(%dma_wait3A_117 : memref<10240x128xf32, #tpu.memory_space<hbm>>) dst(%dma_wait3A_111 : memref<128x128xf32, #tpu.memory_space<vmem>>)
          "tpu.region"() ({
            %run_scoped3A = tpu.sem_alloc : memref<!tpu.dma_semaphore, #tpu.memory_space<semaphore_mem>>
            %dma_start3A_118 = arith.constant 0 : i32
            %dma_start3A_119 = tpu.memref_slice %arg7[%mul3A_19, %dma_start3A_118] : memref<320000x128xf32, #tpu.memory_space<hbm>> -> memref<640x128xf32, #tpu.memory_space<hbm>>
            %dma_start3A_120 = arith.constant 0 : i32
            %dma_start3A_121 = tpu.memref_slice %arg7[%mul3A_19, %dma_start3A_120] : memref<320000x128xf32, #tpu.memory_space<hbm>> -> memref<640x128xf32, #tpu.memory_space<hbm>>
            tpu.enqueue_dma source(%arg9 : memref<640x128xf32, #tpu.memory_space<vmem>>) target(%dma_start3A_121 : memref<640x128xf32, #tpu.memory_space<hbm>>) target_semaphore(%run_scoped3A : memref<!tpu.dma_semaphore, #tpu.memory_space<semaphore_mem>>)
            %dma_wait3A_122 = arith.constant 0 : i32
            %dma_wait3A_123 = tpu.memref_slice %arg7[%mul3A_19, %dma_wait3A_122] : memref<320000x128xf32, #tpu.memory_space<hbm>> -> memref<640x128xf32, #tpu.memory_space<hbm>>
            %dma_wait3A_124 = arith.constant 0 : i32
            %dma_wait3A_125 = tpu.memref_slice %arg7[%mul3A_19, %dma_wait3A_124] : memref<320000x128xf32, #tpu.memory_space<hbm>> -> memref<640x128xf32, #tpu.memory_space<hbm>>
            tpu.wait_dma2 semaphore(%run_scoped3A : memref<!tpu.dma_semaphore, #tpu.memory_space<semaphore_mem>>) src(%arg9 : memref<640x128xf32, #tpu.memory_space<vmem>>) dst(%dma_wait3A_125 : memref<640x128xf32, #tpu.memory_space<hbm>>)
            tpu.yield
          }) : () -> ()
        } else {
        }
      } else {
      }
    }
    %scan3A_4 = arith.constant 32 : i32
    return
  }
}

#map = affine_map<(d0, d1) -> (0, 0)>
#map1 = affine_map<(d0, d1) -> (0)>
#map2 = affine_map<(d0, d1) -> (0, 0, 0)>
module attributes {stable_mosaic.version = 14 : i64} {
  func.func @k(%arg0: i32, %arg1: i32, %arg2: memref<320000x128xf32, #tpu.memory_space<hbm>>, %arg3: memref<320000x128xf32, #tpu.memory_space<hbm>>, %arg4: memref<320000xi32, #tpu.memory_space<hbm>>, %arg5: memref<128x128xf32, #tpu.memory_space<hbm>>, %arg6: memref<2x10240x128xf32, #tpu.memory_space<hbm>>, %arg7: memref<128xi32, #tpu.memory_space<vmem>>, %arg8: memref<128x128xf32, #tpu.memory_space<vmem>>, %arg9: memref<10240x128xf32, #tpu.memory_space<vmem_shared>>) attributes {dimension_semantics = [#tpu.dimension_semantics<core_parallel>, #tpu.dimension_semantics<subcore_parallel>], iteration_bounds = array<i64: 2, 16>, scalar_prefetch = 0 : i64, scratch_operands = 3 : i64, tpu.core_type = #tpu.core_type<sc_vector_subcore>, window_params = [{transform_indices = #map}, {transform_indices = #map}, {transform_indices = #map1}, {transform_indices = #map}, {transform_indices = #map2}]} {
    %mul3A = arith.constant 640 : i32
    %mul3A_0 = arith.muli %arg1, %mul3A : i32
    "tpu.region"() ({
      %run_scoped3A = tpu.sem_alloc : memref<!tpu.dma_semaphore, #tpu.memory_space<semaphore_mem>>
      tpu.enqueue_dma source(%arg5 : memref<128x128xf32, #tpu.memory_space<hbm>>) target(%arg8 : memref<128x128xf32, #tpu.memory_space<vmem>>) target_semaphore(%run_scoped3A : memref<!tpu.dma_semaphore, #tpu.memory_space<semaphore_mem>>)
      tpu.wait_dma2 semaphore(%run_scoped3A : memref<!tpu.dma_semaphore, #tpu.memory_space<semaphore_mem>>) src(%arg5 : memref<128x128xf32, #tpu.memory_space<hbm>>) dst(%arg8 : memref<128x128xf32, #tpu.memory_space<vmem>>)
      tpu.yield
    }) : () -> ()
    %add3A = arith.constant 0 : i32
    %add3A_1 = arith.addi %mul3A_0, %add3A : i32
    "tpu.region"() ({
      %run_scoped3A = tpu.sem_alloc : memref<!tpu.dma_semaphore, #tpu.memory_space<semaphore_mem>>
      %dma_start3A = arith.constant 0 : i32
      %dma_start3A_26 = tpu.memref_slice %arg9[%add3A_1, %dma_start3A] : memref<10240x128xf32, #tpu.memory_space<vmem_shared>> -> memref<128x128xf32, #tpu.memory_space<vmem_shared>>
      %dma_start3A_27 = arith.constant 0 : i32
      %dma_start3A_28 = tpu.memref_slice %arg9[%add3A_1, %dma_start3A_27] : memref<10240x128xf32, #tpu.memory_space<vmem_shared>> -> memref<128x128xf32, #tpu.memory_space<vmem_shared>>
      tpu.enqueue_dma source(%arg8 : memref<128x128xf32, #tpu.memory_space<vmem>>) target(%dma_start3A_28 : memref<128x128xf32, #tpu.memory_space<vmem_shared>>) target_semaphore(%run_scoped3A : memref<!tpu.dma_semaphore, #tpu.memory_space<semaphore_mem>>)
      %dma_wait3A = arith.constant 0 : i32
      %dma_wait3A_29 = tpu.memref_slice %arg9[%add3A_1, %dma_wait3A] : memref<10240x128xf32, #tpu.memory_space<vmem_shared>> -> memref<128x128xf32, #tpu.memory_space<vmem_shared>>
      %dma_wait3A_30 = arith.constant 0 : i32
      %dma_wait3A_31 = tpu.memref_slice %arg9[%add3A_1, %dma_wait3A_30] : memref<10240x128xf32, #tpu.memory_space<vmem_shared>> -> memref<128x128xf32, #tpu.memory_space<vmem_shared>>
      tpu.wait_dma2 semaphore(%run_scoped3A : memref<!tpu.dma_semaphore, #tpu.memory_space<semaphore_mem>>) src(%arg8 : memref<128x128xf32, #tpu.memory_space<vmem>>) dst(%dma_wait3A_31 : memref<128x128xf32, #tpu.memory_space<vmem_shared>>)
      tpu.yield
    }) : () -> ()
    %add3A_2 = arith.constant 128 : i32
    %add3A_3 = arith.addi %mul3A_0, %add3A_2 : i32
    "tpu.region"() ({
      %run_scoped3A = tpu.sem_alloc : memref<!tpu.dma_semaphore, #tpu.memory_space<semaphore_mem>>
      %dma_start3A = arith.constant 0 : i32
      %dma_start3A_26 = tpu.memref_slice %arg9[%add3A_3, %dma_start3A] : memref<10240x128xf32, #tpu.memory_space<vmem_shared>> -> memref<128x128xf32, #tpu.memory_space<vmem_shared>>
      %dma_start3A_27 = arith.constant 0 : i32
      %dma_start3A_28 = tpu.memref_slice %arg9[%add3A_3, %dma_start3A_27] : memref<10240x128xf32, #tpu.memory_space<vmem_shared>> -> memref<128x128xf32, #tpu.memory_space<vmem_shared>>
      tpu.enqueue_dma source(%arg8 : memref<128x128xf32, #tpu.memory_space<vmem>>) target(%dma_start3A_28 : memref<128x128xf32, #tpu.memory_space<vmem_shared>>) target_semaphore(%run_scoped3A : memref<!tpu.dma_semaphore, #tpu.memory_space<semaphore_mem>>)
      %dma_wait3A = arith.constant 0 : i32
      %dma_wait3A_29 = tpu.memref_slice %arg9[%add3A_3, %dma_wait3A] : memref<10240x128xf32, #tpu.memory_space<vmem_shared>> -> memref<128x128xf32, #tpu.memory_space<vmem_shared>>
      %dma_wait3A_30 = arith.constant 0 : i32
      %dma_wait3A_31 = tpu.memref_slice %arg9[%add3A_3, %dma_wait3A_30] : memref<10240x128xf32, #tpu.memory_space<vmem_shared>> -> memref<128x128xf32, #tpu.memory_space<vmem_shared>>
      tpu.wait_dma2 semaphore(%run_scoped3A : memref<!tpu.dma_semaphore, #tpu.memory_space<semaphore_mem>>) src(%arg8 : memref<128x128xf32, #tpu.memory_space<vmem>>) dst(%dma_wait3A_31 : memref<128x128xf32, #tpu.memory_space<vmem_shared>>)
      tpu.yield
    }) : () -> ()
    %add3A_4 = arith.constant 256 : i32
    %add3A_5 = arith.addi %mul3A_0, %add3A_4 : i32
    "tpu.region"() ({
      %run_scoped3A = tpu.sem_alloc : memref<!tpu.dma_semaphore, #tpu.memory_space<semaphore_mem>>
      %dma_start3A = arith.constant 0 : i32
      %dma_start3A_26 = tpu.memref_slice %arg9[%add3A_5, %dma_start3A] : memref<10240x128xf32, #tpu.memory_space<vmem_shared>> -> memref<128x128xf32, #tpu.memory_space<vmem_shared>>
      %dma_start3A_27 = arith.constant 0 : i32
      %dma_start3A_28 = tpu.memref_slice %arg9[%add3A_5, %dma_start3A_27] : memref<10240x128xf32, #tpu.memory_space<vmem_shared>> -> memref<128x128xf32, #tpu.memory_space<vmem_shared>>
      tpu.enqueue_dma source(%arg8 : memref<128x128xf32, #tpu.memory_space<vmem>>) target(%dma_start3A_28 : memref<128x128xf32, #tpu.memory_space<vmem_shared>>) target_semaphore(%run_scoped3A : memref<!tpu.dma_semaphore, #tpu.memory_space<semaphore_mem>>)
      %dma_wait3A = arith.constant 0 : i32
      %dma_wait3A_29 = tpu.memref_slice %arg9[%add3A_5, %dma_wait3A] : memref<10240x128xf32, #tpu.memory_space<vmem_shared>> -> memref<128x128xf32, #tpu.memory_space<vmem_shared>>
      %dma_wait3A_30 = arith.constant 0 : i32
      %dma_wait3A_31 = tpu.memref_slice %arg9[%add3A_5, %dma_wait3A_30] : memref<10240x128xf32, #tpu.memory_space<vmem_shared>> -> memref<128x128xf32, #tpu.memory_space<vmem_shared>>
      tpu.wait_dma2 semaphore(%run_scoped3A : memref<!tpu.dma_semaphore, #tpu.memory_space<semaphore_mem>>) src(%arg8 : memref<128x128xf32, #tpu.memory_space<vmem>>) dst(%dma_wait3A_31 : memref<128x128xf32, #tpu.memory_space<vmem_shared>>)
      tpu.yield
    }) : () -> ()
    %add3A_6 = arith.constant 384 : i32
    %add3A_7 = arith.addi %mul3A_0, %add3A_6 : i32
    "tpu.region"() ({
      %run_scoped3A = tpu.sem_alloc : memref<!tpu.dma_semaphore, #tpu.memory_space<semaphore_mem>>
      %dma_start3A = arith.constant 0 : i32
      %dma_start3A_26 = tpu.memref_slice %arg9[%add3A_7, %dma_start3A] : memref<10240x128xf32, #tpu.memory_space<vmem_shared>> -> memref<128x128xf32, #tpu.memory_space<vmem_shared>>
      %dma_start3A_27 = arith.constant 0 : i32
      %dma_start3A_28 = tpu.memref_slice %arg9[%add3A_7, %dma_start3A_27] : memref<10240x128xf32, #tpu.memory_space<vmem_shared>> -> memref<128x128xf32, #tpu.memory_space<vmem_shared>>
      tpu.enqueue_dma source(%arg8 : memref<128x128xf32, #tpu.memory_space<vmem>>) target(%dma_start3A_28 : memref<128x128xf32, #tpu.memory_space<vmem_shared>>) target_semaphore(%run_scoped3A : memref<!tpu.dma_semaphore, #tpu.memory_space<semaphore_mem>>)
      %dma_wait3A = arith.constant 0 : i32
      %dma_wait3A_29 = tpu.memref_slice %arg9[%add3A_7, %dma_wait3A] : memref<10240x128xf32, #tpu.memory_space<vmem_shared>> -> memref<128x128xf32, #tpu.memory_space<vmem_shared>>
      %dma_wait3A_30 = arith.constant 0 : i32
      %dma_wait3A_31 = tpu.memref_slice %arg9[%add3A_7, %dma_wait3A_30] : memref<10240x128xf32, #tpu.memory_space<vmem_shared>> -> memref<128x128xf32, #tpu.memory_space<vmem_shared>>
      tpu.wait_dma2 semaphore(%run_scoped3A : memref<!tpu.dma_semaphore, #tpu.memory_space<semaphore_mem>>) src(%arg8 : memref<128x128xf32, #tpu.memory_space<vmem>>) dst(%dma_wait3A_31 : memref<128x128xf32, #tpu.memory_space<vmem_shared>>)
      tpu.yield
    }) : () -> ()
    %add3A_8 = arith.constant 512 : i32
    %add3A_9 = arith.addi %mul3A_0, %add3A_8 : i32
    "tpu.region"() ({
      %run_scoped3A = tpu.sem_alloc : memref<!tpu.dma_semaphore, #tpu.memory_space<semaphore_mem>>
      %dma_start3A = arith.constant 0 : i32
      %dma_start3A_26 = tpu.memref_slice %arg9[%add3A_9, %dma_start3A] : memref<10240x128xf32, #tpu.memory_space<vmem_shared>> -> memref<128x128xf32, #tpu.memory_space<vmem_shared>>
      %dma_start3A_27 = arith.constant 0 : i32
      %dma_start3A_28 = tpu.memref_slice %arg9[%add3A_9, %dma_start3A_27] : memref<10240x128xf32, #tpu.memory_space<vmem_shared>> -> memref<128x128xf32, #tpu.memory_space<vmem_shared>>
      tpu.enqueue_dma source(%arg8 : memref<128x128xf32, #tpu.memory_space<vmem>>) target(%dma_start3A_28 : memref<128x128xf32, #tpu.memory_space<vmem_shared>>) target_semaphore(%run_scoped3A : memref<!tpu.dma_semaphore, #tpu.memory_space<semaphore_mem>>)
      %dma_wait3A = arith.constant 0 : i32
      %dma_wait3A_29 = tpu.memref_slice %arg9[%add3A_9, %dma_wait3A] : memref<10240x128xf32, #tpu.memory_space<vmem_shared>> -> memref<128x128xf32, #tpu.memory_space<vmem_shared>>
      %dma_wait3A_30 = arith.constant 0 : i32
      %dma_wait3A_31 = tpu.memref_slice %arg9[%add3A_9, %dma_wait3A_30] : memref<10240x128xf32, #tpu.memory_space<vmem_shared>> -> memref<128x128xf32, #tpu.memory_space<vmem_shared>>
      tpu.wait_dma2 semaphore(%run_scoped3A : memref<!tpu.dma_semaphore, #tpu.memory_space<semaphore_mem>>) src(%arg8 : memref<128x128xf32, #tpu.memory_space<vmem>>) dst(%dma_wait3A_31 : memref<128x128xf32, #tpu.memory_space<vmem_shared>>)
      tpu.yield
    }) : () -> ()
    %barrier3A = arith.constant 0 : index
    tpu.barrier barrier_id(%barrier3A)
    %scan3A = arith.constant 0 : i32
    %scan3A_10 = arith.constant 0 : i32
    %scan3A_11 = arith.constant 157 : i32
    %scan3A_12 = arith.addi %scan3A_10, %scan3A_11 : i32
    %scan3A_13 = arith.constant 1 : i32
    scf.for %scan3A_26 = %scan3A_10 to %scan3A_12 step %scan3A_13  : i32 {
      %mul3A_27 = arith.constant 16 : i32
      %mul3A_28 = arith.muli %scan3A_26, %mul3A_27 : i32
      %add3A_29 = arith.addi %mul3A_28, %arg1 : i32
      %lt3A = arith.constant 2500 : i32
      %lt3A_30 = arith.cmpi slt, %add3A_29, %lt3A : i32
      %convert_element_type3A = arith.extui %lt3A_30 : i1 to i32
      %cond3A = arith.constant 0 : i32
      %cond3A_31 = arith.cmpi ne, %convert_element_type3A, %cond3A : i32
      scf.if %cond3A_31 {
        %mul3A_32 = arith.constant 128 : i32
        %mul3A_33 = arith.muli %add3A_29, %mul3A_32 : i32
        "tpu.region"() ({
          %run_scoped3A = tpu.sem_alloc : memref<!tpu.dma_semaphore, #tpu.memory_space<semaphore_mem>>
          %dma_start3A = tpu.memref_slice %arg4[%mul3A_33] : memref<320000xi32, #tpu.memory_space<hbm>> -> memref<128xi32, #tpu.memory_space<hbm>>
          %dma_start3A_43 = tpu.memref_slice %arg4[%mul3A_33] : memref<320000xi32, #tpu.memory_space<hbm>> -> memref<128xi32, #tpu.memory_space<hbm>>
          tpu.enqueue_dma source(%dma_start3A_43 : memref<128xi32, #tpu.memory_space<hbm>>) target(%arg7 : memref<128xi32, #tpu.memory_space<vmem>>) target_semaphore(%run_scoped3A : memref<!tpu.dma_semaphore, #tpu.memory_space<semaphore_mem>>)
          %dma_wait3A = tpu.memref_slice %arg4[%mul3A_33] : memref<320000xi32, #tpu.memory_space<hbm>> -> memref<128xi32, #tpu.memory_space<hbm>>
          %dma_wait3A_44 = tpu.memref_slice %arg4[%mul3A_33] : memref<320000xi32, #tpu.memory_space<hbm>> -> memref<128xi32, #tpu.memory_space<hbm>>
          tpu.wait_dma2 semaphore(%run_scoped3A : memref<!tpu.dma_semaphore, #tpu.memory_space<semaphore_mem>>) src(%dma_wait3A_44 : memref<128xi32, #tpu.memory_space<hbm>>) dst(%arg7 : memref<128xi32, #tpu.memory_space<vmem>>)
          tpu.yield
        }) : () -> ()
        %eq3A = arith.constant 0 : i32
        %eq3A_34 = arith.cmpi eq, %arg0, %eq3A : i32
        %convert_element_type3A_35 = arith.extui %eq3A_34 : i1 to i32
        %cond3A_36 = arith.constant 0 : i32
        %cond3A_37 = arith.cmpi ne, %convert_element_type3A_35, %cond3A_36 : i32
        scf.if %cond3A_37 {
          "tpu.region"() ({
            %run_scoped3A = tpu.sem_alloc : memref<!tpu.dma_semaphore, #tpu.memory_space<semaphore_mem>>
            %dma_start3A = arith.constant 0 : i32
            %dma_start3A_43 = tpu.memref_slice %arg2[%mul3A_33, %dma_start3A] : memref<320000x128xf32, #tpu.memory_space<hbm>> -> memref<128x128xf32, #tpu.memory_space<hbm>>
            %dma_start3A_44 = arith.constant 0 : i32
            %dma_start3A_45 = tpu.memref_slice %arg2[%mul3A_33, %dma_start3A_44] : memref<320000x128xf32, #tpu.memory_space<hbm>> -> memref<128x128xf32, #tpu.memory_space<hbm>>
            tpu.enqueue_dma source(%dma_start3A_45 : memref<128x128xf32, #tpu.memory_space<hbm>>) target(%arg8 : memref<128x128xf32, #tpu.memory_space<vmem>>) target_semaphore(%run_scoped3A : memref<!tpu.dma_semaphore, #tpu.memory_space<semaphore_mem>>)
            %dma_wait3A = arith.constant 0 : i32
            %dma_wait3A_46 = tpu.memref_slice %arg2[%mul3A_33, %dma_wait3A] : memref<320000x128xf32, #tpu.memory_space<hbm>> -> memref<128x128xf32, #tpu.memory_space<hbm>>
            %dma_wait3A_47 = arith.constant 0 : i32
            %dma_wait3A_48 = tpu.memref_slice %arg2[%mul3A_33, %dma_wait3A_47] : memref<320000x128xf32, #tpu.memory_space<hbm>> -> memref<128x128xf32, #tpu.memory_space<hbm>>
            tpu.wait_dma2 semaphore(%run_scoped3A : memref<!tpu.dma_semaphore, #tpu.memory_space<semaphore_mem>>) src(%dma_wait3A_48 : memref<128x128xf32, #tpu.memory_space<hbm>>) dst(%arg8 : memref<128x128xf32, #tpu.memory_space<vmem>>)
            tpu.yield
          }) : () -> ()
        } else {
        }
        %eq3A_38 = arith.constant 1 : i32
        %eq3A_39 = arith.cmpi eq, %arg0, %eq3A_38 : i32
        %convert_element_type3A_40 = arith.extui %eq3A_39 : i1 to i32
        %cond3A_41 = arith.constant 0 : i32
        %cond3A_42 = arith.cmpi ne, %convert_element_type3A_40, %cond3A_41 : i32
        scf.if %cond3A_42 {
          "tpu.region"() ({
            %run_scoped3A = tpu.sem_alloc : memref<!tpu.dma_semaphore, #tpu.memory_space<semaphore_mem>>
            %dma_start3A = arith.constant 0 : i32
            %dma_start3A_43 = tpu.memref_slice %arg3[%mul3A_33, %dma_start3A] : memref<320000x128xf32, #tpu.memory_space<hbm>> -> memref<128x128xf32, #tpu.memory_space<hbm>>
            %dma_start3A_44 = arith.constant 0 : i32
            %dma_start3A_45 = tpu.memref_slice %arg3[%mul3A_33, %dma_start3A_44] : memref<320000x128xf32, #tpu.memory_space<hbm>> -> memref<128x128xf32, #tpu.memory_space<hbm>>
            tpu.enqueue_dma source(%dma_start3A_45 : memref<128x128xf32, #tpu.memory_space<hbm>>) target(%arg8 : memref<128x128xf32, #tpu.memory_space<vmem>>) target_semaphore(%run_scoped3A : memref<!tpu.dma_semaphore, #tpu.memory_space<semaphore_mem>>)
            %dma_wait3A = arith.constant 0 : i32
            %dma_wait3A_46 = tpu.memref_slice %arg3[%mul3A_33, %dma_wait3A] : memref<320000x128xf32, #tpu.memory_space<hbm>> -> memref<128x128xf32, #tpu.memory_space<hbm>>
            %dma_wait3A_47 = arith.constant 0 : i32
            %dma_wait3A_48 = tpu.memref_slice %arg3[%mul3A_33, %dma_wait3A_47] : memref<320000x128xf32, #tpu.memory_space<hbm>> -> memref<128x128xf32, #tpu.memory_space<hbm>>
            tpu.wait_dma2 semaphore(%run_scoped3A : memref<!tpu.dma_semaphore, #tpu.memory_space<semaphore_mem>>) src(%dma_wait3A_48 : memref<128x128xf32, #tpu.memory_space<hbm>>) dst(%arg8 : memref<128x128xf32, #tpu.memory_space<vmem>>)
            tpu.yield
          }) : () -> ()
        } else {
        }
        "tpu.region"() ({
          %run_scoped3A = tpu.sem_alloc : memref<!tpu.dma_semaphore, #tpu.memory_space<semaphore_mem>>
          %dma_start3A = arith.constant 0 : i32
          %dma_start3A_43 = arith.constant 0 : i32
          %dma_start3A_44 = tpu.memref_slice %arg9[%dma_start3A, %dma_start3A_43] : memref<10240x128xf32, #tpu.memory_space<vmem_shared>> -> memref<10240x128xf32, #tpu.memory_space<vmem_shared>>
          tpu.enqueue_indirect_dma source(%arg8 : memref<128x128xf32, #tpu.memory_space<vmem>>) target(%dma_start3A_44 : memref<10240x128xf32, #tpu.memory_space<vmem_shared>>) offsets(%arg7 : memref<128xi32, #tpu.memory_space<vmem>>) semaphore(%run_scoped3A : memref<!tpu.dma_semaphore, #tpu.memory_space<semaphore_mem>>) {add = true}
          %dma_wait3A = arith.constant 0 : i32
          %dma_wait3A_45 = arith.constant 0 : i32
          %dma_wait3A_46 = tpu.memref_slice %arg9[%dma_wait3A, %dma_wait3A_45] : memref<10240x128xf32, #tpu.memory_space<vmem_shared>> -> memref<10240x128xf32, #tpu.memory_space<vmem_shared>>
          tpu.wait_indirect_dma semaphore(%run_scoped3A : memref<!tpu.dma_semaphore, #tpu.memory_space<semaphore_mem>>) src(%arg8 : memref<128x128xf32, #tpu.memory_space<vmem>>) dst(%dma_wait3A_46 : memref<10240x128xf32, #tpu.memory_space<vmem_shared>>)
          tpu.yield
        }) : () -> ()
      } else {
      }
    }
    %scan3A_14 = arith.constant 157 : i32
    %barrier3A_15 = arith.constant 0 : index
    tpu.barrier barrier_id(%barrier3A_15)
    %add3A_16 = arith.constant 0 : i32
    %add3A_17 = arith.addi %mul3A_0, %add3A_16 : i32
    "tpu.region"() ({
      %run_scoped3A = tpu.sem_alloc : memref<!tpu.dma_semaphore, #tpu.memory_space<semaphore_mem>>
      %dma_start3A = arith.constant 0 : i32
      %dma_start3A_26 = tpu.memref_slice %arg9[%add3A_17, %dma_start3A] : memref<10240x128xf32, #tpu.memory_space<vmem_shared>> -> memref<128x128xf32, #tpu.memory_space<vmem_shared>>
      %dma_start3A_27 = arith.constant 0 : i32
      %dma_start3A_28 = tpu.memref_slice %arg9[%add3A_17, %dma_start3A_27] : memref<10240x128xf32, #tpu.memory_space<vmem_shared>> -> memref<128x128xf32, #tpu.memory_space<vmem_shared>>
      tpu.enqueue_dma source(%dma_start3A_28 : memref<128x128xf32, #tpu.memory_space<vmem_shared>>) target(%arg8 : memref<128x128xf32, #tpu.memory_space<vmem>>) target_semaphore(%run_scoped3A : memref<!tpu.dma_semaphore, #tpu.memory_space<semaphore_mem>>)
      %dma_wait3A = arith.constant 0 : i32
      %dma_wait3A_29 = tpu.memref_slice %arg9[%add3A_17, %dma_wait3A] : memref<10240x128xf32, #tpu.memory_space<vmem_shared>> -> memref<128x128xf32, #tpu.memory_space<vmem_shared>>
      %dma_wait3A_30 = arith.constant 0 : i32
      %dma_wait3A_31 = tpu.memref_slice %arg9[%add3A_17, %dma_wait3A_30] : memref<10240x128xf32, #tpu.memory_space<vmem_shared>> -> memref<128x128xf32, #tpu.memory_space<vmem_shared>>
      tpu.wait_dma2 semaphore(%run_scoped3A : memref<!tpu.dma_semaphore, #tpu.memory_space<semaphore_mem>>) src(%dma_wait3A_31 : memref<128x128xf32, #tpu.memory_space<vmem_shared>>) dst(%arg8 : memref<128x128xf32, #tpu.memory_space<vmem>>)
      tpu.yield
    }) : () -> ()
    "tpu.region"() ({
      %run_scoped3A = tpu.sem_alloc : memref<!tpu.dma_semaphore, #tpu.memory_space<semaphore_mem>>
      %dma_start3A = arith.constant 0 : i32
      %dma_start3A_26 = tpu.memref_slice %arg6[%arg0, %add3A_17, %dma_start3A] : memref<2x10240x128xf32, #tpu.memory_space<hbm>> -> memref<1x128x128xf32, #tpu.memory_space<hbm>>
      %dma_start3A_27 = tpu.memref_squeeze %dma_start3A_26 : memref<1x128x128xf32, #tpu.memory_space<hbm>> -> memref<128x128xf32, #tpu.memory_space<hbm>>
      %dma_start3A_28 = arith.constant 0 : i32
      %dma_start3A_29 = tpu.memref_slice %arg6[%arg0, %add3A_17, %dma_start3A_28] : memref<2x10240x128xf32, #tpu.memory_space<hbm>> -> memref<1x128x128xf32, #tpu.memory_space<hbm>>
      %dma_start3A_30 = tpu.memref_squeeze %dma_start3A_29 : memref<1x128x128xf32, #tpu.memory_space<hbm>> -> memref<128x128xf32, #tpu.memory_space<hbm>>
      tpu.enqueue_dma source(%arg8 : memref<128x128xf32, #tpu.memory_space<vmem>>) target(%dma_start3A_30 : memref<128x128xf32, #tpu.memory_space<hbm>>) target_semaphore(%run_scoped3A : memref<!tpu.dma_semaphore, #tpu.memory_space<semaphore_mem>>)
      %dma_wait3A = arith.constant 0 : i32
      %dma_wait3A_31 = tpu.memref_slice %arg6[%arg0, %add3A_17, %dma_wait3A] : memref<2x10240x128xf32, #tpu.memory_space<hbm>> -> memref<1x128x128xf32, #tpu.memory_space<hbm>>
      %dma_wait3A_32 = tpu.memref_squeeze %dma_wait3A_31 : memref<1x128x128xf32, #tpu.memory_space<hbm>> -> memref<128x128xf32, #tpu.memory_space<hbm>>
      %dma_wait3A_33 = arith.constant 0 : i32
      %dma_wait3A_34 = tpu.memref_slice %arg6[%arg0, %add3A_17, %dma_wait3A_33] : memref<2x10240x128xf32, #tpu.memory_space<hbm>> -> memref<1x128x128xf32, #tpu.memory_space<hbm>>
      %dma_wait3A_35 = tpu.memref_squeeze %dma_wait3A_34 : memref<1x128x128xf32, #tpu.memory_space<hbm>> -> memref<128x128xf32, #tpu.memory_space<hbm>>
      tpu.wait_dma2 semaphore(%run_scoped3A : memref<!tpu.dma_semaphore, #tpu.memory_space<semaphore_mem>>) src(%arg8 : memref<128x128xf32, #tpu.memory_space<vmem>>) dst(%dma_wait3A_35 : memref<128x128xf32, #tpu.memory_space<hbm>>)
      tpu.yield
    }) : () -> ()
    %add3A_18 = arith.constant 128 : i32
    %add3A_19 = arith.addi %mul3A_0, %add3A_18 : i32
    "tpu.region"() ({
      %run_scoped3A = tpu.sem_alloc : memref<!tpu.dma_semaphore, #tpu.memory_space<semaphore_mem>>
      %dma_start3A = arith.constant 0 : i32
      %dma_start3A_26 = tpu.memref_slice %arg9[%add3A_19, %dma_start3A] : memref<10240x128xf32, #tpu.memory_space<vmem_shared>> -> memref<128x128xf32, #tpu.memory_space<vmem_shared>>
      %dma_start3A_27 = arith.constant 0 : i32
      %dma_start3A_28 = tpu.memref_slice %arg9[%add3A_19, %dma_start3A_27] : memref<10240x128xf32, #tpu.memory_space<vmem_shared>> -> memref<128x128xf32, #tpu.memory_space<vmem_shared>>
      tpu.enqueue_dma source(%dma_start3A_28 : memref<128x128xf32, #tpu.memory_space<vmem_shared>>) target(%arg8 : memref<128x128xf32, #tpu.memory_space<vmem>>) target_semaphore(%run_scoped3A : memref<!tpu.dma_semaphore, #tpu.memory_space<semaphore_mem>>)
      %dma_wait3A = arith.constant 0 : i32
      %dma_wait3A_29 = tpu.memref_slice %arg9[%add3A_19, %dma_wait3A] : memref<10240x128xf32, #tpu.memory_space<vmem_shared>> -> memref<128x128xf32, #tpu.memory_space<vmem_shared>>
      %dma_wait3A_30 = arith.constant 0 : i32
      %dma_wait3A_31 = tpu.memref_slice %arg9[%add3A_19, %dma_wait3A_30] : memref<10240x128xf32, #tpu.memory_space<vmem_shared>> -> memref<128x128xf32, #tpu.memory_space<vmem_shared>>
      tpu.wait_dma2 semaphore(%run_scoped3A : memref<!tpu.dma_semaphore, #tpu.memory_space<semaphore_mem>>) src(%dma_wait3A_31 : memref<128x128xf32, #tpu.memory_space<vmem_shared>>) dst(%arg8 : memref<128x128xf32, #tpu.memory_space<vmem>>)
      tpu.yield
    }) : () -> ()
    "tpu.region"() ({
      %run_scoped3A = tpu.sem_alloc : memref<!tpu.dma_semaphore, #tpu.memory_space<semaphore_mem>>
      %dma_start3A = arith.constant 0 : i32
      %dma_start3A_26 = tpu.memref_slice %arg6[%arg0, %add3A_19, %dma_start3A] : memref<2x10240x128xf32, #tpu.memory_space<hbm>> -> memref<1x128x128xf32, #tpu.memory_space<hbm>>
      %dma_start3A_27 = tpu.memref_squeeze %dma_start3A_26 : memref<1x128x128xf32, #tpu.memory_space<hbm>> -> memref<128x128xf32, #tpu.memory_space<hbm>>
      %dma_start3A_28 = arith.constant 0 : i32
      %dma_start3A_29 = tpu.memref_slice %arg6[%arg0, %add3A_19, %dma_start3A_28] : memref<2x10240x128xf32, #tpu.memory_space<hbm>> -> memref<1x128x128xf32, #tpu.memory_space<hbm>>
      %dma_start3A_30 = tpu.memref_squeeze %dma_start3A_29 : memref<1x128x128xf32, #tpu.memory_space<hbm>> -> memref<128x128xf32, #tpu.memory_space<hbm>>
      tpu.enqueue_dma source(%arg8 : memref<128x128xf32, #tpu.memory_space<vmem>>) target(%dma_start3A_30 : memref<128x128xf32, #tpu.memory_space<hbm>>) target_semaphore(%run_scoped3A : memref<!tpu.dma_semaphore, #tpu.memory_space<semaphore_mem>>)
      %dma_wait3A = arith.constant 0 : i32
      %dma_wait3A_31 = tpu.memref_slice %arg6[%arg0, %add3A_19, %dma_wait3A] : memref<2x10240x128xf32, #tpu.memory_space<hbm>> -> memref<1x128x128xf32, #tpu.memory_space<hbm>>
      %dma_wait3A_32 = tpu.memref_squeeze %dma_wait3A_31 : memref<1x128x128xf32, #tpu.memory_space<hbm>> -> memref<128x128xf32, #tpu.memory_space<hbm>>
      %dma_wait3A_33 = arith.constant 0 : i32
      %dma_wait3A_34 = tpu.memref_slice %arg6[%arg0, %add3A_19, %dma_wait3A_33] : memref<2x10240x128xf32, #tpu.memory_space<hbm>> -> memref<1x128x128xf32, #tpu.memory_space<hbm>>
      %dma_wait3A_35 = tpu.memref_squeeze %dma_wait3A_34 : memref<1x128x128xf32, #tpu.memory_space<hbm>> -> memref<128x128xf32, #tpu.memory_space<hbm>>
      tpu.wait_dma2 semaphore(%run_scoped3A : memref<!tpu.dma_semaphore, #tpu.memory_space<semaphore_mem>>) src(%arg8 : memref<128x128xf32, #tpu.memory_space<vmem>>) dst(%dma_wait3A_35 : memref<128x128xf32, #tpu.memory_space<hbm>>)
      tpu.yield
    }) : () -> ()
    %add3A_20 = arith.constant 256 : i32
    %add3A_21 = arith.addi %mul3A_0, %add3A_20 : i32
    "tpu.region"() ({
      %run_scoped3A = tpu.sem_alloc : memref<!tpu.dma_semaphore, #tpu.memory_space<semaphore_mem>>
      %dma_start3A = arith.constant 0 : i32
      %dma_start3A_26 = tpu.memref_slice %arg9[%add3A_21, %dma_start3A] : memref<10240x128xf32, #tpu.memory_space<vmem_shared>> -> memref<128x128xf32, #tpu.memory_space<vmem_shared>>
      %dma_start3A_27 = arith.constant 0 : i32
      %dma_start3A_28 = tpu.memref_slice %arg9[%add3A_21, %dma_start3A_27] : memref<10240x128xf32, #tpu.memory_space<vmem_shared>> -> memref<128x128xf32, #tpu.memory_space<vmem_shared>>
      tpu.enqueue_dma source(%dma_start3A_28 : memref<128x128xf32, #tpu.memory_space<vmem_shared>>) target(%arg8 : memref<128x128xf32, #tpu.memory_space<vmem>>) target_semaphore(%run_scoped3A : memref<!tpu.dma_semaphore, #tpu.memory_space<semaphore_mem>>)
      %dma_wait3A = arith.constant 0 : i32
      %dma_wait3A_29 = tpu.memref_slice %arg9[%add3A_21, %dma_wait3A] : memref<10240x128xf32, #tpu.memory_space<vmem_shared>> -> memref<128x128xf32, #tpu.memory_space<vmem_shared>>
      %dma_wait3A_30 = arith.constant 0 : i32
      %dma_wait3A_31 = tpu.memref_slice %arg9[%add3A_21, %dma_wait3A_30] : memref<10240x128xf32, #tpu.memory_space<vmem_shared>> -> memref<128x128xf32, #tpu.memory_space<vmem_shared>>
      tpu.wait_dma2 semaphore(%run_scoped3A : memref<!tpu.dma_semaphore, #tpu.memory_space<semaphore_mem>>) src(%dma_wait3A_31 : memref<128x128xf32, #tpu.memory_space<vmem_shared>>) dst(%arg8 : memref<128x128xf32, #tpu.memory_space<vmem>>)
      tpu.yield
    }) : () -> ()
    "tpu.region"() ({
      %run_scoped3A = tpu.sem_alloc : memref<!tpu.dma_semaphore, #tpu.memory_space<semaphore_mem>>
      %dma_start3A = arith.constant 0 : i32
      %dma_start3A_26 = tpu.memref_slice %arg6[%arg0, %add3A_21, %dma_start3A] : memref<2x10240x128xf32, #tpu.memory_space<hbm>> -> memref<1x128x128xf32, #tpu.memory_space<hbm>>
      %dma_start3A_27 = tpu.memref_squeeze %dma_start3A_26 : memref<1x128x128xf32, #tpu.memory_space<hbm>> -> memref<128x128xf32, #tpu.memory_space<hbm>>
      %dma_start3A_28 = arith.constant 0 : i32
      %dma_start3A_29 = tpu.memref_slice %arg6[%arg0, %add3A_21, %dma_start3A_28] : memref<2x10240x128xf32, #tpu.memory_space<hbm>> -> memref<1x128x128xf32, #tpu.memory_space<hbm>>
      %dma_start3A_30 = tpu.memref_squeeze %dma_start3A_29 : memref<1x128x128xf32, #tpu.memory_space<hbm>> -> memref<128x128xf32, #tpu.memory_space<hbm>>
      tpu.enqueue_dma source(%arg8 : memref<128x128xf32, #tpu.memory_space<vmem>>) target(%dma_start3A_30 : memref<128x128xf32, #tpu.memory_space<hbm>>) target_semaphore(%run_scoped3A : memref<!tpu.dma_semaphore, #tpu.memory_space<semaphore_mem>>)
      %dma_wait3A = arith.constant 0 : i32
      %dma_wait3A_31 = tpu.memref_slice %arg6[%arg0, %add3A_21, %dma_wait3A] : memref<2x10240x128xf32, #tpu.memory_space<hbm>> -> memref<1x128x128xf32, #tpu.memory_space<hbm>>
      %dma_wait3A_32 = tpu.memref_squeeze %dma_wait3A_31 : memref<1x128x128xf32, #tpu.memory_space<hbm>> -> memref<128x128xf32, #tpu.memory_space<hbm>>
      %dma_wait3A_33 = arith.constant 0 : i32
      %dma_wait3A_34 = tpu.memref_slice %arg6[%arg0, %add3A_21, %dma_wait3A_33] : memref<2x10240x128xf32, #tpu.memory_space<hbm>> -> memref<1x128x128xf32, #tpu.memory_space<hbm>>
      %dma_wait3A_35 = tpu.memref_squeeze %dma_wait3A_34 : memref<1x128x128xf32, #tpu.memory_space<hbm>> -> memref<128x128xf32, #tpu.memory_space<hbm>>
      tpu.wait_dma2 semaphore(%run_scoped3A : memref<!tpu.dma_semaphore, #tpu.memory_space<semaphore_mem>>) src(%arg8 : memref<128x128xf32, #tpu.memory_space<vmem>>) dst(%dma_wait3A_35 : memref<128x128xf32, #tpu.memory_space<hbm>>)
      tpu.yield
    }) : () -> ()
    %add3A_22 = arith.constant 384 : i32
    %add3A_23 = arith.addi %mul3A_0, %add3A_22 : i32
    "tpu.region"() ({
      %run_scoped3A = tpu.sem_alloc : memref<!tpu.dma_semaphore, #tpu.memory_space<semaphore_mem>>
      %dma_start3A = arith.constant 0 : i32
      %dma_start3A_26 = tpu.memref_slice %arg9[%add3A_23, %dma_start3A] : memref<10240x128xf32, #tpu.memory_space<vmem_shared>> -> memref<128x128xf32, #tpu.memory_space<vmem_shared>>
      %dma_start3A_27 = arith.constant 0 : i32
      %dma_start3A_28 = tpu.memref_slice %arg9[%add3A_23, %dma_start3A_27] : memref<10240x128xf32, #tpu.memory_space<vmem_shared>> -> memref<128x128xf32, #tpu.memory_space<vmem_shared>>
      tpu.enqueue_dma source(%dma_start3A_28 : memref<128x128xf32, #tpu.memory_space<vmem_shared>>) target(%arg8 : memref<128x128xf32, #tpu.memory_space<vmem>>) target_semaphore(%run_scoped3A : memref<!tpu.dma_semaphore, #tpu.memory_space<semaphore_mem>>)
      %dma_wait3A = arith.constant 0 : i32
      %dma_wait3A_29 = tpu.memref_slice %arg9[%add3A_23, %dma_wait3A] : memref<10240x128xf32, #tpu.memory_space<vmem_shared>> -> memref<128x128xf32, #tpu.memory_space<vmem_shared>>
      %dma_wait3A_30 = arith.constant 0 : i32
      %dma_wait3A_31 = tpu.memref_slice %arg9[%add3A_23, %dma_wait3A_30] : memref<10240x128xf32, #tpu.memory_space<vmem_shared>> -> memref<128x128xf32, #tpu.memory_space<vmem_shared>>
      tpu.wait_dma2 semaphore(%run_scoped3A : memref<!tpu.dma_semaphore, #tpu.memory_space<semaphore_mem>>) src(%dma_wait3A_31 : memref<128x128xf32, #tpu.memory_space<vmem_shared>>) dst(%arg8 : memref<128x128xf32, #tpu.memory_space<vmem>>)
      tpu.yield
    }) : () -> ()
    "tpu.region"() ({
      %run_scoped3A = tpu.sem_alloc : memref<!tpu.dma_semaphore, #tpu.memory_space<semaphore_mem>>
      %dma_start3A = arith.constant 0 : i32
      %dma_start3A_26 = tpu.memref_slice %arg6[%arg0, %add3A_23, %dma_start3A] : memref<2x10240x128xf32, #tpu.memory_space<hbm>> -> memref<1x128x128xf32, #tpu.memory_space<hbm>>
      %dma_start3A_27 = tpu.memref_squeeze %dma_start3A_26 : memref<1x128x128xf32, #tpu.memory_space<hbm>> -> memref<128x128xf32, #tpu.memory_space<hbm>>
      %dma_start3A_28 = arith.constant 0 : i32
      %dma_start3A_29 = tpu.memref_slice %arg6[%arg0, %add3A_23, %dma_start3A_28] : memref<2x10240x128xf32, #tpu.memory_space<hbm>> -> memref<1x128x128xf32, #tpu.memory_space<hbm>>
      %dma_start3A_30 = tpu.memref_squeeze %dma_start3A_29 : memref<1x128x128xf32, #tpu.memory_space<hbm>> -> memref<128x128xf32, #tpu.memory_space<hbm>>
      tpu.enqueue_dma source(%arg8 : memref<128x128xf32, #tpu.memory_space<vmem>>) target(%dma_start3A_30 : memref<128x128xf32, #tpu.memory_space<hbm>>) target_semaphore(%run_scoped3A : memref<!tpu.dma_semaphore, #tpu.memory_space<semaphore_mem>>)
      %dma_wait3A = arith.constant 0 : i32
      %dma_wait3A_31 = tpu.memref_slice %arg6[%arg0, %add3A_23, %dma_wait3A] : memref<2x10240x128xf32, #tpu.memory_space<hbm>> -> memref<1x128x128xf32, #tpu.memory_space<hbm>>
      %dma_wait3A_32 = tpu.memref_squeeze %dma_wait3A_31 : memref<1x128x128xf32, #tpu.memory_space<hbm>> -> memref<128x128xf32, #tpu.memory_space<hbm>>
      %dma_wait3A_33 = arith.constant 0 : i32
      %dma_wait3A_34 = tpu.memref_slice %arg6[%arg0, %add3A_23, %dma_wait3A_33] : memref<2x10240x128xf32, #tpu.memory_space<hbm>> -> memref<1x128x128xf32, #tpu.memory_space<hbm>>
      %dma_wait3A_35 = tpu.memref_squeeze %dma_wait3A_34 : memref<1x128x128xf32, #tpu.memory_space<hbm>> -> memref<128x128xf32, #tpu.memory_space<hbm>>
      tpu.wait_dma2 semaphore(%run_scoped3A : memref<!tpu.dma_semaphore, #tpu.memory_space<semaphore_mem>>) src(%arg8 : memref<128x128xf32, #tpu.memory_space<vmem>>) dst(%dma_wait3A_35 : memref<128x128xf32, #tpu.memory_space<hbm>>)
      tpu.yield
    }) : () -> ()
    %add3A_24 = arith.constant 512 : i32
    %add3A_25 = arith.addi %mul3A_0, %add3A_24 : i32
    "tpu.region"() ({
      %run_scoped3A = tpu.sem_alloc : memref<!tpu.dma_semaphore, #tpu.memory_space<semaphore_mem>>
      %dma_start3A = arith.constant 0 : i32
      %dma_start3A_26 = tpu.memref_slice %arg9[%add3A_25, %dma_start3A] : memref<10240x128xf32, #tpu.memory_space<vmem_shared>> -> memref<128x128xf32, #tpu.memory_space<vmem_shared>>
      %dma_start3A_27 = arith.constant 0 : i32
      %dma_start3A_28 = tpu.memref_slice %arg9[%add3A_25, %dma_start3A_27] : memref<10240x128xf32, #tpu.memory_space<vmem_shared>> -> memref<128x128xf32, #tpu.memory_space<vmem_shared>>
      tpu.enqueue_dma source(%dma_start3A_28 : memref<128x128xf32, #tpu.memory_space<vmem_shared>>) target(%arg8 : memref<128x128xf32, #tpu.memory_space<vmem>>) target_semaphore(%run_scoped3A : memref<!tpu.dma_semaphore, #tpu.memory_space<semaphore_mem>>)
      %dma_wait3A = arith.constant 0 : i32
      %dma_wait3A_29 = tpu.memref_slice %arg9[%add3A_25, %dma_wait3A] : memref<10240x128xf32, #tpu.memory_space<vmem_shared>> -> memref<128x128xf32, #tpu.memory_space<vmem_shared>>
      %dma_wait3A_30 = arith.constant 0 : i32
      %dma_wait3A_31 = tpu.memref_slice %arg9[%add3A_25, %dma_wait3A_30] : memref<10240x128xf32, #tpu.memory_space<vmem_shared>> -> memref<128x128xf32, #tpu.memory_space<vmem_shared>>
      tpu.wait_dma2 semaphore(%run_scoped3A : memref<!tpu.dma_semaphore, #tpu.memory_space<semaphore_mem>>) src(%dma_wait3A_31 : memref<128x128xf32, #tpu.memory_space<vmem_shared>>) dst(%arg8 : memref<128x128xf32, #tpu.memory_space<vmem>>)
      tpu.yield
    }) : () -> ()
    "tpu.region"() ({
      %run_scoped3A = tpu.sem_alloc : memref<!tpu.dma_semaphore, #tpu.memory_space<semaphore_mem>>
      %dma_start3A = arith.constant 0 : i32
      %dma_start3A_26 = tpu.memref_slice %arg6[%arg0, %add3A_25, %dma_start3A] : memref<2x10240x128xf32, #tpu.memory_space<hbm>> -> memref<1x128x128xf32, #tpu.memory_space<hbm>>
      %dma_start3A_27 = tpu.memref_squeeze %dma_start3A_26 : memref<1x128x128xf32, #tpu.memory_space<hbm>> -> memref<128x128xf32, #tpu.memory_space<hbm>>
      %dma_start3A_28 = arith.constant 0 : i32
      %dma_start3A_29 = tpu.memref_slice %arg6[%arg0, %add3A_25, %dma_start3A_28] : memref<2x10240x128xf32, #tpu.memory_space<hbm>> -> memref<1x128x128xf32, #tpu.memory_space<hbm>>
      %dma_start3A_30 = tpu.memref_squeeze %dma_start3A_29 : memref<1x128x128xf32, #tpu.memory_space<hbm>> -> memref<128x128xf32, #tpu.memory_space<hbm>>
      tpu.enqueue_dma source(%arg8 : memref<128x128xf32, #tpu.memory_space<vmem>>) target(%dma_start3A_30 : memref<128x128xf32, #tpu.memory_space<hbm>>) target_semaphore(%run_scoped3A : memref<!tpu.dma_semaphore, #tpu.memory_space<semaphore_mem>>)
      %dma_wait3A = arith.constant 0 : i32
      %dma_wait3A_31 = tpu.memref_slice %arg6[%arg0, %add3A_25, %dma_wait3A] : memref<2x10240x128xf32, #tpu.memory_space<hbm>> -> memref<1x128x128xf32, #tpu.memory_space<hbm>>
      %dma_wait3A_32 = tpu.memref_squeeze %dma_wait3A_31 : memref<1x128x128xf32, #tpu.memory_space<hbm>> -> memref<128x128xf32, #tpu.memory_space<hbm>>
      %dma_wait3A_33 = arith.constant 0 : i32
      %dma_wait3A_34 = tpu.memref_slice %arg6[%arg0, %add3A_25, %dma_wait3A_33] : memref<2x10240x128xf32, #tpu.memory_space<hbm>> -> memref<1x128x128xf32, #tpu.memory_space<hbm>>
      %dma_wait3A_35 = tpu.memref_squeeze %dma_wait3A_34 : memref<1x128x128xf32, #tpu.memory_space<hbm>> -> memref<128x128xf32, #tpu.memory_space<hbm>>
      tpu.wait_dma2 semaphore(%run_scoped3A : memref<!tpu.dma_semaphore, #tpu.memory_space<semaphore_mem>>) src(%arg8 : memref<128x128xf32, #tpu.memory_space<vmem>>) dst(%dma_wait3A_35 : memref<128x128xf32, #tpu.memory_space<hbm>>)
      tpu.yield
    }) : () -> ()
    return
  }
}

#map = affine_map<(d0, d1) -> (0, 0)>
#map1 = affine_map<(d0, d1) -> (0, 0, 0)>
module attributes {stable_mosaic.version = 14 : i64} {
  func.func @k(%arg0: i32, %arg1: i32, %arg2: memref<10240x128xf32, #tpu.memory_space<hbm>>, %arg3: memref<10240x128xf32, #tpu.memory_space<hbm>>, %arg4: memref<500x5x128xi32, #tpu.memory_space<hbm>>, %arg5: memref<500x5x128xi32, #tpu.memory_space<hbm>>, %arg6: memref<320000x128xf32, #tpu.memory_space<hbm>>, %arg7: memref<320000x128xf32, #tpu.memory_space<hbm>>, %arg8: memref<5x128xi32, #tpu.memory_space<vmem>>, %arg9: memref<640x128xf32, #tpu.memory_space<vmem>>, %arg10: memref<!tpu.dma_semaphore, #tpu.memory_space<semaphore_mem>>) attributes {dimension_semantics = [#tpu.dimension_semantics<core_parallel>, #tpu.dimension_semantics<subcore_parallel>], iteration_bounds = array<i64: 2, 16>, scalar_prefetch = 0 : i64, scratch_operands = 3 : i64, tpu.core_type = #tpu.core_type<sc_vector_subcore>, window_params = [{transform_indices = #map}, {transform_indices = #map}, {transform_indices = #map1}, {transform_indices = #map1}, {transform_indices = #map}, {transform_indices = #map}]} {
    %scan3A = arith.constant 0 : i32
    %scan3A_0 = arith.constant 0 : i32
    %scan3A_1 = arith.constant 32 : i32
    %scan3A_2 = arith.addi %scan3A_0, %scan3A_1 : i32
    %scan3A_3 = arith.constant 1 : i32
    scf.for %scan3A_5 = %scan3A_0 to %scan3A_2 step %scan3A_3  : i32 {
      %mul3A = arith.constant 16 : i32
      %mul3A_6 = arith.muli %scan3A_5, %mul3A : i32
      %add3A = arith.addi %mul3A_6, %arg1 : i32
      %lt3A = arith.constant 500 : i32
      %lt3A_7 = arith.cmpi slt, %add3A, %lt3A : i32
      %convert_element_type3A = arith.extui %lt3A_7 : i1 to i32
      %cond3A = arith.constant 0 : i32
      %cond3A_8 = arith.cmpi ne, %convert_element_type3A, %cond3A : i32
      scf.if %cond3A_8 {
        %eq3A = arith.constant 0 : i32
        %eq3A_9 = arith.cmpi eq, %arg0, %eq3A : i32
        %convert_element_type3A_10 = arith.extui %eq3A_9 : i1 to i32
        %cond3A_11 = arith.constant 0 : i32
        %cond3A_12 = arith.cmpi ne, %convert_element_type3A_10, %cond3A_11 : i32
        scf.if %cond3A_12 {
          %mul3A_18 = arith.constant 640 : i32
          %mul3A_19 = arith.muli %add3A, %mul3A_18 : i32
          "tpu.region"() ({
            %run_scoped3A = tpu.sem_alloc : memref<!tpu.dma_semaphore, #tpu.memory_space<semaphore_mem>>
            %dma_start3A_118 = arith.constant 0 : i32
            %dma_start3A_119 = arith.constant 0 : i32
            %dma_start3A_120 = tpu.memref_slice %arg4[%add3A, %dma_start3A_118, %dma_start3A_119] : memref<500x5x128xi32, #tpu.memory_space<hbm>> -> memref<1x5x128xi32, #tpu.memory_space<hbm>>
            %dma_start3A_121 = tpu.memref_squeeze %dma_start3A_120 : memref<1x5x128xi32, #tpu.memory_space<hbm>> -> memref<5x128xi32, #tpu.memory_space<hbm>>
            %dma_start3A_122 = arith.constant 0 : i32
            %dma_start3A_123 = arith.constant 0 : i32
            %dma_start3A_124 = tpu.memref_slice %arg4[%add3A, %dma_start3A_122, %dma_start3A_123] : memref<500x5x128xi32, #tpu.memory_space<hbm>> -> memref<1x5x128xi32, #tpu.memory_space<hbm>>
            %dma_start3A_125 = tpu.memref_squeeze %dma_start3A_124 : memref<1x5x128xi32, #tpu.memory_space<hbm>> -> memref<5x128xi32, #tpu.memory_space<hbm>>
            tpu.enqueue_dma source(%dma_start3A_125 : memref<5x128xi32, #tpu.memory_space<hbm>>) target(%arg8 : memref<5x128xi32, #tpu.memory_space<vmem>>) target_semaphore(%run_scoped3A : memref<!tpu.dma_semaphore, #tpu.memory_space<semaphore_mem>>)
            %dma_wait3A_126 = arith.constant 0 : i32
            %dma_wait3A_127 = arith.constant 0 : i32
            %dma_wait3A_128 = tpu.memref_slice %arg4[%add3A, %dma_wait3A_126, %dma_wait3A_127] : memref<500x5x128xi32, #tpu.memory_space<hbm>> -> memref<1x5x128xi32, #tpu.memory_space<hbm>>
            %dma_wait3A_129 = tpu.memref_squeeze %dma_wait3A_128 : memref<1x5x128xi32, #tpu.memory_space<hbm>> -> memref<5x128xi32, #tpu.memory_space<hbm>>
            %dma_wait3A_130 = arith.constant 0 : i32
            %dma_wait3A_131 = arith.constant 0 : i32
            %dma_wait3A_132 = tpu.memref_slice %arg4[%add3A, %dma_wait3A_130, %dma_wait3A_131] : memref<500x5x128xi32, #tpu.memory_space<hbm>> -> memref<1x5x128xi32, #tpu.memory_space<hbm>>
            %dma_wait3A_133 = tpu.memref_squeeze %dma_wait3A_132 : memref<1x5x128xi32, #tpu.memory_space<hbm>> -> memref<5x128xi32, #tpu.memory_space<hbm>>
            tpu.wait_dma2 semaphore(%run_scoped3A : memref<!tpu.dma_semaphore, #tpu.memory_space<semaphore_mem>>) src(%dma_wait3A_133 : memref<5x128xi32, #tpu.memory_space<hbm>>) dst(%arg8 : memref<5x128xi32, #tpu.memory_space<vmem>>)
            tpu.yield
          }) : () -> ()
          %dma_start3A = arith.constant 0 : i32
          %dma_start3A_20 = arith.constant 0 : i32
          %dma_start3A_21 = arith.constant 0 : i32
          %dma_start3A_22 = tpu.memref_slice %arg9[%dma_start3A_20, %dma_start3A_21] : memref<640x128xf32, #tpu.memory_space<vmem>> -> memref<128x128xf32, #tpu.memory_space<vmem>>
          %dma_start3A_23 = arith.constant 0 : i32
          %dma_start3A_24 = tpu.memref_slice %arg8[%dma_start3A, %dma_start3A_23] : memref<5x128xi32, #tpu.memory_space<vmem>> -> memref<1x128xi32, #tpu.memory_space<vmem>>
          %dma_start3A_25 = tpu.memref_squeeze %dma_start3A_24 : memref<1x128xi32, #tpu.memory_space<vmem>> -> memref<128xi32, #tpu.memory_space<vmem>>
          %dma_start3A_26 = arith.constant 0 : i32
          %dma_start3A_27 = arith.constant 0 : i32
          %dma_start3A_28 = tpu.memref_slice %arg2[%dma_start3A_26, %dma_start3A_27] : memref<10240x128xf32, #tpu.memory_space<hbm>> -> memref<10240x128xf32, #tpu.memory_space<hbm>>
          tpu.enqueue_indirect_dma source(%dma_start3A_28 : memref<10240x128xf32, #tpu.memory_space<hbm>>) target(%dma_start3A_22 : memref<128x128xf32, #tpu.memory_space<vmem>>) offsets(%dma_start3A_25 : memref<128xi32, #tpu.memory_space<vmem>>) semaphore(%arg10 : memref<!tpu.dma_semaphore, #tpu.memory_space<semaphore_mem>>)
          %dma_start3A_29 = arith.constant 1 : i32
          %dma_start3A_30 = arith.constant 128 : i32
          %dma_start3A_31 = arith.constant 0 : i32
          %dma_start3A_32 = tpu.memref_slice %arg9[%dma_start3A_30, %dma_start3A_31] : memref<640x128xf32, #tpu.memory_space<vmem>> -> memref<128x128xf32, #tpu.memory_space<vmem>>
          %dma_start3A_33 = arith.constant 0 : i32
          %dma_start3A_34 = tpu.memref_slice %arg8[%dma_start3A_29, %dma_start3A_33] : memref<5x128xi32, #tpu.memory_space<vmem>> -> memref<1x128xi32, #tpu.memory_space<vmem>>
          %dma_start3A_35 = tpu.memref_squeeze %dma_start3A_34 : memref<1x128xi32, #tpu.memory_space<vmem>> -> memref<128xi32, #tpu.memory_space<vmem>>
          %dma_start3A_36 = arith.constant 0 : i32
          %dma_start3A_37 = arith.constant 0 : i32
          %dma_start3A_38 = tpu.memref_slice %arg2[%dma_start3A_36, %dma_start3A_37] : memref<10240x128xf32, #tpu.memory_space<hbm>> -> memref<10240x128xf32, #tpu.memory_space<hbm>>
          tpu.enqueue_indirect_dma source(%dma_start3A_38 : memref<10240x128xf32, #tpu.memory_space<hbm>>) target(%dma_start3A_32 : memref<128x128xf32, #tpu.memory_space<vmem>>) offsets(%dma_start3A_35 : memref<128xi32, #tpu.memory_space<vmem>>) semaphore(%arg10 : memref<!tpu.dma_semaphore, #tpu.memory_space<semaphore_mem>>)
          %dma_start3A_39 = arith.constant 2 : i32
          %dma_start3A_40 = arith.constant 256 : i32
          %dma_start3A_41 = arith.constant 0 : i32
          %dma_start3A_42 = tpu.memref_slice %arg9[%dma_start3A_40, %dma_start3A_41] : memref<640x128xf32, #tpu.memory_space<vmem>> -> memref<128x128xf32, #tpu.memory_space<vmem>>
          %dma_start3A_43 = arith.constant 0 : i32
          %dma_start3A_44 = tpu.memref_slice %arg8[%dma_start3A_39, %dma_start3A_43] : memref<5x128xi32, #tpu.memory_space<vmem>> -> memref<1x128xi32, #tpu.memory_space<vmem>>
          %dma_start3A_45 = tpu.memref_squeeze %dma_start3A_44 : memref<1x128xi32, #tpu.memory_space<vmem>> -> memref<128xi32, #tpu.memory_space<vmem>>
          %dma_start3A_46 = arith.constant 0 : i32
          %dma_start3A_47 = arith.constant 0 : i32
          %dma_start3A_48 = tpu.memref_slice %arg2[%dma_start3A_46, %dma_start3A_47] : memref<10240x128xf32, #tpu.memory_space<hbm>> -> memref<10240x128xf32, #tpu.memory_space<hbm>>
          tpu.enqueue_indirect_dma source(%dma_start3A_48 : memref<10240x128xf32, #tpu.memory_space<hbm>>) target(%dma_start3A_42 : memref<128x128xf32, #tpu.memory_space<vmem>>) offsets(%dma_start3A_45 : memref<128xi32, #tpu.memory_space<vmem>>) semaphore(%arg10 : memref<!tpu.dma_semaphore, #tpu.memory_space<semaphore_mem>>)
          %dma_start3A_49 = arith.constant 3 : i32
          %dma_start3A_50 = arith.constant 384 : i32
          %dma_start3A_51 = arith.constant 0 : i32
          %dma_start3A_52 = tpu.memref_slice %arg9[%dma_start3A_50, %dma_start3A_51] : memref<640x128xf32, #tpu.memory_space<vmem>> -> memref<128x128xf32, #tpu.memory_space<vmem>>
          %dma_start3A_53 = arith.constant 0 : i32
          %dma_start3A_54 = tpu.memref_slice %arg8[%dma_start3A_49, %dma_start3A_53] : memref<5x128xi32, #tpu.memory_space<vmem>> -> memref<1x128xi32, #tpu.memory_space<vmem>>
          %dma_start3A_55 = tpu.memref_squeeze %dma_start3A_54 : memref<1x128xi32, #tpu.memory_space<vmem>> -> memref<128xi32, #tpu.memory_space<vmem>>
          %dma_start3A_56 = arith.constant 0 : i32
          %dma_start3A_57 = arith.constant 0 : i32
          %dma_start3A_58 = tpu.memref_slice %arg2[%dma_start3A_56, %dma_start3A_57] : memref<10240x128xf32, #tpu.memory_space<hbm>> -> memref<10240x128xf32, #tpu.memory_space<hbm>>
          tpu.enqueue_indirect_dma source(%dma_start3A_58 : memref<10240x128xf32, #tpu.memory_space<hbm>>) target(%dma_start3A_52 : memref<128x128xf32, #tpu.memory_space<vmem>>) offsets(%dma_start3A_55 : memref<128xi32, #tpu.memory_space<vmem>>) semaphore(%arg10 : memref<!tpu.dma_semaphore, #tpu.memory_space<semaphore_mem>>)
          %dma_start3A_59 = arith.constant 4 : i32
          %dma_start3A_60 = arith.constant 512 : i32
          %dma_start3A_61 = arith.constant 0 : i32
          %dma_start3A_62 = tpu.memref_slice %arg9[%dma_start3A_60, %dma_start3A_61] : memref<640x128xf32, #tpu.memory_space<vmem>> -> memref<128x128xf32, #tpu.memory_space<vmem>>
          %dma_start3A_63 = arith.constant 0 : i32
          %dma_start3A_64 = tpu.memref_slice %arg8[%dma_start3A_59, %dma_start3A_63] : memref<5x128xi32, #tpu.memory_space<vmem>> -> memref<1x128xi32, #tpu.memory_space<vmem>>
          %dma_start3A_65 = tpu.memref_squeeze %dma_start3A_64 : memref<1x128xi32, #tpu.memory_space<vmem>> -> memref<128xi32, #tpu.memory_space<vmem>>
          %dma_start3A_66 = arith.constant 0 : i32
          %dma_start3A_67 = arith.constant 0 : i32
          %dma_start3A_68 = tpu.memref_slice %arg2[%dma_start3A_66, %dma_start3A_67] : memref<10240x128xf32, #tpu.memory_space<hbm>> -> memref<10240x128xf32, #tpu.memory_space<hbm>>
          tpu.enqueue_indirect_dma source(%dma_start3A_68 : memref<10240x128xf32, #tpu.memory_space<hbm>>) target(%dma_start3A_62 : memref<128x128xf32, #tpu.memory_space<vmem>>) offsets(%dma_start3A_65 : memref<128xi32, #tpu.memory_space<vmem>>) semaphore(%arg10 : memref<!tpu.dma_semaphore, #tpu.memory_space<semaphore_mem>>)
          %dma_wait3A = arith.constant 0 : i32
          %dma_wait3A_69 = arith.constant 0 : i32
          %dma_wait3A_70 = arith.constant 0 : i32
          %dma_wait3A_71 = tpu.memref_slice %arg9[%dma_wait3A_69, %dma_wait3A_70] : memref<640x128xf32, #tpu.memory_space<vmem>> -> memref<128x128xf32, #tpu.memory_space<vmem>>
          %dma_wait3A_72 = arith.constant 0 : i32
          %dma_wait3A_73 = tpu.memref_slice %arg8[%dma_wait3A, %dma_wait3A_72] : memref<5x128xi32, #tpu.memory_space<vmem>> -> memref<1x128xi32, #tpu.memory_space<vmem>>
          %dma_wait3A_74 = tpu.memref_squeeze %dma_wait3A_73 : memref<1x128xi32, #tpu.memory_space<vmem>> -> memref<128xi32, #tpu.memory_space<vmem>>
          %dma_wait3A_75 = arith.constant 0 : i32
          %dma_wait3A_76 = arith.constant 0 : i32
          %dma_wait3A_77 = tpu.memref_slice %arg2[%dma_wait3A_75, %dma_wait3A_76] : memref<10240x128xf32, #tpu.memory_space<hbm>> -> memref<10240x128xf32, #tpu.memory_space<hbm>>
          tpu.wait_indirect_dma semaphore(%arg10 : memref<!tpu.dma_semaphore, #tpu.memory_space<semaphore_mem>>) src(%dma_wait3A_77 : memref<10240x128xf32, #tpu.memory_space<hbm>>) dst(%dma_wait3A_71 : memref<128x128xf32, #tpu.memory_space<vmem>>)
          %dma_wait3A_78 = arith.constant 1 : i32
          %dma_wait3A_79 = arith.constant 128 : i32
          %dma_wait3A_80 = arith.constant 0 : i32
          %dma_wait3A_81 = tpu.memref_slice %arg9[%dma_wait3A_79, %dma_wait3A_80] : memref<640x128xf32, #tpu.memory_space<vmem>> -> memref<128x128xf32, #tpu.memory_space<vmem>>
          %dma_wait3A_82 = arith.constant 0 : i32
          %dma_wait3A_83 = tpu.memref_slice %arg8[%dma_wait3A_78, %dma_wait3A_82] : memref<5x128xi32, #tpu.memory_space<vmem>> -> memref<1x128xi32, #tpu.memory_space<vmem>>
          %dma_wait3A_84 = tpu.memref_squeeze %dma_wait3A_83 : memref<1x128xi32, #tpu.memory_space<vmem>> -> memref<128xi32, #tpu.memory_space<vmem>>
          %dma_wait3A_85 = arith.constant 0 : i32
          %dma_wait3A_86 = arith.constant 0 : i32
          %dma_wait3A_87 = tpu.memref_slice %arg2[%dma_wait3A_85, %dma_wait3A_86] : memref<10240x128xf32, #tpu.memory_space<hbm>> -> memref<10240x128xf32, #tpu.memory_space<hbm>>
          tpu.wait_indirect_dma semaphore(%arg10 : memref<!tpu.dma_semaphore, #tpu.memory_space<semaphore_mem>>) src(%dma_wait3A_87 : memref<10240x128xf32, #tpu.memory_space<hbm>>) dst(%dma_wait3A_81 : memref<128x128xf32, #tpu.memory_space<vmem>>)
          %dma_wait3A_88 = arith.constant 2 : i32
          %dma_wait3A_89 = arith.constant 256 : i32
          %dma_wait3A_90 = arith.constant 0 : i32
          %dma_wait3A_91 = tpu.memref_slice %arg9[%dma_wait3A_89, %dma_wait3A_90] : memref<640x128xf32, #tpu.memory_space<vmem>> -> memref<128x128xf32, #tpu.memory_space<vmem>>
          %dma_wait3A_92 = arith.constant 0 : i32
          %dma_wait3A_93 = tpu.memref_slice %arg8[%dma_wait3A_88, %dma_wait3A_92] : memref<5x128xi32, #tpu.memory_space<vmem>> -> memref<1x128xi32, #tpu.memory_space<vmem>>
          %dma_wait3A_94 = tpu.memref_squeeze %dma_wait3A_93 : memref<1x128xi32, #tpu.memory_space<vmem>> -> memref<128xi32, #tpu.memory_space<vmem>>
          %dma_wait3A_95 = arith.constant 0 : i32
          %dma_wait3A_96 = arith.constant 0 : i32
          %dma_wait3A_97 = tpu.memref_slice %arg2[%dma_wait3A_95, %dma_wait3A_96] : memref<10240x128xf32, #tpu.memory_space<hbm>> -> memref<10240x128xf32, #tpu.memory_space<hbm>>
          tpu.wait_indirect_dma semaphore(%arg10 : memref<!tpu.dma_semaphore, #tpu.memory_space<semaphore_mem>>) src(%dma_wait3A_97 : memref<10240x128xf32, #tpu.memory_space<hbm>>) dst(%dma_wait3A_91 : memref<128x128xf32, #tpu.memory_space<vmem>>)
          %dma_wait3A_98 = arith.constant 3 : i32
          %dma_wait3A_99 = arith.constant 384 : i32
          %dma_wait3A_100 = arith.constant 0 : i32
          %dma_wait3A_101 = tpu.memref_slice %arg9[%dma_wait3A_99, %dma_wait3A_100] : memref<640x128xf32, #tpu.memory_space<vmem>> -> memref<128x128xf32, #tpu.memory_space<vmem>>
          %dma_wait3A_102 = arith.constant 0 : i32
          %dma_wait3A_103 = tpu.memref_slice %arg8[%dma_wait3A_98, %dma_wait3A_102] : memref<5x128xi32, #tpu.memory_space<vmem>> -> memref<1x128xi32, #tpu.memory_space<vmem>>
          %dma_wait3A_104 = tpu.memref_squeeze %dma_wait3A_103 : memref<1x128xi32, #tpu.memory_space<vmem>> -> memref<128xi32, #tpu.memory_space<vmem>>
          %dma_wait3A_105 = arith.constant 0 : i32
          %dma_wait3A_106 = arith.constant 0 : i32
          %dma_wait3A_107 = tpu.memref_slice %arg2[%dma_wait3A_105, %dma_wait3A_106] : memref<10240x128xf32, #tpu.memory_space<hbm>> -> memref<10240x128xf32, #tpu.memory_space<hbm>>
          tpu.wait_indirect_dma semaphore(%arg10 : memref<!tpu.dma_semaphore, #tpu.memory_space<semaphore_mem>>) src(%dma_wait3A_107 : memref<10240x128xf32, #tpu.memory_space<hbm>>) dst(%dma_wait3A_101 : memref<128x128xf32, #tpu.memory_space<vmem>>)
          %dma_wait3A_108 = arith.constant 4 : i32
          %dma_wait3A_109 = arith.constant 512 : i32
          %dma_wait3A_110 = arith.constant 0 : i32
          %dma_wait3A_111 = tpu.memref_slice %arg9[%dma_wait3A_109, %dma_wait3A_110] : memref<640x128xf32, #tpu.memory_space<vmem>> -> memref<128x128xf32, #tpu.memory_space<vmem>>
          %dma_wait3A_112 = arith.constant 0 : i32
          %dma_wait3A_113 = tpu.memref_slice %arg8[%dma_wait3A_108, %dma_wait3A_112] : memref<5x128xi32, #tpu.memory_space<vmem>> -> memref<1x128xi32, #tpu.memory_space<vmem>>
          %dma_wait3A_114 = tpu.memref_squeeze %dma_wait3A_113 : memref<1x128xi32, #tpu.memory_space<vmem>> -> memref<128xi32, #tpu.memory_space<vmem>>
          %dma_wait3A_115 = arith.constant 0 : i32
          %dma_wait3A_116 = arith.constant 0 : i32
          %dma_wait3A_117 = tpu.memref_slice %arg2[%dma_wait3A_115, %dma_wait3A_116] : memref<10240x128xf32, #tpu.memory_space<hbm>> -> memref<10240x128xf32, #tpu.memory_space<hbm>>
          tpu.wait_indirect_dma semaphore(%arg10 : memref<!tpu.dma_semaphore, #tpu.memory_space<semaphore_mem>>) src(%dma_wait3A_117 : memref<10240x128xf32, #tpu.memory_space<hbm>>) dst(%dma_wait3A_111 : memref<128x128xf32, #tpu.memory_space<vmem>>)
          "tpu.region"() ({
            %run_scoped3A = tpu.sem_alloc : memref<!tpu.dma_semaphore, #tpu.memory_space<semaphore_mem>>
            %dma_start3A_118 = arith.constant 0 : i32
            %dma_start3A_119 = tpu.memref_slice %arg6[%mul3A_19, %dma_start3A_118] : memref<320000x128xf32, #tpu.memory_space<hbm>> -> memref<640x128xf32, #tpu.memory_space<hbm>>
            %dma_start3A_120 = arith.constant 0 : i32
            %dma_start3A_121 = tpu.memref_slice %arg6[%mul3A_19, %dma_start3A_120] : memref<320000x128xf32, #tpu.memory_space<hbm>> -> memref<640x128xf32, #tpu.memory_space<hbm>>
            tpu.enqueue_dma source(%arg9 : memref<640x128xf32, #tpu.memory_space<vmem>>) target(%dma_start3A_121 : memref<640x128xf32, #tpu.memory_space<hbm>>) target_semaphore(%run_scoped3A : memref<!tpu.dma_semaphore, #tpu.memory_space<semaphore_mem>>)
            %dma_wait3A_122 = arith.constant 0 : i32
            %dma_wait3A_123 = tpu.memref_slice %arg6[%mul3A_19, %dma_wait3A_122] : memref<320000x128xf32, #tpu.memory_space<hbm>> -> memref<640x128xf32, #tpu.memory_space<hbm>>
            %dma_wait3A_124 = arith.constant 0 : i32
            %dma_wait3A_125 = tpu.memref_slice %arg6[%mul3A_19, %dma_wait3A_124] : memref<320000x128xf32, #tpu.memory_space<hbm>> -> memref<640x128xf32, #tpu.memory_space<hbm>>
            tpu.wait_dma2 semaphore(%run_scoped3A : memref<!tpu.dma_semaphore, #tpu.memory_space<semaphore_mem>>) src(%arg9 : memref<640x128xf32, #tpu.memory_space<vmem>>) dst(%dma_wait3A_125 : memref<640x128xf32, #tpu.memory_space<hbm>>)
            tpu.yield
          }) : () -> ()
        } else {
        }
        %eq3A_13 = arith.constant 1 : i32
        %eq3A_14 = arith.cmpi eq, %arg0, %eq3A_13 : i32
        %convert_element_type3A_15 = arith.extui %eq3A_14 : i1 to i32
        %cond3A_16 = arith.constant 0 : i32
        %cond3A_17 = arith.cmpi ne, %convert_element_type3A_15, %cond3A_16 : i32
        scf.if %cond3A_17 {
          %mul3A_18 = arith.constant 640 : i32
          %mul3A_19 = arith.muli %add3A, %mul3A_18 : i32
          "tpu.region"() ({
            %run_scoped3A = tpu.sem_alloc : memref<!tpu.dma_semaphore, #tpu.memory_space<semaphore_mem>>
            %dma_start3A_118 = arith.constant 0 : i32
            %dma_start3A_119 = arith.constant 0 : i32
            %dma_start3A_120 = tpu.memref_slice %arg5[%add3A, %dma_start3A_118, %dma_start3A_119] : memref<500x5x128xi32, #tpu.memory_space<hbm>> -> memref<1x5x128xi32, #tpu.memory_space<hbm>>
            %dma_start3A_121 = tpu.memref_squeeze %dma_start3A_120 : memref<1x5x128xi32, #tpu.memory_space<hbm>> -> memref<5x128xi32, #tpu.memory_space<hbm>>
            %dma_start3A_122 = arith.constant 0 : i32
            %dma_start3A_123 = arith.constant 0 : i32
            %dma_start3A_124 = tpu.memref_slice %arg5[%add3A, %dma_start3A_122, %dma_start3A_123] : memref<500x5x128xi32, #tpu.memory_space<hbm>> -> memref<1x5x128xi32, #tpu.memory_space<hbm>>
            %dma_start3A_125 = tpu.memref_squeeze %dma_start3A_124 : memref<1x5x128xi32, #tpu.memory_space<hbm>> -> memref<5x128xi32, #tpu.memory_space<hbm>>
            tpu.enqueue_dma source(%dma_start3A_125 : memref<5x128xi32, #tpu.memory_space<hbm>>) target(%arg8 : memref<5x128xi32, #tpu.memory_space<vmem>>) target_semaphore(%run_scoped3A : memref<!tpu.dma_semaphore, #tpu.memory_space<semaphore_mem>>)
            %dma_wait3A_126 = arith.constant 0 : i32
            %dma_wait3A_127 = arith.constant 0 : i32
            %dma_wait3A_128 = tpu.memref_slice %arg5[%add3A, %dma_wait3A_126, %dma_wait3A_127] : memref<500x5x128xi32, #tpu.memory_space<hbm>> -> memref<1x5x128xi32, #tpu.memory_space<hbm>>
            %dma_wait3A_129 = tpu.memref_squeeze %dma_wait3A_128 : memref<1x5x128xi32, #tpu.memory_space<hbm>> -> memref<5x128xi32, #tpu.memory_space<hbm>>
            %dma_wait3A_130 = arith.constant 0 : i32
            %dma_wait3A_131 = arith.constant 0 : i32
            %dma_wait3A_132 = tpu.memref_slice %arg5[%add3A, %dma_wait3A_130, %dma_wait3A_131] : memref<500x5x128xi32, #tpu.memory_space<hbm>> -> memref<1x5x128xi32, #tpu.memory_space<hbm>>
            %dma_wait3A_133 = tpu.memref_squeeze %dma_wait3A_132 : memref<1x5x128xi32, #tpu.memory_space<hbm>> -> memref<5x128xi32, #tpu.memory_space<hbm>>
            tpu.wait_dma2 semaphore(%run_scoped3A : memref<!tpu.dma_semaphore, #tpu.memory_space<semaphore_mem>>) src(%dma_wait3A_133 : memref<5x128xi32, #tpu.memory_space<hbm>>) dst(%arg8 : memref<5x128xi32, #tpu.memory_space<vmem>>)
            tpu.yield
          }) : () -> ()
          %dma_start3A = arith.constant 0 : i32
          %dma_start3A_20 = arith.constant 0 : i32
          %dma_start3A_21 = arith.constant 0 : i32
          %dma_start3A_22 = tpu.memref_slice %arg9[%dma_start3A_20, %dma_start3A_21] : memref<640x128xf32, #tpu.memory_space<vmem>> -> memref<128x128xf32, #tpu.memory_space<vmem>>
          %dma_start3A_23 = arith.constant 0 : i32
          %dma_start3A_24 = tpu.memref_slice %arg8[%dma_start3A, %dma_start3A_23] : memref<5x128xi32, #tpu.memory_space<vmem>> -> memref<1x128xi32, #tpu.memory_space<vmem>>
          %dma_start3A_25 = tpu.memref_squeeze %dma_start3A_24 : memref<1x128xi32, #tpu.memory_space<vmem>> -> memref<128xi32, #tpu.memory_space<vmem>>
          %dma_start3A_26 = arith.constant 0 : i32
          %dma_start3A_27 = arith.constant 0 : i32
          %dma_start3A_28 = tpu.memref_slice %arg3[%dma_start3A_26, %dma_start3A_27] : memref<10240x128xf32, #tpu.memory_space<hbm>> -> memref<10240x128xf32, #tpu.memory_space<hbm>>
          tpu.enqueue_indirect_dma source(%dma_start3A_28 : memref<10240x128xf32, #tpu.memory_space<hbm>>) target(%dma_start3A_22 : memref<128x128xf32, #tpu.memory_space<vmem>>) offsets(%dma_start3A_25 : memref<128xi32, #tpu.memory_space<vmem>>) semaphore(%arg10 : memref<!tpu.dma_semaphore, #tpu.memory_space<semaphore_mem>>)
          %dma_start3A_29 = arith.constant 1 : i32
          %dma_start3A_30 = arith.constant 128 : i32
          %dma_start3A_31 = arith.constant 0 : i32
          %dma_start3A_32 = tpu.memref_slice %arg9[%dma_start3A_30, %dma_start3A_31] : memref<640x128xf32, #tpu.memory_space<vmem>> -> memref<128x128xf32, #tpu.memory_space<vmem>>
          %dma_start3A_33 = arith.constant 0 : i32
          %dma_start3A_34 = tpu.memref_slice %arg8[%dma_start3A_29, %dma_start3A_33] : memref<5x128xi32, #tpu.memory_space<vmem>> -> memref<1x128xi32, #tpu.memory_space<vmem>>
          %dma_start3A_35 = tpu.memref_squeeze %dma_start3A_34 : memref<1x128xi32, #tpu.memory_space<vmem>> -> memref<128xi32, #tpu.memory_space<vmem>>
          %dma_start3A_36 = arith.constant 0 : i32
          %dma_start3A_37 = arith.constant 0 : i32
          %dma_start3A_38 = tpu.memref_slice %arg3[%dma_start3A_36, %dma_start3A_37] : memref<10240x128xf32, #tpu.memory_space<hbm>> -> memref<10240x128xf32, #tpu.memory_space<hbm>>
          tpu.enqueue_indirect_dma source(%dma_start3A_38 : memref<10240x128xf32, #tpu.memory_space<hbm>>) target(%dma_start3A_32 : memref<128x128xf32, #tpu.memory_space<vmem>>) offsets(%dma_start3A_35 : memref<128xi32, #tpu.memory_space<vmem>>) semaphore(%arg10 : memref<!tpu.dma_semaphore, #tpu.memory_space<semaphore_mem>>)
          %dma_start3A_39 = arith.constant 2 : i32
          %dma_start3A_40 = arith.constant 256 : i32
          %dma_start3A_41 = arith.constant 0 : i32
          %dma_start3A_42 = tpu.memref_slice %arg9[%dma_start3A_40, %dma_start3A_41] : memref<640x128xf32, #tpu.memory_space<vmem>> -> memref<128x128xf32, #tpu.memory_space<vmem>>
          %dma_start3A_43 = arith.constant 0 : i32
          %dma_start3A_44 = tpu.memref_slice %arg8[%dma_start3A_39, %dma_start3A_43] : memref<5x128xi32, #tpu.memory_space<vmem>> -> memref<1x128xi32, #tpu.memory_space<vmem>>
          %dma_start3A_45 = tpu.memref_squeeze %dma_start3A_44 : memref<1x128xi32, #tpu.memory_space<vmem>> -> memref<128xi32, #tpu.memory_space<vmem>>
          %dma_start3A_46 = arith.constant 0 : i32
          %dma_start3A_47 = arith.constant 0 : i32
          %dma_start3A_48 = tpu.memref_slice %arg3[%dma_start3A_46, %dma_start3A_47] : memref<10240x128xf32, #tpu.memory_space<hbm>> -> memref<10240x128xf32, #tpu.memory_space<hbm>>
          tpu.enqueue_indirect_dma source(%dma_start3A_48 : memref<10240x128xf32, #tpu.memory_space<hbm>>) target(%dma_start3A_42 : memref<128x128xf32, #tpu.memory_space<vmem>>) offsets(%dma_start3A_45 : memref<128xi32, #tpu.memory_space<vmem>>) semaphore(%arg10 : memref<!tpu.dma_semaphore, #tpu.memory_space<semaphore_mem>>)
          %dma_start3A_49 = arith.constant 3 : i32
          %dma_start3A_50 = arith.constant 384 : i32
          %dma_start3A_51 = arith.constant 0 : i32
          %dma_start3A_52 = tpu.memref_slice %arg9[%dma_start3A_50, %dma_start3A_51] : memref<640x128xf32, #tpu.memory_space<vmem>> -> memref<128x128xf32, #tpu.memory_space<vmem>>
          %dma_start3A_53 = arith.constant 0 : i32
          %dma_start3A_54 = tpu.memref_slice %arg8[%dma_start3A_49, %dma_start3A_53] : memref<5x128xi32, #tpu.memory_space<vmem>> -> memref<1x128xi32, #tpu.memory_space<vmem>>
          %dma_start3A_55 = tpu.memref_squeeze %dma_start3A_54 : memref<1x128xi32, #tpu.memory_space<vmem>> -> memref<128xi32, #tpu.memory_space<vmem>>
          %dma_start3A_56 = arith.constant 0 : i32
          %dma_start3A_57 = arith.constant 0 : i32
          %dma_start3A_58 = tpu.memref_slice %arg3[%dma_start3A_56, %dma_start3A_57] : memref<10240x128xf32, #tpu.memory_space<hbm>> -> memref<10240x128xf32, #tpu.memory_space<hbm>>
          tpu.enqueue_indirect_dma source(%dma_start3A_58 : memref<10240x128xf32, #tpu.memory_space<hbm>>) target(%dma_start3A_52 : memref<128x128xf32, #tpu.memory_space<vmem>>) offsets(%dma_start3A_55 : memref<128xi32, #tpu.memory_space<vmem>>) semaphore(%arg10 : memref<!tpu.dma_semaphore, #tpu.memory_space<semaphore_mem>>)
          %dma_start3A_59 = arith.constant 4 : i32
          %dma_start3A_60 = arith.constant 512 : i32
          %dma_start3A_61 = arith.constant 0 : i32
          %dma_start3A_62 = tpu.memref_slice %arg9[%dma_start3A_60, %dma_start3A_61] : memref<640x128xf32, #tpu.memory_space<vmem>> -> memref<128x128xf32, #tpu.memory_space<vmem>>
          %dma_start3A_63 = arith.constant 0 : i32
          %dma_start3A_64 = tpu.memref_slice %arg8[%dma_start3A_59, %dma_start3A_63] : memref<5x128xi32, #tpu.memory_space<vmem>> -> memref<1x128xi32, #tpu.memory_space<vmem>>
          %dma_start3A_65 = tpu.memref_squeeze %dma_start3A_64 : memref<1x128xi32, #tpu.memory_space<vmem>> -> memref<128xi32, #tpu.memory_space<vmem>>
          %dma_start3A_66 = arith.constant 0 : i32
          %dma_start3A_67 = arith.constant 0 : i32
          %dma_start3A_68 = tpu.memref_slice %arg3[%dma_start3A_66, %dma_start3A_67] : memref<10240x128xf32, #tpu.memory_space<hbm>> -> memref<10240x128xf32, #tpu.memory_space<hbm>>
          tpu.enqueue_indirect_dma source(%dma_start3A_68 : memref<10240x128xf32, #tpu.memory_space<hbm>>) target(%dma_start3A_62 : memref<128x128xf32, #tpu.memory_space<vmem>>) offsets(%dma_start3A_65 : memref<128xi32, #tpu.memory_space<vmem>>) semaphore(%arg10 : memref<!tpu.dma_semaphore, #tpu.memory_space<semaphore_mem>>)
          %dma_wait3A = arith.constant 0 : i32
          %dma_wait3A_69 = arith.constant 0 : i32
          %dma_wait3A_70 = arith.constant 0 : i32
          %dma_wait3A_71 = tpu.memref_slice %arg9[%dma_wait3A_69, %dma_wait3A_70] : memref<640x128xf32, #tpu.memory_space<vmem>> -> memref<128x128xf32, #tpu.memory_space<vmem>>
          %dma_wait3A_72 = arith.constant 0 : i32
          %dma_wait3A_73 = tpu.memref_slice %arg8[%dma_wait3A, %dma_wait3A_72] : memref<5x128xi32, #tpu.memory_space<vmem>> -> memref<1x128xi32, #tpu.memory_space<vmem>>
          %dma_wait3A_74 = tpu.memref_squeeze %dma_wait3A_73 : memref<1x128xi32, #tpu.memory_space<vmem>> -> memref<128xi32, #tpu.memory_space<vmem>>
          %dma_wait3A_75 = arith.constant 0 : i32
          %dma_wait3A_76 = arith.constant 0 : i32
          %dma_wait3A_77 = tpu.memref_slice %arg3[%dma_wait3A_75, %dma_wait3A_76] : memref<10240x128xf32, #tpu.memory_space<hbm>> -> memref<10240x128xf32, #tpu.memory_space<hbm>>
          tpu.wait_indirect_dma semaphore(%arg10 : memref<!tpu.dma_semaphore, #tpu.memory_space<semaphore_mem>>) src(%dma_wait3A_77 : memref<10240x128xf32, #tpu.memory_space<hbm>>) dst(%dma_wait3A_71 : memref<128x128xf32, #tpu.memory_space<vmem>>)
          %dma_wait3A_78 = arith.constant 1 : i32
          %dma_wait3A_79 = arith.constant 128 : i32
          %dma_wait3A_80 = arith.constant 0 : i32
          %dma_wait3A_81 = tpu.memref_slice %arg9[%dma_wait3A_79, %dma_wait3A_80] : memref<640x128xf32, #tpu.memory_space<vmem>> -> memref<128x128xf32, #tpu.memory_space<vmem>>
          %dma_wait3A_82 = arith.constant 0 : i32
          %dma_wait3A_83 = tpu.memref_slice %arg8[%dma_wait3A_78, %dma_wait3A_82] : memref<5x128xi32, #tpu.memory_space<vmem>> -> memref<1x128xi32, #tpu.memory_space<vmem>>
          %dma_wait3A_84 = tpu.memref_squeeze %dma_wait3A_83 : memref<1x128xi32, #tpu.memory_space<vmem>> -> memref<128xi32, #tpu.memory_space<vmem>>
          %dma_wait3A_85 = arith.constant 0 : i32
          %dma_wait3A_86 = arith.constant 0 : i32
          %dma_wait3A_87 = tpu.memref_slice %arg3[%dma_wait3A_85, %dma_wait3A_86] : memref<10240x128xf32, #tpu.memory_space<hbm>> -> memref<10240x128xf32, #tpu.memory_space<hbm>>
          tpu.wait_indirect_dma semaphore(%arg10 : memref<!tpu.dma_semaphore, #tpu.memory_space<semaphore_mem>>) src(%dma_wait3A_87 : memref<10240x128xf32, #tpu.memory_space<hbm>>) dst(%dma_wait3A_81 : memref<128x128xf32, #tpu.memory_space<vmem>>)
          %dma_wait3A_88 = arith.constant 2 : i32
          %dma_wait3A_89 = arith.constant 256 : i32
          %dma_wait3A_90 = arith.constant 0 : i32
          %dma_wait3A_91 = tpu.memref_slice %arg9[%dma_wait3A_89, %dma_wait3A_90] : memref<640x128xf32, #tpu.memory_space<vmem>> -> memref<128x128xf32, #tpu.memory_space<vmem>>
          %dma_wait3A_92 = arith.constant 0 : i32
          %dma_wait3A_93 = tpu.memref_slice %arg8[%dma_wait3A_88, %dma_wait3A_92] : memref<5x128xi32, #tpu.memory_space<vmem>> -> memref<1x128xi32, #tpu.memory_space<vmem>>
          %dma_wait3A_94 = tpu.memref_squeeze %dma_wait3A_93 : memref<1x128xi32, #tpu.memory_space<vmem>> -> memref<128xi32, #tpu.memory_space<vmem>>
          %dma_wait3A_95 = arith.constant 0 : i32
          %dma_wait3A_96 = arith.constant 0 : i32
          %dma_wait3A_97 = tpu.memref_slice %arg3[%dma_wait3A_95, %dma_wait3A_96] : memref<10240x128xf32, #tpu.memory_space<hbm>> -> memref<10240x128xf32, #tpu.memory_space<hbm>>
          tpu.wait_indirect_dma semaphore(%arg10 : memref<!tpu.dma_semaphore, #tpu.memory_space<semaphore_mem>>) src(%dma_wait3A_97 : memref<10240x128xf32, #tpu.memory_space<hbm>>) dst(%dma_wait3A_91 : memref<128x128xf32, #tpu.memory_space<vmem>>)
          %dma_wait3A_98 = arith.constant 3 : i32
          %dma_wait3A_99 = arith.constant 384 : i32
          %dma_wait3A_100 = arith.constant 0 : i32
          %dma_wait3A_101 = tpu.memref_slice %arg9[%dma_wait3A_99, %dma_wait3A_100] : memref<640x128xf32, #tpu.memory_space<vmem>> -> memref<128x128xf32, #tpu.memory_space<vmem>>
          %dma_wait3A_102 = arith.constant 0 : i32
          %dma_wait3A_103 = tpu.memref_slice %arg8[%dma_wait3A_98, %dma_wait3A_102] : memref<5x128xi32, #tpu.memory_space<vmem>> -> memref<1x128xi32, #tpu.memory_space<vmem>>
          %dma_wait3A_104 = tpu.memref_squeeze %dma_wait3A_103 : memref<1x128xi32, #tpu.memory_space<vmem>> -> memref<128xi32, #tpu.memory_space<vmem>>
          %dma_wait3A_105 = arith.constant 0 : i32
          %dma_wait3A_106 = arith.constant 0 : i32
          %dma_wait3A_107 = tpu.memref_slice %arg3[%dma_wait3A_105, %dma_wait3A_106] : memref<10240x128xf32, #tpu.memory_space<hbm>> -> memref<10240x128xf32, #tpu.memory_space<hbm>>
          tpu.wait_indirect_dma semaphore(%arg10 : memref<!tpu.dma_semaphore, #tpu.memory_space<semaphore_mem>>) src(%dma_wait3A_107 : memref<10240x128xf32, #tpu.memory_space<hbm>>) dst(%dma_wait3A_101 : memref<128x128xf32, #tpu.memory_space<vmem>>)
          %dma_wait3A_108 = arith.constant 4 : i32
          %dma_wait3A_109 = arith.constant 512 : i32
          %dma_wait3A_110 = arith.constant 0 : i32
          %dma_wait3A_111 = tpu.memref_slice %arg9[%dma_wait3A_109, %dma_wait3A_110] : memref<640x128xf32, #tpu.memory_space<vmem>> -> memref<128x128xf32, #tpu.memory_space<vmem>>
          %dma_wait3A_112 = arith.constant 0 : i32
          %dma_wait3A_113 = tpu.memref_slice %arg8[%dma_wait3A_108, %dma_wait3A_112] : memref<5x128xi32, #tpu.memory_space<vmem>> -> memref<1x128xi32, #tpu.memory_space<vmem>>
          %dma_wait3A_114 = tpu.memref_squeeze %dma_wait3A_113 : memref<1x128xi32, #tpu.memory_space<vmem>> -> memref<128xi32, #tpu.memory_space<vmem>>
          %dma_wait3A_115 = arith.constant 0 : i32
          %dma_wait3A_116 = arith.constant 0 : i32
          %dma_wait3A_117 = tpu.memref_slice %arg3[%dma_wait3A_115, %dma_wait3A_116] : memref<10240x128xf32, #tpu.memory_space<hbm>> -> memref<10240x128xf32, #tpu.memory_space<hbm>>
          tpu.wait_indirect_dma semaphore(%arg10 : memref<!tpu.dma_semaphore, #tpu.memory_space<semaphore_mem>>) src(%dma_wait3A_117 : memref<10240x128xf32, #tpu.memory_space<hbm>>) dst(%dma_wait3A_111 : memref<128x128xf32, #tpu.memory_space<vmem>>)
          "tpu.region"() ({
            %run_scoped3A = tpu.sem_alloc : memref<!tpu.dma_semaphore, #tpu.memory_space<semaphore_mem>>
            %dma_start3A_118 = arith.constant 0 : i32
            %dma_start3A_119 = tpu.memref_slice %arg7[%mul3A_19, %dma_start3A_118] : memref<320000x128xf32, #tpu.memory_space<hbm>> -> memref<640x128xf32, #tpu.memory_space<hbm>>
            %dma_start3A_120 = arith.constant 0 : i32
            %dma_start3A_121 = tpu.memref_slice %arg7[%mul3A_19, %dma_start3A_120] : memref<320000x128xf32, #tpu.memory_space<hbm>> -> memref<640x128xf32, #tpu.memory_space<hbm>>
            tpu.enqueue_dma source(%arg9 : memref<640x128xf32, #tpu.memory_space<vmem>>) target(%dma_start3A_121 : memref<640x128xf32, #tpu.memory_space<hbm>>) target_semaphore(%run_scoped3A : memref<!tpu.dma_semaphore, #tpu.memory_space<semaphore_mem>>)
            %dma_wait3A_122 = arith.constant 0 : i32
            %dma_wait3A_123 = tpu.memref_slice %arg7[%mul3A_19, %dma_wait3A_122] : memref<320000x128xf32, #tpu.memory_space<hbm>> -> memref<640x128xf32, #tpu.memory_space<hbm>>
            %dma_wait3A_124 = arith.constant 0 : i32
            %dma_wait3A_125 = tpu.memref_slice %arg7[%mul3A_19, %dma_wait3A_124] : memref<320000x128xf32, #tpu.memory_space<hbm>> -> memref<640x128xf32, #tpu.memory_space<hbm>>
            tpu.wait_dma2 semaphore(%run_scoped3A : memref<!tpu.dma_semaphore, #tpu.memory_space<semaphore_mem>>) src(%arg9 : memref<640x128xf32, #tpu.memory_space<vmem>>) dst(%dma_wait3A_125 : memref<640x128xf32, #tpu.memory_space<hbm>>)
            tpu.yield
          }) : () -> ()
        } else {
        }
      } else {
      }
    }
    %scan3A_4 = arith.constant 32 : i32
    return
  }
}

module attributes {stable_mosaic.version = 14 : i64} {
  func.func @_k1_body(%arg0: memref<10240x128xf32, #tpu.memory_space<vmem>>, %arg1: memref<128x128xf32, #tpu.memory_space<vmem>>, %arg2: memref<128x128xf32, #tpu.memory_space<vmem>>, %arg3: memref<10240x128xf32, #tpu.memory_space<vmem>>, %arg4: memref<10240x128xf32, #tpu.memory_space<vmem>>) attributes {dimension_semantics = [], scalar_prefetch = 0 : i64, scratch_operands = 0 : i64, tpu.core_type = #tpu.core_type<tc>} {
    %get3A = arith.constant 0 : index
    %get3A_0 = arith.constant 0 : index
    %get3A_1 = vector.load %arg0[%get3A, %get3A_0] : memref<10240x128xf32, #tpu.memory_space<vmem>>, vector<10240x128xf32>
    %get3A_2 = arith.constant 0 : index
    %get3A_3 = arith.constant 0 : index
    %get3A_4 = vector.load %arg1[%get3A_2, %get3A_3] : memref<128x128xf32, #tpu.memory_space<vmem>>, vector<128x128xf32>
    %dot_general3A = arith.constant dense<0.000000e+00> : vector<10240x128xf32>
    %dot_general3A_5 = tpu.matmul %get3A_1, %get3A_4, %dot_general3A {dimension_numbers = #tpu.dot_dimension_numbers<[1], [0], [0], [1], [0, 0, 1, 1], [], []>, precision = #tpu.contract_precision<fp32>, transpose_lhs_hint = false} : vector<10240x128xf32>, vector<128x128xf32>, vector<10240x128xf32> -> vector<10240x128xf32>
    %swap3A = arith.constant 0 : index
    %swap3A_6 = arith.constant 0 : index
    %swap3A_7 = vector.load %arg3[%swap3A, %swap3A_6] : memref<10240x128xf32, #tpu.memory_space<vmem>>, vector<10240x128xf32>
    tpu.vector_store %arg3[%swap3A, %swap3A_6], %dot_general3A_5 {strides = array<i32>} : memref<10240x128xf32, #tpu.memory_space<vmem>>, vector<10240x128xf32>,
    %get3A_8 = arith.constant 0 : index
    %get3A_9 = arith.constant 0 : index
    %get3A_10 = vector.load %arg2[%get3A_8, %get3A_9] : memref<128x128xf32, #tpu.memory_space<vmem>>, vector<128x128xf32>
    %dot_general3A_11 = arith.constant dense<0.000000e+00> : vector<10240x128xf32>
    %dot_general3A_12 = tpu.matmul %get3A_1, %get3A_10, %dot_general3A_11 {dimension_numbers = #tpu.dot_dimension_numbers<[1], [0], [0], [1], [0, 0, 1, 1], [], []>, precision = #tpu.contract_precision<fp32>, transpose_lhs_hint = false} : vector<10240x128xf32>, vector<128x128xf32>, vector<10240x128xf32> -> vector<10240x128xf32>
    %swap3A_13 = arith.constant 0 : index
    %swap3A_14 = arith.constant 0 : index
    %swap3A_15 = vector.load %arg4[%swap3A_13, %swap3A_14] : memref<10240x128xf32, #tpu.memory_space<vmem>>, vector<10240x128xf32>
    tpu.vector_store %arg4[%swap3A_13, %swap3A_14], %dot_general3A_12 {strides = array<i32>} : memref<10240x128xf32, #tpu.memory_space<vmem>>, vector<10240x128xf32>,
    return
  }
}

module attributes {stable_mosaic.version = 14 : i64} {
  func.func @_k3_body(%arg0: i32, %arg1: memref<4000x128xf32, #tpu.memory_space<vmem>>, %arg2: memref<4000x128xf32, #tpu.memory_space<vmem>>, %arg3: memref<4000x128xf32, #tpu.memory_space<vmem>>, %arg4: memref<128x128xf32, #tpu.memory_space<vmem>>, %arg5: memref<1x128xf32, #tpu.memory_space<vmem>>, %arg6: memref<128x8xf32, #tpu.memory_space<vmem>>, %arg7: memref<8x128xf32, #tpu.memory_space<vmem>>, %arg8: memref<4000x128xf32, #tpu.memory_space<vmem>>, %arg9: memref<4000x128xf32, #tpu.memory_space<vmem>>) attributes {dimension_semantics = [#tpu.dimension_semantics<arbitrary>], iteration_bounds = array<i64: 80>, scalar_prefetch = 0 : i64, scratch_operands = 0 : i64, tpu.core_type = #tpu.core_type<tc>, window_params = [{transform_indices = @transform_0, window_bounds = array<i64: 4000, 128>}, {transform_indices = @transform_1, window_bounds = array<i64: 4000, 128>}, {transform_indices = @transform_2, window_bounds = array<i64: 4000, 128>}, {pipeline_mode = #tpu.pipeline_mode<synchronous>, transform_indices = @transform_3, window_bounds = array<i64: 128, 128>}, {pipeline_mode = #tpu.pipeline_mode<synchronous>, transform_indices = @transform_4, window_bounds = array<i64: 1, 128>}, {pipeline_mode = #tpu.pipeline_mode<synchronous>, transform_indices = @transform_5, window_bounds = array<i64: 128, 8>}, {pipeline_mode = #tpu.pipeline_mode<synchronous>, transform_indices = @transform_6, window_bounds = array<i64: 8, 128>}, {transform_indices = @transform_7, window_bounds = array<i64: 4000, 128>}, {transform_indices = @transform_8, window_bounds = array<i64: 4000, 128>}]} {
    %get3A = arith.constant 0 : index
    %get3A_0 = arith.constant 0 : index
    %get3A_1 = vector.load %arg1[%get3A, %get3A_0] : memref<4000x128xf32, #tpu.memory_space<vmem>>, vector<4000x128xf32>
    %get3A_2 = arith.constant 0 : index
    %get3A_3 = arith.constant 0 : index
    %get3A_4 = vector.load %arg3[%get3A_2, %get3A_3] : memref<4000x128xf32, #tpu.memory_space<vmem>>, vector<4000x128xf32>
    %get3A_5 = arith.constant 0 : index
    %get3A_6 = arith.constant 0 : index
    %get3A_7 = vector.load %arg4[%get3A_5, %get3A_6] : memref<128x128xf32, #tpu.memory_space<vmem>>, vector<128x128xf32>
    %dot_general3A = arith.constant dense<0.000000e+00> : vector<4000x128xf32>
    %dot_general3A_8 = tpu.matmul %get3A_4, %get3A_7, %dot_general3A {dimension_numbers = #tpu.dot_dimension_numbers<[1], [0], [0], [1], [0, 0, 1, 1], [], []>, precision = #tpu.contract_precision<fp32>, transpose_lhs_hint = false} : vector<4000x128xf32>, vector<128x128xf32>, vector<4000x128xf32> -> vector<4000x128xf32>
    %get3A_9 = arith.constant 0 : index
    %get3A_10 = arith.constant 0 : index
    %get3A_11 = vector.load %arg2[%get3A_9, %get3A_10] : memref<4000x128xf32, #tpu.memory_space<vmem>>, vector<4000x128xf32>
    %add3A = arith.addf %get3A_1, %get3A_11 : vector<4000x128xf32>
    %add3A_12 = arith.addf %add3A, %dot_general3A_8 : vector<4000x128xf32>
    %ge3A = arith.constant 0.000000e+00 : f32
    %ge3A_13 = vector.broadcast %ge3A : f32 to vector<4000x128xf32>
    %ge3A_14 = arith.cmpf oge, %add3A_12, %ge3A_13 : vector<4000x128xf32>
    %mul3A = arith.constant 2.000000e-01 : f32
    %mul3A_15 = vector.broadcast %mul3A : f32 to vector<4000x128xf32>
    %mul3A_16 = arith.mulf %mul3A_15, %add3A_12 : vector<4000x128xf32>
    %select_n3A = arith.select %ge3A_14, %add3A_12, %mul3A_16 : vector<4000x128xi1>, vector<4000x128xf32>
    %get3A_17 = arith.constant 0 : index
    %get3A_18 = arith.constant 0 : index
    %get3A_19 = vector.load %arg5[%get3A_17, %get3A_18] : memref<1x128xf32, #tpu.memory_space<vmem>>, vector<1x128xf32>
    %mul3A_20 = vector.broadcast %get3A_19 : vector<1x128xf32> to vector<4000x128xf32>
    %mul3A_21 = arith.mulf %select_n3A, %mul3A_20 : vector<4000x128xf32>
    %get3A_22 = arith.constant 0 : index
    %get3A_23 = arith.constant 0 : index
    %get3A_24 = vector.load %arg6[%get3A_22, %get3A_23] : memref<128x8xf32, #tpu.memory_space<vmem>>, vector<128x8xf32>
    %dot_general3A_25 = arith.constant dense<0.000000e+00> : vector<4000x8xf32>
    %dot_general3A_26 = tpu.matmul %mul3A_21, %get3A_24, %dot_general3A_25 {dimension_numbers = #tpu.dot_dimension_numbers<[1], [0], [0], [1], [0, 0, 1, 1], [], []>, precision = #tpu.contract_precision<fp32>, transpose_lhs_hint = false} : vector<4000x128xf32>, vector<128x8xf32>, vector<4000x8xf32> -> vector<4000x8xf32>
    %exp3A = math.exp %dot_general3A_26 : vector<4000x8xf32>
    %get3A_27 = arith.constant 0 : index
    %get3A_28 = arith.constant 0 : index
    %get3A_29 = vector.load %arg7[%get3A_27, %get3A_28] : memref<8x128xf32, #tpu.memory_space<vmem>>, vector<8x128xf32>
    %dot_general3A_30 = arith.constant dense<0.000000e+00> : vector<4000x128xf32>
    %dot_general3A_31 = tpu.matmul %exp3A, %get3A_29, %dot_general3A_30 {dimension_numbers = #tpu.dot_dimension_numbers<[1], [0], [0], [1], [0, 0, 1, 1], [], []>, precision = #tpu.contract_precision<fp32>, transpose_lhs_hint = false} : vector<4000x8xf32>, vector<8x128xf32>, vector<4000x128xf32> -> vector<4000x128xf32>
    %swap3A = arith.constant 0 : index
    %swap3A_32 = arith.constant 0 : index
    %swap3A_33 = vector.load %arg9[%swap3A, %swap3A_32] : memref<4000x128xf32, #tpu.memory_space<vmem>>, vector<4000x128xf32>
    tpu.vector_store %arg9[%swap3A, %swap3A_32], %dot_general3A_31 {strides = array<i32>} : memref<4000x128xf32, #tpu.memory_space<vmem>>, vector<4000x128xf32>,
    %mul3A_34 = arith.mulf %get3A_1, %dot_general3A_31 : vector<4000x128xf32>
    %swap3A_35 = arith.constant 0 : index
    %swap3A_36 = arith.constant 0 : index
    %swap3A_37 = vector.load %arg8[%swap3A_35, %swap3A_36] : memref<4000x128xf32, #tpu.memory_space<vmem>>, vector<4000x128xf32>
    tpu.vector_store %arg8[%swap3A_35, %swap3A_36], %mul3A_34 {strides = array<i32>} : memref<4000x128xf32, #tpu.memory_space<vmem>>, vector<4000x128xf32>,
    return
  }
  func.func @transform_0(%arg0: i32) -> (i32, i32) {
    %c0_i32 = arith.constant 0 : i32
    %c0_i32_0 = arith.constant 0 : i32
    return %arg0, %c0_i32 : i32, i32
  }
  func.func @transform_1(%arg0: i32) -> (i32, i32) {
    %c0_i32 = arith.constant 0 : i32
    %c0_i32_0 = arith.constant 0 : i32
    return %arg0, %c0_i32 : i32, i32
  }
  func.func @transform_2(%arg0: i32) -> (i32, i32) {
    %c0_i32 = arith.constant 0 : i32
    %c0_i32_0 = arith.constant 0 : i32
    return %arg0, %c0_i32 : i32, i32
  }
  func.func @transform_3(%arg0: i32) -> (i32, i32) {
    %c0_i32 = arith.constant 0 : i32
    %c0_i32_0 = arith.constant 0 : i32
    %c0_i32_1 = arith.constant 0 : i32
    return %c0_i32, %c0_i32_0 : i32, i32
  }
  func.func @transform_4(%arg0: i32) -> (i32, i32) {
    %c0_i32 = arith.constant 0 : i32
    %c0_i32_0 = arith.constant 0 : i32
    %c0_i32_1 = arith.constant 0 : i32
    return %c0_i32, %c0_i32_0 : i32, i32
  }
  func.func @transform_5(%arg0: i32) -> (i32, i32) {
    %c0_i32 = arith.constant 0 : i32
    %c0_i32_0 = arith.constant 0 : i32
    %c0_i32_1 = arith.constant 0 : i32
    return %c0_i32, %c0_i32_0 : i32, i32
  }
  func.func @transform_6(%arg0: i32) -> (i32, i32) {
    %c0_i32 = arith.constant 0 : i32
    %c0_i32_0 = arith.constant 0 : i32
    %c0_i32_1 = arith.constant 0 : i32
    return %c0_i32, %c0_i32_0 : i32, i32
  }
  func.func @transform_7(%arg0: i32) -> (i32, i32) {
    %c0_i32 = arith.constant 0 : i32
    %c0_i32_0 = arith.constant 0 : i32
    return %arg0, %c0_i32 : i32, i32
  }
  func.func @transform_8(%arg0: i32) -> (i32, i32) {
    %c0_i32 = arith.constant 0 : i32
    %c0_i32_0 = arith.constant 0 : i32
    return %arg0, %c0_i32 : i32, i32
  }
}

module attributes {stable_mosaic.version = 14 : i64} {
  func.func @_k5_body(%arg0: i32, %arg1: memref<2x2048x128xf32, #tpu.memory_space<vmem>>, %arg2: memref<1x128xf32, #tpu.memory_space<vmem>>, %arg3: memref<2048x128xf32, #tpu.memory_space<vmem>>) attributes {dimension_semantics = [#tpu.dimension_semantics<arbitrary>], iteration_bounds = array<i64: 5>, scalar_prefetch = 0 : i64, scratch_operands = 0 : i64, tpu.core_type = #tpu.core_type<tc>, window_params = [{transform_indices = @transform_0, window_bounds = array<i64: 2, 2048, 128>}, {pipeline_mode = #tpu.pipeline_mode<synchronous>, transform_indices = @transform_1, window_bounds = array<i64: 1, 128>}, {transform_indices = @transform_2, window_bounds = array<i64: 2048, 128>}]} {
    %get3A = arith.constant 0 : index
    %get3A_0 = arith.constant 0 : index
    %get3A_1 = arith.constant 0 : index
    %get3A_2 = vector.load %arg1[%get3A, %get3A_0, %get3A_1] : memref<2x2048x128xf32, #tpu.memory_space<vmem>>, vector<1x2048x128xf32>
    %get3A_3 = vector.shape_cast %get3A_2 : vector<1x2048x128xf32> to vector<2048x128xf32>
    %get3A_4 = arith.constant 1 : index
    %get3A_5 = arith.constant 0 : index
    %get3A_6 = arith.constant 0 : index
    %get3A_7 = vector.load %arg1[%get3A_4, %get3A_5, %get3A_6] : memref<2x2048x128xf32, #tpu.memory_space<vmem>>, vector<1x2048x128xf32>
    %get3A_8 = vector.shape_cast %get3A_7 : vector<1x2048x128xf32> to vector<2048x128xf32>
    %add3A = arith.constant 1.000000e-16 : f32
    %add3A_9 = vector.broadcast %add3A : f32 to vector<2048x128xf32>
    %add3A_10 = arith.addf %get3A_8, %add3A_9 : vector<2048x128xf32>
    %div3A = arith.divf %get3A_3, %add3A_10 : vector<2048x128xf32>
    %get3A_11 = arith.constant 0 : index
    %get3A_12 = arith.constant 0 : index
    %get3A_13 = vector.load %arg2[%get3A_11, %get3A_12] : memref<1x128xf32, #tpu.memory_space<vmem>>, vector<1x128xf32>
    %add3A_14 = vector.broadcast %get3A_13 : vector<1x128xf32> to vector<2048x128xf32>
    %add3A_15 = arith.addf %div3A, %add3A_14 : vector<2048x128xf32>
    %swap3A = arith.constant 0 : index
    %swap3A_16 = arith.constant 0 : index
    %swap3A_17 = vector.load %arg3[%swap3A, %swap3A_16] : memref<2048x128xf32, #tpu.memory_space<vmem>>, vector<2048x128xf32>
    tpu.vector_store %arg3[%swap3A, %swap3A_16], %add3A_15 {strides = array<i32>} : memref<2048x128xf32, #tpu.memory_space<vmem>>, vector<2048x128xf32>,
    return
  }
  func.func @transform_0(%arg0: i32) -> (i32, i32, i32) {
    %c0_i32 = arith.constant 0 : i32
    %c0_i32_0 = arith.constant 0 : i32
    %c0_i32_1 = arith.constant 0 : i32
    return %c0_i32, %arg0, %c0_i32_0 : i32, i32, i32
  }
  func.func @transform_1(%arg0: i32) -> (i32, i32) {
    %c0_i32 = arith.constant 0 : i32
    %c0_i32_0 = arith.constant 0 : i32
    %c0_i32_1 = arith.constant 0 : i32
    return %c0_i32, %c0_i32_0 : i32, i32
  }
  func.func @transform_2(%arg0: i32) -> (i32, i32) {
    %c0_i32 = arith.constant 0 : i32
    %c0_i32_0 = arith.constant 0 : i32
    return %arg0, %c0_i32 : i32, i32
  }
}

module attributes {stable_mosaic.version = 14 : i64} {
  func.func @_k7_body(%arg0: i32, %arg1: memref<4000x128xf32, #tpu.memory_space<vmem>>, %arg2: memref<4000x128xf32, #tpu.memory_space<vmem>>, %arg3: memref<4000x128xf32, #tpu.memory_space<vmem>>, %arg4: memref<1x128xf32, #tpu.memory_space<vmem>>, %arg5: memref<1x128xf32, #tpu.memory_space<vmem>>, %arg6: memref<1x128xf32, #tpu.memory_space<vmem>>, %arg7: memref<1x128xf32, #tpu.memory_space<vmem>>, %arg8: memref<128x128xf32, #tpu.memory_space<vmem>>, %arg9: memref<128x128xf32, #tpu.memory_space<vmem>>, %arg10: memref<1x128xf32, #tpu.memory_space<vmem>>, %arg11: memref<4000x128xf32, #tpu.memory_space<vmem>>) attributes {dimension_semantics = [#tpu.dimension_semantics<arbitrary>], iteration_bounds = array<i64: 80>, scalar_prefetch = 0 : i64, scratch_operands = 0 : i64, tpu.core_type = #tpu.core_type<tc>, window_params = [{transform_indices = @transform_0, window_bounds = array<i64: 4000, 128>}, {transform_indices = @transform_1, window_bounds = array<i64: 4000, 128>}, {transform_indices = @transform_2, window_bounds = array<i64: 4000, 128>}, {pipeline_mode = #tpu.pipeline_mode<synchronous>, transform_indices = @transform_3, window_bounds = array<i64: 1, 128>}, {pipeline_mode = #tpu.pipeline_mode<synchronous>, transform_indices = @transform_4, window_bounds = array<i64: 1, 128>}, {pipeline_mode = #tpu.pipeline_mode<synchronous>, transform_indices = @transform_5, window_bounds = array<i64: 1, 128>}, {pipeline_mode = #tpu.pipeline_mode<synchronous>, transform_indices = @transform_6, window_bounds = array<i64: 1, 128>}, {pipeline_mode = #tpu.pipeline_mode<synchronous>, transform_indices = @transform_7, window_bounds = array<i64: 128, 128>}, {pipeline_mode = #tpu.pipeline_mode<synchronous>, transform_indices = @transform_8, window_bounds = array<i64: 128, 128>}, {pipeline_mode = #tpu.pipeline_mode<synchronous>, transform_indices = @transform_9, window_bounds = array<i64: 1, 128>}, {transform_indices = @transform_10, window_bounds = array<i64: 4000, 128>}]} {
    %get3A = arith.constant 0 : index
    %get3A_0 = arith.constant 0 : index
    %get3A_1 = vector.load %arg1[%get3A, %get3A_0] : memref<4000x128xf32, #tpu.memory_space<vmem>>, vector<4000x128xf32>
    %get3A_2 = arith.constant 0 : index
    %get3A_3 = arith.constant 0 : index
    %get3A_4 = vector.load %arg2[%get3A_2, %get3A_3] : memref<4000x128xf32, #tpu.memory_space<vmem>>, vector<4000x128xf32>
    %reduce_sum3A = arith.constant dense<0.000000e+00> : vector<4000xf32>
    %reduce_sum3A_5 = vector.multi_reduction <add>, %get3A_1, %reduce_sum3A [1] : vector<4000x128xf32> to vector<4000xf32>
    %broadcast_in_dim3A = vector.shape_cast %reduce_sum3A_5 : vector<4000xf32> to vector<4000x1xf32>
    %reduce_sum3A_6 = arith.constant dense<0.000000e+00> : vector<4000xf32>
    %reduce_sum3A_7 = vector.multi_reduction <add>, %get3A_4, %reduce_sum3A_6 [1] : vector<4000x128xf32> to vector<4000xf32>
    %broadcast_in_dim3A_8 = vector.shape_cast %reduce_sum3A_7 : vector<4000xf32> to vector<4000x1xf32>
    %add3A = arith.addf %broadcast_in_dim3A, %broadcast_in_dim3A_8 : vector<4000x1xf32>
    %mul3A = arith.constant 3.906250e-03 : f32
    %mul3A_9 = vector.broadcast %mul3A : f32 to vector<4000x1xf32>
    %mul3A_10 = arith.mulf %add3A, %mul3A_9 : vector<4000x1xf32>
    %mul3A_11 = arith.mulf %get3A_1, %get3A_1 : vector<4000x128xf32>
    %reduce_sum3A_12 = arith.constant dense<0.000000e+00> : vector<4000xf32>
    %reduce_sum3A_13 = vector.multi_reduction <add>, %mul3A_11, %reduce_sum3A_12 [1] : vector<4000x128xf32> to vector<4000xf32>
    %broadcast_in_dim3A_14 = vector.shape_cast %reduce_sum3A_13 : vector<4000xf32> to vector<4000x1xf32>
    %mul3A_15 = arith.mulf %get3A_4, %get3A_4 : vector<4000x128xf32>
    %reduce_sum3A_16 = arith.constant dense<0.000000e+00> : vector<4000xf32>
    %reduce_sum3A_17 = vector.multi_reduction <add>, %mul3A_15, %reduce_sum3A_16 [1] : vector<4000x128xf32> to vector<4000xf32>
    %broadcast_in_dim3A_18 = vector.shape_cast %reduce_sum3A_17 : vector<4000xf32> to vector<4000x1xf32>
    %add3A_19 = arith.addf %broadcast_in_dim3A_14, %broadcast_in_dim3A_18 : vector<4000x1xf32>
    %mul3A_20 = arith.constant 3.906250e-03 : f32
    %mul3A_21 = vector.broadcast %mul3A_20 : f32 to vector<4000x1xf32>
    %mul3A_22 = arith.mulf %add3A_19, %mul3A_21 : vector<4000x1xf32>
    %mul3A_23 = arith.mulf %mul3A_10, %mul3A_10 : vector<4000x1xf32>
    %sub3A = arith.subf %mul3A_22, %mul3A_23 : vector<4000x1xf32>
    %add3A_24 = arith.constant 9.99999974E-6 : f32
    %add3A_25 = vector.broadcast %add3A_24 : f32 to vector<4000x1xf32>
    %add3A_26 = arith.addf %sub3A, %add3A_25 : vector<4000x1xf32>
    %sqrt3A = math.sqrt %add3A_26 : vector<4000x1xf32>
    %div3A = arith.constant 1.000000e+00 : f32
    %div3A_27 = vector.broadcast %div3A : f32 to vector<4000x1xf32>
    %div3A_28 = arith.divf %div3A_27, %sqrt3A : vector<4000x1xf32>
    %sub3A_29 = vector.broadcast %mul3A_10 : vector<4000x1xf32> to vector<4000x128xf32>
    %sub3A_30 = arith.subf %get3A_1, %sub3A_29 : vector<4000x128xf32>
    %mul3A_31 = vector.broadcast %div3A_28 : vector<4000x1xf32> to vector<4000x128xf32>
    %mul3A_32 = arith.mulf %sub3A_30, %mul3A_31 : vector<4000x128xf32>
    %get3A_33 = arith.constant 0 : index
    %get3A_34 = arith.constant 0 : index
    %get3A_35 = vector.load %arg4[%get3A_33, %get3A_34] : memref<1x128xf32, #tpu.memory_space<vmem>>, vector<1x128xf32>
    %mul3A_36 = vector.broadcast %get3A_35 : vector<1x128xf32> to vector<4000x128xf32>
    %mul3A_37 = arith.mulf %mul3A_32, %mul3A_36 : vector<4000x128xf32>
    %get3A_38 = arith.constant 0 : index
    %get3A_39 = arith.constant 0 : index
    %get3A_40 = vector.load %arg6[%get3A_38, %get3A_39] : memref<1x128xf32, #tpu.memory_space<vmem>>, vector<1x128xf32>
    %add3A_41 = vector.broadcast %get3A_40 : vector<1x128xf32> to vector<4000x128xf32>
    %add3A_42 = arith.addf %mul3A_37, %add3A_41 : vector<4000x128xf32>
    %max3A = arith.constant 0.000000e+00 : f32
    %max3A_43 = vector.broadcast %max3A : f32 to vector<4000x128xf32>
    %max3A_44 = arith.maximumf %add3A_42, %max3A_43 : vector<4000x128xf32>
    %sub3A_45 = vector.broadcast %mul3A_10 : vector<4000x1xf32> to vector<4000x128xf32>
    %sub3A_46 = arith.subf %get3A_4, %sub3A_45 : vector<4000x128xf32>
    %mul3A_47 = vector.broadcast %div3A_28 : vector<4000x1xf32> to vector<4000x128xf32>
    %mul3A_48 = arith.mulf %sub3A_46, %mul3A_47 : vector<4000x128xf32>
    %get3A_49 = arith.constant 0 : index
    %get3A_50 = arith.constant 0 : index
    %get3A_51 = vector.load %arg5[%get3A_49, %get3A_50] : memref<1x128xf32, #tpu.memory_space<vmem>>, vector<1x128xf32>
    %mul3A_52 = vector.broadcast %get3A_51 : vector<1x128xf32> to vector<4000x128xf32>
    %mul3A_53 = arith.mulf %mul3A_48, %mul3A_52 : vector<4000x128xf32>
    %get3A_54 = arith.constant 0 : index
    %get3A_55 = arith.constant 0 : index
    %get3A_56 = vector.load %arg7[%get3A_54, %get3A_55] : memref<1x128xf32, #tpu.memory_space<vmem>>, vector<1x128xf32>
    %add3A_57 = vector.broadcast %get3A_56 : vector<1x128xf32> to vector<4000x128xf32>
    %add3A_58 = arith.addf %mul3A_53, %add3A_57 : vector<4000x128xf32>
    %max3A_59 = arith.constant 0.000000e+00 : f32
    %max3A_60 = vector.broadcast %max3A_59 : f32 to vector<4000x128xf32>
    %max3A_61 = arith.maximumf %add3A_58, %max3A_60 : vector<4000x128xf32>
    %get3A_62 = arith.constant 0 : index
    %get3A_63 = arith.constant 0 : index
    %get3A_64 = vector.load %arg3[%get3A_62, %get3A_63] : memref<4000x128xf32, #tpu.memory_space<vmem>>, vector<4000x128xf32>
    %get3A_65 = arith.constant 0 : index
    %get3A_66 = arith.constant 0 : index
    %get3A_67 = vector.load %arg10[%get3A_65, %get3A_66] : memref<1x128xf32, #tpu.memory_space<vmem>>, vector<1x128xf32>
    %add3A_68 = vector.broadcast %get3A_67 : vector<1x128xf32> to vector<4000x128xf32>
    %add3A_69 = arith.addf %get3A_64, %add3A_68 : vector<4000x128xf32>
    %get3A_70 = arith.constant 0 : index
    %get3A_71 = arith.constant 0 : index
    %get3A_72 = vector.load %arg8[%get3A_70, %get3A_71] : memref<128x128xf32, #tpu.memory_space<vmem>>, vector<128x128xf32>
    %dot_general3A = arith.constant dense<0.000000e+00> : vector<4000x128xf32>
    %dot_general3A_73 = tpu.matmul %max3A_44, %get3A_72, %dot_general3A {dimension_numbers = #tpu.dot_dimension_numbers<[1], [0], [0], [1], [0, 0, 1, 1], [], []>, precision = #tpu.contract_precision<fp32>, transpose_lhs_hint = false} : vector<4000x128xf32>, vector<128x128xf32>, vector<4000x128xf32> -> vector<4000x128xf32>
    %add3A_74 = arith.addf %add3A_69, %dot_general3A_73 : vector<4000x128xf32>
    %get3A_75 = arith.constant 0 : index
    %get3A_76 = arith.constant 0 : index
    %get3A_77 = vector.load %arg9[%get3A_75, %get3A_76] : memref<128x128xf32, #tpu.memory_space<vmem>>, vector<128x128xf32>
    %dot_general3A_78 = arith.constant dense<0.000000e+00> : vector<4000x128xf32>
    %dot_general3A_79 = tpu.matmul %max3A_61, %get3A_77, %dot_general3A_78 {dimension_numbers = #tpu.dot_dimension_numbers<[1], [0], [0], [1], [0, 0, 1, 1], [], []>, precision = #tpu.contract_precision<fp32>, transpose_lhs_hint = false} : vector<4000x128xf32>, vector<128x128xf32>, vector<4000x128xf32> -> vector<4000x128xf32>
    %add3A_80 = arith.addf %add3A_74, %dot_general3A_79 : vector<4000x128xf32>
    %swap3A = arith.constant 0 : index
    %swap3A_81 = arith.constant 0 : index
    %swap3A_82 = vector.load %arg11[%swap3A, %swap3A_81] : memref<4000x128xf32, #tpu.memory_space<vmem>>, vector<4000x128xf32>
    tpu.vector_store %arg11[%swap3A, %swap3A_81], %add3A_80 {strides = array<i32>} : memref<4000x128xf32, #tpu.memory_space<vmem>>, vector<4000x128xf32>,
    return
  }
  func.func @transform_0(%arg0: i32) -> (i32, i32) {
    %c0_i32 = arith.constant 0 : i32
    %c0_i32_0 = arith.constant 0 : i32
    return %arg0, %c0_i32 : i32, i32
  }
  func.func @transform_1(%arg0: i32) -> (i32, i32) {
    %c0_i32 = arith.constant 0 : i32
    %c0_i32_0 = arith.constant 0 : i32
    return %arg0, %c0_i32 : i32, i32
  }
  func.func @transform_2(%arg0: i32) -> (i32, i32) {
    %c0_i32 = arith.constant 0 : i32
    %c0_i32_0 = arith.constant 0 : i32
    return %arg0, %c0_i32 : i32, i32
  }
  func.func @transform_3(%arg0: i32) -> (i32, i32) {
    %c0_i32 = arith.constant 0 : i32
    %c0_i32_0 = arith.constant 0 : i32
    %c0_i32_1 = arith.constant 0 : i32
    return %c0_i32, %c0_i32_0 : i32, i32
  }
  func.func @transform_4(%arg0: i32) -> (i32, i32) {
    %c0_i32 = arith.constant 0 : i32
    %c0_i32_0 = arith.constant 0 : i32
    %c0_i32_1 = arith.constant 0 : i32
    return %c0_i32, %c0_i32_0 : i32, i32
  }
  func.func @transform_5(%arg0: i32) -> (i32, i32) {
    %c0_i32 = arith.constant 0 : i32
    %c0_i32_0 = arith.constant 0 : i32
    %c0_i32_1 = arith.constant 0 : i32
    return %c0_i32, %c0_i32_0 : i32, i32
  }
  func.func @transform_6(%arg0: i32) -> (i32, i32) {
    %c0_i32 = arith.constant 0 : i32
    %c0_i32_0 = arith.constant 0 : i32
    %c0_i32_1 = arith.constant 0 : i32
    return %c0_i32, %c0_i32_0 : i32, i32
  }
  func.func @transform_7(%arg0: i32) -> (i32, i32) {
    %c0_i32 = arith.constant 0 : i32
    %c0_i32_0 = arith.constant 0 : i32
    %c0_i32_1 = arith.constant 0 : i32
    return %c0_i32, %c0_i32_0 : i32, i32
  }
  func.func @transform_8(%arg0: i32) -> (i32, i32) {
    %c0_i32 = arith.constant 0 : i32
    %c0_i32_0 = arith.constant 0 : i32
    %c0_i32_1 = arith.constant 0 : i32
    return %c0_i32, %c0_i32_0 : i32, i32
  }
  func.func @transform_9(%arg0: i32) -> (i32, i32) {
    %c0_i32 = arith.constant 0 : i32
    %c0_i32_0 = arith.constant 0 : i32
    %c0_i32_1 = arith.constant 0 : i32
    return %c0_i32, %c0_i32_0 : i32, i32
  }
  func.func @transform_10(%arg0: i32) -> (i32, i32) {
    %c0_i32 = arith.constant 0 : i32
    %c0_i32_0 = arith.constant 0 : i32
    return %arg0, %c0_i32 : i32, i32
  }
}

</mosaic_0001>

<sc_bundles>
// kernel: kernel.12.cloned.1.call-start
scs
__scs_entry_jumppad:
0x0: {  	(pc) =	sbr.rel $0x88, $3  }
0x1: {  	(tag) =	ssettag $0x0;
	lr =	simm.s32 $0x1  }
0x2: {  	[smem:$0x3F95] =	sst lr;
	_ =	strace $0xD0000000  }
0x3: {  	_ = 	snop  }
0x4: {  	_ = 	snop  }
0x5: {  	_ = 	snop  }
0x6: {  	_ = 	snop  }
0x7: {  	_ = 	snop  }
__scs_overlays_trampoline_lowered:
0x8: {  	[smem:$0x3FA4] =	sst s0  }
0x9: {  	[smem:$0x3FA5] =	sst s1  }
0xa: {  	[smem:$0x3FA6] =	sst s2  }
0xb: {  	[smem:$0x3FA7] =	sst s3  }
0xc: {  	[smem:$0x3FA8] =	sst s4  }
0xd: {  	[smem:$0x3FA9] =	sst s5  }
0xe: {  	[smem:$0x3FAA] =	sst s6  }
0xf: {  	[smem:$0x3FAB] =	sst s7  }
0x10: {  	[smem:$0x3FAC] =	sst s8  }
0x11: {  	[smem:$0x3FAD] =	sst s9;
	s0 =	simm.s32 @!p0 $0x0  }
0x12: {  	s1 =	sld [smem:$0x3F93];
	s0 =	simm.s32 @p0 $0x1  }
0x13: {  	[smem:$0x3FAE] =	sst s0;
	s0 =	simm.s32 @!p1 $0x0  }
0x14: {  	s2 =	sld [smem:$0x3F92];
	s0 =	simm.s32 @p1 $0x1  }
0x15: {  	[smem:$0x3FAF] =	sst s0;
	s0 =	simm.s32 @!p2 $0x0  }
0x16: {  	s3 =	sld [smem:$0x3FDB];
	s0 =	simm.s32 @p2 $0x1  }
0x17: {  	s4 =	simm.s32 $0x1BF5;
	[smem:$0x3FB1] =	sst s0  }
0x18: {  	s0 =	sld [smem:$0x3F94];
	_ =	swait.ge [sflag:s4], $0x0  }
0x19: {  	s7 =	sld [smem:$0x3F95]  }
0x1a: {  	s8 =	sadd.s32 $0xFFFFE003, lr  }
0x1b: {  	s9 =	sadd.s32 $0xFFFFFEF7, lr;
	s5 =	simm.s32 $0xFFFFFFFF;
	p2 =	slt.u32 s8, $0xFFFFF086  }
0x1c: {  	p1 =	slt.u32 s9, $0xF7A;
	s5 =	simm.s32 @!p2 $0x0  }
0x1d: {  	s5 =	simm.s32 @p1 $0x1;
	p0 =	seq.s32 s7, s2  }
0x1e: {  	s7 =	smul.u32 @!p0 $0xF7A, s2;
	p2 =	seq.s32 @!p0 s5, $0x0  }
0x1f: {  	s9 =	smul.u32 $0xF7A, s1;
	s8 =	simm.s32 @!p0 $0x1BF5;
	p2 =	por !p2, p0  }
0x20: {  	[sflag:s8] =	ssyncset.s32 @!p0 $0xFFFFF086;
	s6 =	sadd.s32 @!p0 s3, s7;
	s7 =	simm.s32 @!p0 $0x108  }
0x21: {  	s3 =	sadd.s32 s3, s9;
	s6 =	sadd.s32 @!p0 $0x88, s6;
	s7 =	simm.s32 @p2 $0x1082  }
0x22: {  	[simem:s7], [sflag:s8] =	dma.local @!p0 [hbm:s6], $0xF7A  }
0x23: {  	s9 =	sor.u32 $0xD0000000, s2;
	s6 =	simm.s32 $0x108;
	_ =	swait.ge @!p0 [sflag:s8], $0x0  }
0x24: {  	s3 =	sadd.s32 $0x88, s3;
	s6 =	simm.s32 @!p1 $0x1082;
	[sflag:s4] =	ssyncset.s32 $0xFFFFF086  }
0x25: {  	[simem:s6], [sflag:s4] =	dma.local [hbm:s3], $0xF7A  }
0x26: {  	[smem:$0x3F95] =	sst s1;
	(tag) =	ssettag s2;
	_ =	strace s9  }
0x27: {  	s1 =	sld [smem:$0x3FA5]  }
0x28: {  	s2 =	sld [smem:$0x3FA6]  }
0x29: {  	s4 =	sld [smem:$0x3FA8]  }
0x2a: {  	p0 =	seq.s32 s5, $0x0;
	s5 =	sld [smem:$0x3FA9]  }
0x2b: {  	s6 =	sld [smem:$0x3FAA]  }
0x2c: {  	s7 =	sld [smem:$0x3FAB]  }
0x2d: {  	s3 =	simm.s32 $0x108;
	s8 =	sld [smem:$0x3FAC]  }
0x2e: {  	s3 =	simm.s32 @!p0 $0x1082;
	s9 =	sld [smem:$0x3FAD]  }
0x2f: {  	lr =	sadd.s32 s0, s3;
	s0 =	sld [smem:$0x3FA4]  }
0x30: {  	s3 =	sld [smem:$0x3FA7]  }
0x31: {  	[smem:$0x3FB0] =	sst s10  }
0x32: {  	s10 =	sld [smem:$0x3FAE];
	_ =	sdelay $0x3  }
0x33: {  	p0 =	seq.s32 s10, $0x1;
	s10 =	sld [smem:$0x3FB0];
	_ =	sdelay $0x3  }
0x34: {  	[smem:$0x3FB0] =	sst s10  }
0x35: {  	s10 =	sld [smem:$0x3FAF];
	_ =	sdelay $0x3  }
0x36: {  	p1 =	seq.s32 s10, $0x1;
	s10 =	sld [smem:$0x3FB0];
	_ =	sdelay $0x3  }
0x37: {  	[smem:$0x3FB0] =	sst s10  }
0x38: {  	s10 =	sld [smem:$0x3FB1]  }
0x39: {  	_ = 	snop;
	(pc) =	sbr.ind lr, $3  }
0x3a: {  	_ = 	snop  }
0x3b: {  	_ = 	snop  }
0x3c: {  	p2 =	seq.s32 s10, $0x1;
	s10 =	sld [smem:$0x3FB0]  }
0x3d: {  	_ =	shalt  }
0x3e: {  	_ =	shalt  }
0x3f: {  	_ =	shalt  }
0x40: {  	_ =	shalt  }
0x41: {  	_ =	shalt  }
0x42: {  	_ =	shalt  }
0x43: {  	_ =	shalt  }
0x44: {  	_ =	shalt  }
0x45: {  	_ =	shalt  }
0x46: {  	_ =	shalt  }
0x47: {  	_ =	shalt  }
0x48: {  	_ =	shalt  }
0x49: {  	_ =	shalt  }
0x4a: {  	_ =	shalt  }
0x4b: {  	_ =	shalt  }
0x4c: {  	_ =	shalt  }
0x4d: {  	_ =	shalt  }
0x4e: {  	_ =	shalt  }
0x4f: {  	_ =	shalt  }
0x50: {  	_ =	shalt  }
0x51: {  	_ =	shalt  }
0x52: {  	_ =	shalt  }
0x53: {  	_ =	shalt  }
0x54: {  	_ =	shalt  }
0x55: {  	_ =	shalt  }
0x56: {  	_ =	shalt  }
0x57: {  	_ =	shalt  }
0x58: {  	_ =	shalt  }
0x59: {  	_ =	shalt  }
0x5a: {  	_ =	shalt  }
0x5b: {  	_ =	shalt  }
0x5c: {  	_ =	shalt  }
0x5d: {  	_ =	shalt  }
0x5e: {  	_ =	shalt  }
0x5f: {  	_ =	shalt  }
0x60: {  	_ =	shalt  }
0x61: {  	_ =	shalt  }
0x62: {  	_ =	shalt  }
0x63: {  	_ =	shalt  }
0x64: {  	_ =	shalt  }
0x65: {  	_ =	shalt  }
0x66: {  	_ =	shalt  }
0x67: {  	_ =	shalt  }
0x68: {  	_ =	shalt  }
0x69: {  	_ =	shalt  }
0x6a: {  	_ =	shalt  }
0x6b: {  	_ =	shalt  }
0x6c: {  	_ =	shalt  }
0x6d: {  	_ =	shalt  }
0x6e: {  	_ =	shalt  }
0x6f: {  	_ =	shalt  }
0x70: {  	_ =	shalt  }
0x71: {  	_ =	shalt  }
0x72: {  	_ =	shalt  }
0x73: {  	_ =	shalt  }
0x74: {  	_ =	shalt  }
0x75: {  	_ =	shalt  }
0x76: {  	_ =	shalt  }
0x77: {  	_ =	shalt  }
0x78: {  	_ =	shalt  }
0x79: {  	_ =	shalt  }
0x7a: {  	_ =	shalt  }
0x7b: {  	_ =	shalt  }
0x7c: {  	_ =	shalt  }
0x7d: {  	_ =	shalt  }
0x7e: {  	_ =	shalt  }
0x7f: {  	_ =	shalt  }
0x80: {  	_ =	shalt  }
0x81: {  	_ =	shalt  }
0x82: {  	_ =	shalt  }
0x83: {  	_ =	shalt  }
0x84: {  	_ =	shalt  }
0x85: {  	_ =	shalt  }
0x86: {  	_ =	shalt  }
0x87: {  	_ =	shalt  }
.Lfunc_end0:
.L_simem_size_0:
called_computation.1_lowered:
.L_overlay_start_0:
0x88: {  	s2 =	sld [smem:$0x3FD9]  }
0x89: {  	s3 =	sld [smem:$0x3FFE];
	_ =	sdelay $0x1  }
0x8a: {  	s1 =	srdreg.scid  }
0x8b: {  	s0 =	sand.u32 $0x1, s1  }
0x8c: {  	s14 =	sshll.u32 s0, $0xA;
	s2 =	sadd.s32 s3, s2  }
0x8d: {  	s2 =	sadd.s32 s2, s14  }
0x8e: {  	[smem:$0x3FBC] =	sst s2  }
0x8f: {  	_ = 	snop  }
0x90: {  	s2 =	sld [smem:$0x3FD0];
	_ =	sdelay $0x2  }
0x91: {  	s15 =	simm.s32 $0xA;
	s4 =	simm.s32 $0x10  }
0x92: {  	[smem:s4], [sflag:s15] =	dma.local [hbm:s2], $0x1  }
0x93: {  	_ =	swait.eq [sflag:s15], $0x1  }
0x94: {  	[sflag:s15] =	ssyncset.done $0x0  }
0x95: {  	s16 =	sld [smem:$0x10];
	[sflag:s15] =	ssyncadd.s32 $0xFFFFFFFF  }
0x96: {  	s17 =	sld [smem:$0x11];
	(tm) =	ssettm $0x1  }
0x97: {  	s18 =	sld [smem:$0x3FFB];
	_ =	sdelay $0x3  }
0x98: {  	_ =	strace s18  }
0x99: {  	s4 =	sld [smem:$0x3FFC];
	_ =	sdelay $0x3  }
0x9a: {  	_ =	strace s4  }
0x9b: {  	s4 =	sld [smem:$0x3FFD];
	_ =	sdelay $0x3  }
0x9c: {  	_ =	strace s4  }
0x9d: {  	_ =	strace $0x8FFFFFFF  }
0x9e: {  	s19 =	sld [smem:$0x3FDB];
	_ =	sdelay $0x1  }
0x9f: {  	s5 =	simm.s32 $_scs_section_size  }
0xa0: {  	s6 =	simm.s32 $_size__tile_overlayer_lowered;
	s7 =	simm.s32 $_tile_overlayer_lowered  }
0xa1: {  	s22 =	simm.s32 $0x1BFF;
	s21 =	sshll.u32 s7, $0x1;
	s4 =	sadd.s32 s5, s19  }
0xa2: {  	s8 =	simm.s32 $0x0;
	s20 =	sshll.u32 s6, $0x1;
	s6 =	sadd.s32 s21, s4  }
0xa3: {  	[timem:s8], [sflag:s22] =	dma.local [hbm:s6], s20  }
0xa4: {  	_ =	swait.ge [sflag:s22], s20  }
0xa5: {  	s5 =	ssub.s32 $0x0, s20;
	[sflag:s22] =	ssyncset.done $0x0  }
0xa6: {  	[sflag:s22] =	ssyncadd.s32 s5;
	_ =	sdelay $0x1  }
0xa7: {  	s23 =	simm.s32 $0x1B8B  }
0xa8: {  	_ =	swait.ge [sflag:s23], $0x1  }
0xa9: {  	[sflag:s23] =	ssyncset.done $0x0  }
0xaa: {  	s25 =	simm.s32 $0x1B8E;
	s24 =	sld [smem:$0x3FFE];
	[sflag:s23] =	ssyncadd.s32 $0xFFFFFFFF  }
0xab: {  	s26 =	simm.s32 $execute0_lowered;
	[smem:$0x3FD2] =	sst s25  }
0xac: {  	s6 =	sshll.u32 s26, $0x1;
	_ =	strace $0x80000049;
	[dreg:$0x1] =	wrdreg $0xFFFFFFFF  }
0xad: {  	s28 =	simm.s32 $_size_execute0_lowered;
	s4 =	sadd.s32 s4, s6;
	[dreg:$0x0] =	wrdreg $0x0  }
0xae: {  	s6 =	sshll.u32 s28, $0x1;
	[dreg:$0x2] =	wrdreg s4  }
0xaf: {  	[dreg:$0x3] =	wrdreg s6  }
0xb0: {  	[dreg:$0x4] =	wrdreg $0xC0  }
0xb1: {  	_ =	task [dreg:s8], $0x5FFFF  }
0xb2: {  	[dreg:$0x1] =	wrdreg $0xFFFFFFFF  }
0xb3: {  	[dreg:$0x0] =	wrdreg $0x60  }
0xb4: {  	[dreg:$0x2] =	wrdreg s17  }
0xb5: {  	[dreg:$0x3] =	wrdreg s24  }
0xb6: {  	[dreg:$0x4] =	wrdreg s16  }
0xb7: {  	[dreg:$0x5] =	wrdreg $0x40800  }
0xb8: {  	[dreg:$0x6] =	wrdreg $0x9  }
0xb9: {  	_ =	task.clear_ibuf [dreg:s8], $0x7FFFF;
	_ =	strace $0x90000049  }
0xba: {  	s29 =	simm.s32 $0x9;
	_ =	strace $0x8000004B  }
0xbb: {  	_ =	swait.ge [sflag:s29], $0x1  }
0xbc: {  	[sflag:s29] =	ssyncadd.s32 $0xFFFFFFFF  }
0xbd: {  	_ =	strace $0x9000004B  }
0xbe: {  	_ =	sfence  }
0xbf: {  	s30 =	sld [smem:$0x0];
	_ =	sdelay $0x2  }
0xc0: {  	s31 =	sshll.u32 s1, $0xD;
	s1 =	sshrl.u32 s1, $0x2  }
0xc1: {  	s3 =	sand.u32 $0x4000, s31;
	s1 =	sadd.s32 s1, s30  }
0xc2: {  	s0 =	sor.u32 s3, s0;
	s1 =	sshll.u32 s1, $0x11  }
0xc3: {  	s0 =	sor.u32 s1, s0  }
0xc4: {  	s0 =	sadd.s32 $0x8F2B, s0  }
0xc5: {  	[sflag:s0] =	ssyncadd.remote.s32 $0x1  }
0xc6: {  	_ =	sfence.sel $0xFFFF  }
0xc7: {  	[dreg:$0x0] =	wrdreg $0xFFFFFFFF;
	(pc) =	sbr.abs _section_cstart, $3  }
0xc8: {  	[dreg:$0x1] =	wrdreg $0xFFFFFFFF  }
0xc9: {  	_ =	task.clear_ibuf [dreg:s8], $0x2FFFF;
	_ =	strace $0x9FFFFFFF  }
0xca: {  	(tm) =	ssettm $0x7FFFFFFF  }
0xcb: {  	_ =	shalt  }
tec
execute0_lowered:
.L_overlay_start_1:
0x0: {  	(tag) =	ssettag $0x1  }
0x1: {  	s17 =	rddreg [dreg:$0x0]  }
0x2: {  	s5 =	rddreg [dreg:$0x1]  }
0x3: {  	s16 =	rddreg [dreg:$0x2]  }
0x4: {  	s1 =	rddreg [dreg:$0x3]  }
0x5: {  	s0 =	rddreg [dreg:$0x4];
	s3 =	simm.s32 $0x0;
	s4 =	srdreg.scid  }
0x6: {  	s2 =	stileid.u32;
	[smem:$0x7FF] =	sst s3;
	s15 =	sadd.s32 $0xA0E800, s5  }
0x7: {  	s9 =	sand.u32 $0x1, s4;
	s6 =	smul.u32 $0x50000, s2;
	s4 =	sadd.s32 $0x22800, s5  }
0x8: {  	s10 =	smul.u32 $0x14000, s2;
	s14 =	sadd.s32 $0x23000, s5;
	s30 =	sshll.u32 s2, $0x4  }
0x9: {  	s31 =	sshll.u32 s2, $0xB;
	_ =	strace $0x8000004A;
	s7 =	ssub.s32 $0x2, s9  }
0xa: {  	s19 =	smul.u32 $0x140000, s9;
	p0 =	seq.s32 s9, $0x1;
	s16 =	sadd.s32 s30, s16  }
0xb: {  	s29 =	sshrl.u32 s7, $0x1;
	s6 =	sshrl.u32 s6, $0x2;
	s11 =	sadd.s32 $0x4000, s10  }
0xc: {  	s12 =	sadd.s32 $0x8000, s10;
	s13 =	sadd.s32 $0xC000, s10;
	s20 =	sadd.s32 $0x10000, s10  }
0xd: {  	s17 =	smov.u32 @p0 s15;
	s18 =	ssub.s32 s7, s29;
	s5 =	sadd.s32 s6, s1  }
0xe: {  	s6 =	sadd.s32 s11, s1;
	s7 =	sadd.s32 s12, s1;
	s8 =	sadd.s32 s13, s1  }
0xf: {  	s10 =	sadd.s32 s10, s19;
	s11 =	sadd.s32 s19, s11;
	s9 =	sadd.s32 s20, s1  }
0x10: {  	s12 =	sadd.s32 s19, s12;
	s13 =	sadd.s32 s19, s13;
	s19 =	sadd.s32 s19, s20  }
0x11: {  	s17 =	sadd.s32 s31, s17;
	s20 =	simm.s32 $0x0;
	s10 =	sshrl.u32 s10, $0x3  }
0x12: {  	s11 =	sshrl.u32 s11, $0x3;
	s12 =	sshrl.u32 s12, $0x3;
	s13 =	sshrl.u32 s13, $0x3  }
0x13: {  	s19 =	sshrl.u32 s19, $0x3;
	s15 =	smax.u32 s18, $0x1;
	s18 =	simm.s32 $0x80  }
0x14: {  	s10 =	sadd.s32 s14, s10;
	s11 =	sadd.s32 s14, s11;
	s12 =	sadd.s32 s14, s12  }
0x15: {  	s13 =	sadd.s32 s14, s13;
	s14 =	sadd.s32 s14, s19;
	s19 =	simm.s32 $0x1  }
.LBB2_1:
0x16: {  	[tilespmem:s18], [sflag:$0x1] =	stream.linear.gather [hbm4b:s4+s3], $0x4000, $0x38;
	[tilespmem:$0x18080] =	vst v63  }
0x17: {  	_ =	swait.ge [sflag:s19], $0x4000  }
0x18: {  	[sflag:s19] =	ssyncset.done $0x0  }
0x19: {  	[sflag:s19] =	ssyncadd.s32 $0xFFFFC000  }
0x1a: {  	[spmem:s5] =	stream.linear.scatter [tilespmem:s18], [sflag:$0x1], $0x4000, $0x38;
	[tilespmem:$0x18080] =	vst v63  }
0x1b: {  	_ =	swait.ge [sflag:s19], $0x4000  }
0x1c: {  	[sflag:s19] =	ssyncset.done $0x0  }
0x1d: {  	[sflag:s19] =	ssyncadd.s32 $0xFFFFC000  }
0x1e: {  	[spmem:s6] =	stream.linear.scatter [tilespmem:s18], [sflag:$0x1], $0x4000, $0x38;
	[tilespmem:$0x18080] =	vst v63  }
0x1f: {  	_ =	swait.ge [sflag:s19], $0x4000  }
0x20: {  	[sflag:s19] =	ssyncset.done $0x0  }
0x21: {  	[sflag:s19] =	ssyncadd.s32 $0xFFFFC000  }
0x22: {  	[spmem:s7] =	stream.linear.scatter [tilespmem:s18], [sflag:$0x1], $0x4000, $0x38;
	[tilespmem:$0x18080] =	vst v63  }
0x23: {  	_ =	swait.ge [sflag:s19], $0x4000  }
0x24: {  	[sflag:s19] =	ssyncset.done $0x0  }
0x25: {  	[sflag:s19] =	ssyncadd.s32 $0xFFFFC000  }
0x26: {  	[spmem:s8] =	stream.linear.scatter [tilespmem:s18], [sflag:$0x1], $0x4000, $0x38;
	[tilespmem:$0x18080] =	vst v63  }
0x27: {  	_ =	swait.ge [sflag:s19], $0x4000  }
0x28: {  	[sflag:s19] =	ssyncset.done $0x0  }
0x29: {  	[sflag:s19] =	ssyncadd.s32 $0xFFFFC000  }
0x2a: {  	[spmem:s9] =	stream.linear.scatter [tilespmem:s18], [sflag:$0x1], $0x4000, $0x38;
	[tilespmem:$0x18080] =	vst v63  }
0x2b: {  	_ =	swait.ge [sflag:s19], $0x4000  }
0x2c: {  	s21 =	sadd.s32 $0x0, s2;
	[sflag:s19] =	ssyncset.done $0x0  }
0x2d: {  	p0 =	sgt.u32 s21, $0x9C3;
	[sflag:s19] =	ssyncadd.s32 $0xFFFFC000  }
0x2e: {  	s21 =	simm.s32 @!p0 $0x0;
	s23 =	simm.s32 @!p0 $0x2;
	[bflag:$0x0] =	sbarrier.arrive $0xFFFF  }
0x2f: {  	[tilespmem:s21], [sflag:$0x2] =	stream.linear.gather @!p0 [hbm4b:s16+s21], $0x80, $0x38;
	[tilespmem:$0x18080] =	vst v63  }
0x30: {  	_ =	swait.ge @!p0 [sflag:s23], $0x80  }
0x31: {  	[sflag:s23] =	ssyncset.done @!p0 $0x0;
	p0 =	por p0, p0  }
0x32: {  	[sflag:s23] =	ssyncadd.s32 @!p0 $0xFFFFFF80;
	s25 =	simm.s32 @!p0 $0x80  }
0x33: {  	[tilespmem:s25], [sflag:$0x2] =	stream.linear.gather @!p0 [hbm4b:s17+s21], $0x4000, $0x38;
	[tilespmem:$0x18080] =	vst v63  }
0x34: {  	_ =	swait.ge @!p0 [sflag:s23], $0x4000  }
0x35: {  	[sflag:s23] =	ssyncset.done @!p0 $0x0  }
0x36: {  	s31 =	sadd.s32 $0x10, s2;
	s24 =	simm.s32 @!p0 $0x1;
	[sflag:s23] =	ssyncadd.s32 @!p0 $0xFFFFC000  }
0x37: {  	[spmem:s1] =	stream.indirect.scatter.add.f32 @!p0 [tilespmem:s25], [sflag:$0x1], $0x80, s21, s25, $0xb8;
	[tilespmem:$0x18080] =	vst v63  }
0x38: {  	s22 =	simm.s32 $0x20;
	p1 =	sgt.u32 s31, $0x9C3;
	_ =	swait.ge @!p0 [sflag:s24], $0x4000  }
0x39: {  	s23 =	sadd.s32 $0x100, s16;
	s21 =	sadd.s32 $0x8000, s17;
	[sflag:s24] =	ssyncset.done @!p0 $0x0  }
.LBB2_2:
0x3a: {  	s25 =	simm.s32 @!p1 $0x0;
	s26 =	simm.s32 @!p1 $0x2;
	[sflag:s24] =	ssyncadd.s32 @!p0 $0xFFFFC000  }
0x3b: {  	[tilespmem:s25], [sflag:$0x2] =	stream.linear.gather @!p1 [hbm4b:s23+s25], $0x80, $0x38;
	[tilespmem:$0x18080] =	vst v63  }
0x3c: {  	s28 =	smov.u32 s22;
	s22 =	sadd.s32 $0x10, s22;
	_ =	swait.ge @!p1 [sflag:s26], $0x80  }
0x3d: {  	p0 =	por p1, p1;
	p2 =	sne.s32 s22, $0x9D0;
	[sflag:s26] =	ssyncset.done @!p1 $0x0  }
0x3e: {  	s29 =	simm.s32 @!p0 $0x80;
	[sflag:s26] =	ssyncadd.s32 @!p0 $0xFFFFFF80  }
0x3f: {  	[tilespmem:s29], [sflag:$0x2] =	stream.linear.gather @!p0 [hbm4b:s21+s25], $0x4000, $0x38;
	[tilespmem:$0x18080] =	vst v63  }
0x40: {  	_ =	swait.ge @!p0 [sflag:s26], $0x4000  }
.Ltmp0:
0x41: {  	[sflag:s26] =	ssyncset.done @!p0 $0x0;
	(pc) =	sbr.rel @p2 .LBB2_2-.Ltmp0, $4  }
0x42: {  	s24 =	simm.s32 @!p0 $0x1;
	[sflag:s26] =	ssyncadd.s32 @!p0 $0xFFFFC000  }
0x43: {  	[spmem:s1] =	stream.indirect.scatter.add.f32 @!p0 [tilespmem:s29], [sflag:$0x1], $0x80, s25, s29, $0xb8;
	[tilespmem:$0x18080] =	vst v63  }
0x44: {  	s21 =	sadd.s32 $0x8000, s21;
	s25 =	sadd.s32 s28, s2;
	_ =	swait.ge @!p0 [sflag:s24], $0x4000  }
0x45: {  	s23 =	sadd.s32 $0x100, s23;
	p1 =	sgt.u32 s25, $0x9C3;
	[sflag:s24] =	ssyncset.done @!p0 $0x0  }
0x46: {  	s22 =	simm.s32 @!p1 $0x0;
	s25 =	simm.s32 @!p1 $0x2;
	[sflag:s24] =	ssyncadd.s32 @!p0 $0xFFFFC000  }
0x47: {  	[tilespmem:s22], [sflag:$0x2] =	stream.linear.gather @!p1 [hbm4b:s23+s22], $0x80, $0x38;
	[tilespmem:$0x18080] =	vst v63  }
0x48: {  	_ =	swait.ge @!p1 [sflag:s25], $0x80  }
0x49: {  	p0 =	por p1, p1;
	[sflag:s25] =	ssyncset.done @!p1 $0x0  }
0x4a: {  	s23 =	simm.s32 @!p0 $0x80;
	[sflag:s25] =	ssyncadd.s32 @!p0 $0xFFFFFF80  }
0x4b: {  	[tilespmem:s23], [sflag:$0x2] =	stream.linear.gather @!p0 [hbm4b:s21+s22], $0x4000, $0x38;
	[tilespmem:$0x18080] =	vst v63  }
0x4c: {  	_ =	swait.ge @!p0 [sflag:s25], $0x4000  }
0x4d: {  	[sflag:s25] =	ssyncset.done @!p0 $0x0  }
0x4e: {  	s21 =	simm.s32 @!p0 $0x1;
	[sflag:s25] =	ssyncadd.s32 @!p0 $0xFFFFC000  }
0x4f: {  	[spmem:s1] =	stream.indirect.scatter.add.f32 @!p0 [tilespmem:s23], [sflag:$0x1], $0x80, s22, s23, $0xb8;
	[tilespmem:$0x18080] =	vst v63  }
0x50: {  	_ =	swait.ge @!p0 [sflag:s21], $0x4000  }
0x51: {  	[sflag:s21] =	ssyncset.done @!p0 $0x0  }
0x52: {  	[sflag:s21] =	ssyncadd.s32 @!p0 $0xFFFFC000  }
0x53: {  	[bflag:$0x0] =	sbarrier.arrive $0xFFFF  }
0x54: {  	[tilespmem:s18], [sflag:$0x1] =	stream.linear.gather [spmem:s5], $0x4000, $0x38;
	[tilespmem:$0x18080] =	vst v63  }
0x55: {  	_ =	swait.ge [sflag:s19], $0x4000  }
0x56: {  	[sflag:s19] =	ssyncset.done $0x0  }
0x57: {  	[sflag:s19] =	ssyncadd.s32 $0xFFFFC000  }
0x58: {  	[hbm4b:s10+s3] =	stream.linear.scatter [tilespmem:s18], [sflag:$0x1], $0x4000, $0x38;
	[tilespmem:$0x18080] =	vst v63  }
0x59: {  	_ =	swait.ge [sflag:s19], $0x4000  }
0x5a: {  	[sflag:s19] =	ssyncset.done $0x0  }
0x5b: {  	[sflag:s19] =	ssyncadd.s32 $0xFFFFC000  }
0x5c: {  	[tilespmem:s18], [sflag:$0x1] =	stream.linear.gather [spmem:s6], $0x4000, $0x38;
	[tilespmem:$0x18080] =	vst v63  }
0x5d: {  	_ =	swait.ge [sflag:s19], $0x4000  }
0x5e: {  	[sflag:s19] =	ssyncset.done $0x0  }
0x5f: {  	[sflag:s19] =	ssyncadd.s32 $0xFFFFC000  }
0x60: {  	[hbm4b:s11+s3] =	stream.linear.scatter [tilespmem:s18], [sflag:$0x1], $0x4000, $0x38;
	[tilespmem:$0x18080] =	vst v63  }
0x61: {  	_ =	swait.ge [sflag:s19], $0x4000  }
0x62: {  	[sflag:s19] =	ssyncset.done $0x0  }
0x63: {  	[sflag:s19] =	ssyncadd.s32 $0xFFFFC000  }
0x64: {  	[tilespmem:s18], [sflag:$0x1] =	stream.linear.gather [spmem:s7], $0x4000, $0x38;
	[tilespmem:$0x18080] =	vst v63  }
0x65: {  	_ =	swait.ge [sflag:s19], $0x4000  }
0x66: {  	[sflag:s19] =	ssyncset.done $0x0  }
0x67: {  	[sflag:s19] =	ssyncadd.s32 $0xFFFFC000  }
0x68: {  	[hbm4b:s12+s3] =	stream.linear.scatter [tilespmem:s18], [sflag:$0x1], $0x4000, $0x38;
	[tilespmem:$0x18080] =	vst v63  }
0x69: {  	_ =	swait.ge [sflag:s19], $0x4000  }
0x6a: {  	[sflag:s19] =	ssyncset.done $0x0  }
0x6b: {  	[sflag:s19] =	ssyncadd.s32 $0xFFFFC000  }
0x6c: {  	[tilespmem:s18], [sflag:$0x1] =	stream.linear.gather [spmem:s8], $0x4000, $0x38;
	[tilespmem:$0x18080] =	vst v63  }
0x6d: {  	_ =	swait.ge [sflag:s19], $0x4000  }
0x6e: {  	[sflag:s19] =	ssyncset.done $0x0  }
0x6f: {  	[sflag:s19] =	ssyncadd.s32 $0xFFFFC000  }
0x70: {  	[hbm4b:s13+s3] =	stream.linear.scatter [tilespmem:s18], [sflag:$0x1], $0x4000, $0x38;
	[tilespmem:$0x18080] =	vst v63  }
0x71: {  	_ =	swait.ge [sflag:s19], $0x4000  }
0x72: {  	[sflag:s19] =	ssyncset.done $0x0  }
0x73: {  	[sflag:s19] =	ssyncadd.s32 $0xFFFFC000  }
0x74: {  	[tilespmem:s18], [sflag:$0x1] =	stream.linear.gather [spmem:s9], $0x4000, $0x38;
	[tilespmem:$0x18080] =	vst v63  }
0x75: {  	s20 =	sadd.s32 $0x1, s20;
	_ =	swait.ge [sflag:s19], $0x4000  }
0x76: {  	p0 =	sne.s32 s20, s15;
	[sflag:s19] =	ssyncset.done $0x0  }
.Ltmp1:
0x77: {  	[sflag:s19] =	ssyncadd.s32 $0xFFFFC000;
	(pc) =	sbr.rel @p0 .LBB2_1-.Ltmp1, $4  }
0x78: {  	[hbm4b:s14+s3] =	stream.linear.scatter [tilespmem:s18], [sflag:$0x1], $0x4000, $0x38;
	[tilespmem:$0x18080] =	vst v63  }
0x79: {  	_ =	swait.ge [sflag:s19], $0x4000  }
0x7a: {  	[sflag:s19] =	ssyncset.done $0x0  }
0x7b: {  	[sflag:s19] =	ssyncadd.s32 $0xFFFFC000  }
0x7c: {  	_ =	sfence.sel $0x180000  }
0x7d: {  	[bflag:$0x0] =	sbarrier.arrive $0xFFFF  }
0x7e: {  	p0 =	sne.s32 s2, $0x0;
	_ =	strace $0x9000004A  }
0x7f: {  	s0 =	sadd.s32 @!p0 $0x100000, s0;
	[bflag:$0x2] =	sbarrier.arrive $0xFFFF  }
0x80: {  	[sflag:s0] =	ssyncadd.tile.s32 @!p0 $0x1;
	_ =	shalt  }
.Lfunc_end2:
_tile_overlayer_lowered:
.L_overlay_start_2:
0x81: {  	(tag) =	ssettag $0x2  }
0x82: {  	s0 =	rddreg [dreg:$0x0];
	s2 =	stileid.u32  }
0x83: {  	s1 =	rddreg [dreg:$0x1];
	p0 =	sne.s32 s2, $0x0  }
0x84: {  	s3 =	rddreg [dreg:$0x2];
	[bflag:$0x3] =	sbarrier.arrive $0xFFFF;
	s2 =	simm.s32 @!p0 $0x1C01  }
0x85: {  	[timem:s3], [sflag:s2] =	dma.local @!p0 [hbm:s0], s1  }
0x86: {  	s0 =	simm.s32 @!p0 $0x1  }
0x87: {  	_ =	swait.ge @!p0 [sflag:s0], s1  }
0x88: {  	s1 =	ssub.s32 @!p0 $0x0, s1;
	[sflag:s0] =	ssyncset.done @!p0 $0x0  }
0x89: {  	[sflag:s0] =	ssyncadd.s32 @!p0 s1  }
0x8a: {  	[bflag:$0x3] =	sbarrier.arrive $0xFFFF  }
0x8b: {  	_ =	shalt  }

// kernel: kernel.15.cloned.1.call-start
scs
__scs_entry_jumppad:
0x0: {  	(pc) =	sbr.rel $0x88, $3  }
0x1: {  	(tag) =	ssettag $0x0;
	lr =	simm.s32 $0x1  }
0x2: {  	[smem:$0x3F95] =	sst lr;
	_ =	strace $0xD0000000  }
0x3: {  	_ = 	snop  }
0x4: {  	_ = 	snop  }
0x5: {  	_ = 	snop  }
0x6: {  	_ = 	snop  }
0x7: {  	_ = 	snop  }
__scs_overlays_trampoline_lowered:
0x8: {  	[smem:$0x3FA4] =	sst s0  }
0x9: {  	[smem:$0x3FA5] =	sst s1  }
0xa: {  	[smem:$0x3FA6] =	sst s2  }
0xb: {  	[smem:$0x3FA7] =	sst s3  }
0xc: {  	[smem:$0x3FA8] =	sst s4  }
0xd: {  	[smem:$0x3FA9] =	sst s5  }
0xe: {  	[smem:$0x3FAA] =	sst s6  }
0xf: {  	[smem:$0x3FAB] =	sst s7  }
0x10: {  	[smem:$0x3FAC] =	sst s8  }
0x11: {  	[smem:$0x3FAD] =	sst s9;
	s0 =	simm.s32 @!p0 $0x0  }
0x12: {  	s1 =	sld [smem:$0x3F93];
	s0 =	simm.s32 @p0 $0x1  }
0x13: {  	[smem:$0x3FAE] =	sst s0;
	s0 =	simm.s32 @!p1 $0x0  }
0x14: {  	s2 =	sld [smem:$0x3F92];
	s0 =	simm.s32 @p1 $0x1  }
0x15: {  	[smem:$0x3FAF] =	sst s0;
	s0 =	simm.s32 @!p2 $0x0  }
0x16: {  	s3 =	sld [smem:$0x3FDB];
	s0 =	simm.s32 @p2 $0x1  }
0x17: {  	s4 =	simm.s32 $0x1BF5;
	[smem:$0x3FB1] =	sst s0  }
0x18: {  	s0 =	sld [smem:$0x3F94];
	_ =	swait.ge [sflag:s4], $0x0  }
0x19: {  	s7 =	sld [smem:$0x3F95]  }
0x1a: {  	s8 =	sadd.s32 $0xFFFFE003, lr  }
0x1b: {  	s9 =	sadd.s32 $0xFFFFFEF7, lr;
	s5 =	simm.s32 $0xFFFFFFFF;
	p2 =	slt.u32 s8, $0xFFFFF086  }
0x1c: {  	p1 =	slt.u32 s9, $0xF7A;
	s5 =	simm.s32 @!p2 $0x0  }
0x1d: {  	s5 =	simm.s32 @p1 $0x1;
	p0 =	seq.s32 s7, s2  }
0x1e: {  	s7 =	smul.u32 @!p0 $0xF7A, s2;
	p2 =	seq.s32 @!p0 s5, $0x0  }
0x1f: {  	s9 =	smul.u32 $0xF7A, s1;
	s8 =	simm.s32 @!p0 $0x1BF5;
	p2 =	por !p2, p0  }
0x20: {  	[sflag:s8] =	ssyncset.s32 @!p0 $0xFFFFF086;
	s6 =	sadd.s32 @!p0 s3, s7;
	s7 =	simm.s32 @!p0 $0x108  }
0x21: {  	s3 =	sadd.s32 s3, s9;
	s6 =	sadd.s32 @!p0 $0x88, s6;
	s7 =	simm.s32 @p2 $0x1082  }
0x22: {  	[simem:s7], [sflag:s8] =	dma.local @!p0 [hbm:s6], $0xF7A  }
0x23: {  	s9 =	sor.u32 $0xD0000000, s2;
	s6 =	simm.s32 $0x108;
	_ =	swait.ge @!p0 [sflag:s8], $0x0  }
0x24: {  	s3 =	sadd.s32 $0x88, s3;
	s6 =	simm.s32 @!p1 $0x1082;
	[sflag:s4] =	ssyncset.s32 $0xFFFFF086  }
0x25: {  	[simem:s6], [sflag:s4] =	dma.local [hbm:s3], $0xF7A  }
0x26: {  	[smem:$0x3F95] =	sst s1;
	(tag) =	ssettag s2;
	_ =	strace s9  }
0x27: {  	s1 =	sld [smem:$0x3FA5]  }
0x28: {  	s2 =	sld [smem:$0x3FA6]  }
0x29: {  	s4 =	sld [smem:$0x3FA8]  }
0x2a: {  	p0 =	seq.s32 s5, $0x0;
	s5 =	sld [smem:$0x3FA9]  }
0x2b: {  	s6 =	sld [smem:$0x3FAA]  }
0x2c: {  	s7 =	sld [smem:$0x3FAB]  }
0x2d: {  	s3 =	simm.s32 $0x108;
	s8 =	sld [smem:$0x3FAC]  }
0x2e: {  	s3 =	simm.s32 @!p0 $0x1082;
	s9 =	sld [smem:$0x3FAD]  }
0x2f: {  	lr =	sadd.s32 s0, s3;
	s0 =	sld [smem:$0x3FA4]  }
0x30: {  	s3 =	sld [smem:$0x3FA7]  }
0x31: {  	[smem:$0x3FB0] =	sst s10  }
0x32: {  	s10 =	sld [smem:$0x3FAE];
	_ =	sdelay $0x3  }
0x33: {  	p0 =	seq.s32 s10, $0x1;
	s10 =	sld [smem:$0x3FB0];
	_ =	sdelay $0x3  }
0x34: {  	[smem:$0x3FB0] =	sst s10  }
0x35: {  	s10 =	sld [smem:$0x3FAF];
	_ =	sdelay $0x3  }
0x36: {  	p1 =	seq.s32 s10, $0x1;
	s10 =	sld [smem:$0x3FB0];
	_ =	sdelay $0x3  }
0x37: {  	[smem:$0x3FB0] =	sst s10  }
0x38: {  	s10 =	sld [smem:$0x3FB1]  }
0x39: {  	_ = 	snop;
	(pc) =	sbr.ind lr, $3  }
0x3a: {  	_ = 	snop  }
0x3b: {  	_ = 	snop  }
0x3c: {  	p2 =	seq.s32 s10, $0x1;
	s10 =	sld [smem:$0x3FB0]  }
0x3d: {  	_ =	shalt  }
0x3e: {  	_ =	shalt  }
0x3f: {  	_ =	shalt  }
0x40: {  	_ =	shalt  }
0x41: {  	_ =	shalt  }
0x42: {  	_ =	shalt  }
0x43: {  	_ =	shalt  }
0x44: {  	_ =	shalt  }
0x45: {  	_ =	shalt  }
0x46: {  	_ =	shalt  }
0x47: {  	_ =	shalt  }
0x48: {  	_ =	shalt  }
0x49: {  	_ =	shalt  }
0x4a: {  	_ =	shalt  }
0x4b: {  	_ =	shalt  }
0x4c: {  	_ =	shalt  }
0x4d: {  	_ =	shalt  }
0x4e: {  	_ =	shalt  }
0x4f: {  	_ =	shalt  }
0x50: {  	_ =	shalt  }
0x51: {  	_ =	shalt  }
0x52: {  	_ =	shalt  }
0x53: {  	_ =	shalt  }
0x54: {  	_ =	shalt  }
0x55: {  	_ =	shalt  }
0x56: {  	_ =	shalt  }
0x57: {  	_ =	shalt  }
0x58: {  	_ =	shalt  }
0x59: {  	_ =	shalt  }
0x5a: {  	_ =	shalt  }
0x5b: {  	_ =	shalt  }
0x5c: {  	_ =	shalt  }
0x5d: {  	_ =	shalt  }
0x5e: {  	_ =	shalt  }
0x5f: {  	_ =	shalt  }
0x60: {  	_ =	shalt  }
0x61: {  	_ =	shalt  }
0x62: {  	_ =	shalt  }
0x63: {  	_ =	shalt  }
0x64: {  	_ =	shalt  }
0x65: {  	_ =	shalt  }
0x66: {  	_ =	shalt  }
0x67: {  	_ =	shalt  }
0x68: {  	_ =	shalt  }
0x69: {  	_ =	shalt  }
0x6a: {  	_ =	shalt  }
0x6b: {  	_ =	shalt  }
0x6c: {  	_ =	shalt  }
0x6d: {  	_ =	shalt  }
0x6e: {  	_ =	shalt  }
0x6f: {  	_ =	shalt  }
0x70: {  	_ =	shalt  }
0x71: {  	_ =	shalt  }
0x72: {  	_ =	shalt  }
0x73: {  	_ =	shalt  }
0x74: {  	_ =	shalt  }
0x75: {  	_ =	shalt  }
0x76: {  	_ =	shalt  }
0x77: {  	_ =	shalt  }
0x78: {  	_ =	shalt  }
0x79: {  	_ =	shalt  }
0x7a: {  	_ =	shalt  }
0x7b: {  	_ =	shalt  }
0x7c: {  	_ =	shalt  }
0x7d: {  	_ =	shalt  }
0x7e: {  	_ =	shalt  }
0x7f: {  	_ =	shalt  }
0x80: {  	_ =	shalt  }
0x81: {  	_ =	shalt  }
0x82: {  	_ =	shalt  }
0x83: {  	_ =	shalt  }
0x84: {  	_ =	shalt  }
0x85: {  	_ =	shalt  }
0x86: {  	_ =	shalt  }
0x87: {  	_ =	shalt  }
.Lfunc_end0:
.L_simem_size_0:
called_computation.2_lowered:
.L_overlay_start_0:
0x88: {  	s2 =	sld [smem:$0x3FD9]  }
0x89: {  	s3 =	sld [smem:$0x3FFE];
	_ =	sdelay $0x1  }
0x8a: {  	s1 =	srdreg.scid  }
0x8b: {  	s0 =	sand.u32 $0x1, s1  }
0x8c: {  	s14 =	sshll.u32 s0, $0xA;
	s2 =	sadd.s32 s3, s2  }
0x8d: {  	s2 =	sadd.s32 s2, s14  }
0x8e: {  	[smem:$0x3FBC] =	sst s2  }
0x8f: {  	_ = 	snop  }
0x90: {  	s2 =	sld [smem:$0x3FD0];
	_ =	sdelay $0x2  }
0x91: {  	s15 =	simm.s32 $0xA;
	s4 =	simm.s32 $0x10  }
0x92: {  	[smem:s4], [sflag:s15] =	dma.local [hbm:s2], $0x1  }
0x93: {  	_ =	swait.eq [sflag:s15], $0x1  }
0x94: {  	[sflag:s15] =	ssyncset.done $0x0  }
0x95: {  	[sflag:s15] =	ssyncadd.s32 $0xFFFFFFFF  }
0x96: {  	s16 =	sld [smem:$0x11];
	(tm) =	ssettm $0x1  }
0x97: {  	s17 =	sld [smem:$0x3FFB];
	_ =	sdelay $0x3  }
0x98: {  	_ =	strace s17  }
0x99: {  	s3 =	sld [smem:$0x3FFC];
	_ =	sdelay $0x3  }
0x9a: {  	_ =	strace s3  }
0x9b: {  	s3 =	sld [smem:$0x3FFD];
	_ =	sdelay $0x3  }
0x9c: {  	_ =	strace s3  }
0x9d: {  	_ =	strace $0x8FFFFFFF  }
0x9e: {  	s18 =	sld [smem:$0x3FDB];
	_ =	sdelay $0x1  }
0x9f: {  	s19 =	simm.s32 $_scs_section_size  }
0xa0: {  	s5 =	simm.s32 $_size__tile_overlayer_lowered;
	s6 =	simm.s32 $_tile_overlayer_lowered  }
0xa1: {  	s22 =	simm.s32 $0x1BFF;
	s21 =	sshll.u32 s6, $0x1;
	s3 =	sadd.s32 s19, s18  }
0xa2: {  	s7 =	simm.s32 $0x0;
	s20 =	sshll.u32 s5, $0x1;
	s5 =	sadd.s32 s21, s3  }
0xa3: {  	[timem:s7], [sflag:s22] =	dma.local [hbm:s5], s20  }
0xa4: {  	_ =	swait.ge [sflag:s22], s20  }
0xa5: {  	s4 =	ssub.s32 $0x0, s20;
	[sflag:s22] =	ssyncset.done $0x0  }
0xa6: {  	[sflag:s22] =	ssyncadd.s32 s4;
	_ =	sdelay $0x1  }
0xa7: {  	s23 =	simm.s32 $0x1B8B  }
0xa8: {  	_ =	swait.ge [sflag:s23], $0x1  }
0xa9: {  	[sflag:s23] =	ssyncset.done $0x0  }
0xaa: {  	s25 =	simm.s32 $0x1B8E;
	s24 =	sld [smem:$0x3FFE];
	[sflag:s23] =	ssyncadd.s32 $0xFFFFFFFF  }
0xab: {  	s26 =	simm.s32 $execute0_lowered;
	[smem:$0x3FD2] =	sst s25  }
0xac: {  	s5 =	sshll.u32 s26, $0x1;
	_ =	strace $0x8000004C;
	[dreg:$0x1] =	wrdreg $0xFFFFFFFF  }
0xad: {  	s28 =	simm.s32 $_size_execute0_lowered;
	s3 =	sadd.s32 s3, s5;
	[dreg:$0x0] =	wrdreg $0x0  }
0xae: {  	s5 =	sshll.u32 s28, $0x1;
	[dreg:$0x2] =	wrdreg s3  }
0xaf: {  	[dreg:$0x3] =	wrdreg s5  }
0xb0: {  	[dreg:$0x4] =	wrdreg $0xC0  }
0xb1: {  	_ =	task [dreg:s7], $0x5FFFF  }
0xb2: {  	[dreg:$0x1] =	wrdreg $0xFFFFFFFF  }
0xb3: {  	[dreg:$0x0] =	wrdreg $0x60  }
0xb4: {  	[dreg:$0x2] =	wrdreg s16  }
0xb5: {  	[dreg:$0x3] =	wrdreg s24  }
0xb6: {  	[dreg:$0x4] =	wrdreg $0x9  }
0xb7: {  	_ =	task.clear_ibuf [dreg:s7], $0x5FFFF;
	_ =	strace $0x9000004C  }
0xb8: {  	s29 =	simm.s32 $0x9;
	_ =	strace $0x8000004E  }
0xb9: {  	_ =	swait.ge [sflag:s29], $0x1  }
0xba: {  	[sflag:s29] =	ssyncadd.s32 $0xFFFFFFFF  }
0xbb: {  	_ =	strace $0x9000004E  }
0xbc: {  	_ =	sfence  }
0xbd: {  	s30 =	sld [smem:$0x0];
	_ =	sdelay $0x2  }
0xbe: {  	s31 =	sshll.u32 s1, $0xD;
	s1 =	sshrl.u32 s1, $0x2  }
0xbf: {  	s3 =	sand.u32 $0x4000, s31;
	s1 =	sadd.s32 s1, s30  }
0xc0: {  	s0 =	sor.u32 s3, s0;
	s1 =	sshll.u32 s1, $0x11  }
0xc1: {  	s0 =	sor.u32 s1, s0  }
0xc2: {  	s0 =	sadd.s32 $0x8F2B, s0  }
0xc3: {  	[sflag:s0] =	ssyncadd.remote.s32 $0x1  }
0xc4: {  	_ =	sfence.sel $0xFFFF  }
0xc5: {  	[dreg:$0x0] =	wrdreg $0xFFFFFFFF;
	(pc) =	sbr.abs _section_cstart, $3  }
0xc6: {  	[dreg:$0x1] =	wrdreg $0xFFFFFFFF  }
0xc7: {  	_ =	task.clear_ibuf [dreg:s7], $0x2FFFF;
	_ =	strace $0x9FFFFFFF  }
0xc8: {  	(tm) =	ssettm $0x7FFFFFFF  }
0xc9: {  	_ =	shalt  }
tec
execute0_lowered:
.L_overlay_start_1:
0x0: {  	(tag) =	ssettag $0x1  }
0x1: {  	s1 =	rddreg [dreg:$0x0]  }
0x2: {  	s3 =	rddreg [dreg:$0x1]  }
0x3: {  	s0 =	rddreg [dreg:$0x2];
	s2 =	simm.s32 $0x0  }
0x4: {  	s4 =	srdreg.scid;
	[smem:$0x7FF] =	sst s2  }
0x5: {  	s6 =	sadd.s32 $0x12E00, s3;
	s4 =	sand.u32 $0x1, s4;
	s5 =	sadd.s32 $0x3400, s3  }
0x6: {  	s7 =	sadd.s32 $0x22800, s3;
	s9 =	sadd.s32 $0x504800, s3;
	s3 =	stileid.u32  }
0x7: {  	_ =	strace $0x8000004D;
	s8 =	ssub.s32 $0x2, s4;
	p0 =	seq.s32 s4, $0x1  }
0x8: {  	s30 =	smul.u32 $0x2800, s3;
	s31 =	sshll.u32 s3, $0x7;
	s10 =	sshrl.u32 s8, $0x1  }
0x9: {  	s6 =	smov.u32 @p0 s5;
	s7 =	smov.u32 @p0 s9;
	s8 =	ssub.s32 s8, s10  }
0xa: {  	s5 =	sadd.s32 s30, s7;
	s6 =	sadd.s32 s31, s6;
	s4 =	smax.u32 s8, $0x1  }
.LBB2_1:
0xb: {  	s7 =	sadd.s32 $0x0, s3  }
0xc: {  	p1 =	sgt.u32 s7, $0x1F3  }
0xd: {  	s7 =	simm.s32 @!p1 $0x0;
	s8 =	simm.s32 @!p1 $0x3  }
0xe: {  	[tilespmem:s7], [sflag:$0x3] =	stream.linear.gather @!p1 [hbm4b:s6+s7], $0x280, $0x38;
	[tilespmem:$0x14400] =	vst v63  }
0xf: {  	_ =	swait.ge @!p1 [sflag:s8], $0x280  }
0x10: {  	[sflag:s8] =	ssyncset.done @!p1 $0x0;
	p1 =	por p1, p1  }
0x11: {  	[sflag:s8] =	ssyncadd.s32 @!p1 $0xFFFFFD80;
	s8 =	simm.s32 @!p1 $0x80;
	s9 =	simm.s32 @!p1 $0x400  }
0x12: {  	[tilespmem:s9], [sflag:$0x1] =	stream.indirect.gather @!p1 [hbm4b:s1+s8], $0x80, s7, s8, $0xb8;
	[tilespmem:$0x14400] =	vst v63  }
0x13: {  	s10 =	simm.s32 @!p1 $0x4400  }
0x14: {  	[tilespmem:s10], [sflag:$0x1] =	stream.indirect.gather @!p1 [hbm4b:s1+s8], $0x80, s8, s8, $0xb8;
	[tilespmem:$0x14400] =	vst v63  }
0x15: {  	s11 =	simm.s32 @!p1 $0x8400;
	s10 =	simm.s32 @!p1 $0x100  }
0x16: {  	[tilespmem:s11], [sflag:$0x1] =	stream.indirect.gather @!p1 [hbm4b:s1+s8], $0x80, s10, s8, $0xb8;
	[tilespmem:$0x14400] =	vst v63  }
0x17: {  	s10 =	simm.s32 @!p1 $0x180;
	s11 =	simm.s32 @!p1 $0xC400  }
0x18: {  	[tilespmem:s11], [sflag:$0x1] =	stream.indirect.gather @!p1 [hbm4b:s1+s8], $0x80, s10, s8, $0xb8;
	[tilespmem:$0x14400] =	vst v63  }
0x19: {  	s13 =	simm.s32 @!p1 $0x1;
	s10 =	simm.s32 @!p1 $0x200;
	s11 =	simm.s32 @!p1 $0x10400  }
0x1a: {  	[tilespmem:s11], [sflag:$0x1] =	stream.indirect.gather @!p1 [hbm4b:s1+s8], $0x80, s10, s8, $0xb8;
	[tilespmem:$0x14400] =	vst v63  }
0x1b: {  	_ =	swait.ge @!p1 [sflag:s13], $0x4000  }
0x1c: {  	[sflag:s13] =	ssyncset.done @!p1 $0x0  }
0x1d: {  	[sflag:s13] =	ssyncadd.s32 @!p1 $0xFFFFC000  }
0x1e: {  	_ =	swait.ge @!p1 [sflag:s13], $0x4000  }
0x1f: {  	[sflag:s13] =	ssyncset.done @!p1 $0x0  }
0x20: {  	[sflag:s13] =	ssyncadd.s32 @!p1 $0xFFFFC000  }
0x21: {  	_ =	swait.ge @!p1 [sflag:s13], $0x4000  }
0x22: {  	[sflag:s13] =	ssyncset.done @!p1 $0x0  }
0x23: {  	[sflag:s13] =	ssyncadd.s32 @!p1 $0xFFFFC000  }
0x24: {  	_ =	swait.ge @!p1 [sflag:s13], $0x4000  }
0x25: {  	[sflag:s13] =	ssyncset.done @!p1 $0x0  }
0x26: {  	[sflag:s13] =	ssyncadd.s32 @!p1 $0xFFFFC000  }
0x27: {  	_ =	swait.ge @!p1 [sflag:s13], $0x4000  }
0x28: {  	p2 =	por !p0, p1;
	s12 =	simm.s32 @!p1 $0x2;
	[sflag:s13] =	ssyncset.done @!p1 $0x0  }
0x29: {  	s31 =	sadd.s32 $0x10, s3;
	s12 =	simm.s32 @p2 $0x3;
	[sflag:s13] =	ssyncadd.s32 @!p1 $0xFFFFC000  }
0x2a: {  	[hbm4b:s5+s7] =	stream.linear.scatter @!p1 [tilespmem:s9], [sflag:s12], $0x14000, $0x38;
	[tilespmem:$0x14400] =	vst v63  }
0x2b: {  	p3 =	sgt.u32 s31, $0x1F3;
	s8 =	simm.s32 $0x20;
	_ =	swait.ge @!p1 [sflag:s12], $0x14000  }
0x2c: {  	s9 =	sadd.s32 $0x800, s6;
	s7 =	sadd.s32 $0x28000, s5;
	[sflag:s12] =	ssyncset.done @!p1 $0x0  }
.LBB2_2:
0x2d: {  	s10 =	simm.s32 @!p3 $0x0;
	s13 =	simm.s32 @!p3 $0x3;
	[sflag:s12] =	ssyncadd.s32 @!p1 $0xFFFEC000  }
0x2e: {  	[tilespmem:s10], [sflag:$0x3] =	stream.linear.gather @!p3 [hbm4b:s9+s10], $0x280, $0x38;
	[tilespmem:$0x14400] =	vst v63  }
0x2f: {  	s11 =	smov.u32 s8;
	s8 =	sadd.s32 $0x10, s8;
	_ =	swait.ge @!p3 [sflag:s13], $0x280  }
0x30: {  	p1 =	por p3, p3;
	p2 =	sne.s32 s8, $0x200;
	[sflag:s13] =	ssyncset.done @!p3 $0x0  }
0x31: {  	s12 =	simm.s32 @!p1 $0x80;
	[sflag:s13] =	ssyncadd.s32 @!p1 $0xFFFFFD80;
	s13 =	simm.s32 @!p1 $0x400  }
0x32: {  	[tilespmem:s13], [sflag:$0x1] =	stream.indirect.gather @!p1 [hbm4b:s1+s12], $0x80, s10, s12, $0xb8;
	[tilespmem:$0x14400] =	vst v63  }
0x33: {  	s14 =	simm.s32 @!p1 $0x4400  }
0x34: {  	[tilespmem:s14], [sflag:$0x1] =	stream.indirect.gather @!p1 [hbm4b:s1+s12], $0x80, s12, s12, $0xb8;
	[tilespmem:$0x14400] =	vst v63  }
0x35: {  	s15 =	simm.s32 @!p1 $0x8400;
	s14 =	simm.s32 @!p1 $0x100  }
0x36: {  	[tilespmem:s15], [sflag:$0x1] =	stream.indirect.gather @!p1 [hbm4b:s1+s12], $0x80, s14, s12, $0xb8;
	[tilespmem:$0x14400] =	vst v63  }
0x37: {  	s14 =	simm.s32 @!p1 $0x180;
	s15 =	simm.s32 @!p1 $0xC400  }
0x38: {  	[tilespmem:s15], [sflag:$0x1] =	stream.indirect.gather @!p1 [hbm4b:s1+s12], $0x80, s14, s12, $0xb8;
	[tilespmem:$0x14400] =	vst v63  }
0x39: {  	s16 =	simm.s32 @!p1 $0x1;
	s14 =	simm.s32 @!p1 $0x200;
	s15 =	simm.s32 @!p1 $0x10400  }
0x3a: {  	[tilespmem:s15], [sflag:$0x1] =	stream.indirect.gather @!p1 [hbm4b:s1+s12], $0x80, s14, s12, $0xb8;
	[tilespmem:$0x14400] =	vst v63  }
0x3b: {  	_ =	swait.ge @!p1 [sflag:s16], $0x4000  }
0x3c: {  	[sflag:s16] =	ssyncset.done @!p1 $0x0  }
0x3d: {  	[sflag:s16] =	ssyncadd.s32 @!p1 $0xFFFFC000  }
0x3e: {  	_ =	swait.ge @!p1 [sflag:s16], $0x4000  }
0x3f: {  	[sflag:s16] =	ssyncset.done @!p1 $0x0  }
0x40: {  	[sflag:s16] =	ssyncadd.s32 @!p1 $0xFFFFC000  }
0x41: {  	_ =	swait.ge @!p1 [sflag:s16], $0x4000  }
0x42: {  	[sflag:s16] =	ssyncset.done @!p1 $0x0  }
0x43: {  	[sflag:s16] =	ssyncadd.s32 @!p1 $0xFFFFC000  }
0x44: {  	_ =	swait.ge @!p1 [sflag:s16], $0x4000  }
0x45: {  	[sflag:s16] =	ssyncset.done @!p1 $0x0  }
0x46: {  	[sflag:s16] =	ssyncadd.s32 @!p1 $0xFFFFC000  }
0x47: {  	p3 =	por !p0, p1;
	_ =	swait.ge @!p1 [sflag:s16], $0x4000  }
.Ltmp0:
0x48: {  	s12 =	simm.s32 @!p1 $0x2;
	[sflag:s16] =	ssyncset.done @!p1 $0x0;
	(pc) =	sbr.rel @p2 .LBB2_2-.Ltmp0, $4  }
0x49: {  	s12 =	simm.s32 @p3 $0x3;
	[sflag:s16] =	ssyncadd.s32 @!p1 $0xFFFFC000  }
0x4a: {  	[hbm4b:s7+s10] =	stream.linear.scatter @!p1 [tilespmem:s13], [sflag:s12], $0x14000, $0x38;
	[tilespmem:$0x14400] =	vst v63  }
0x4b: {  	s9 =	sadd.s32 $0x800, s9;
	s10 =	sadd.s32 s11, s3;
	_ =	swait.ge @!p1 [sflag:s12], $0x14000  }
0x4c: {  	s7 =	sadd.s32 $0x28000, s7;
	p3 =	sgt.u32 s10, $0x1F3;
	[sflag:s12] =	ssyncset.done @!p1 $0x0  }
0x4d: {  	s8 =	simm.s32 @!p3 $0x0;
	s10 =	simm.s32 @!p3 $0x3;
	[sflag:s12] =	ssyncadd.s32 @!p1 $0xFFFEC000  }
0x4e: {  	[tilespmem:s8], [sflag:$0x3] =	stream.linear.gather @!p3 [hbm4b:s9+s8], $0x280, $0x38;
	[tilespmem:$0x14400] =	vst v63  }
0x4f: {  	_ =	swait.ge @!p3 [sflag:s10], $0x280  }
0x50: {  	p1 =	por p3, p3;
	[sflag:s10] =	ssyncset.done @!p3 $0x0  }
0x51: {  	s9 =	simm.s32 @!p1 $0x80;
	[sflag:s10] =	ssyncadd.s32 @!p1 $0xFFFFFD80;
	s10 =	simm.s32 @!p1 $0x400  }
0x52: {  	[tilespmem:s10], [sflag:$0x1] =	stream.indirect.gather @!p1 [hbm4b:s1+s9], $0x80, s8, s9, $0xb8;
	[tilespmem:$0x14400] =	vst v63  }
0x53: {  	s11 =	simm.s32 @!p1 $0x4400  }
0x54: {  	[tilespmem:s11], [sflag:$0x1] =	stream.indirect.gather @!p1 [hbm4b:s1+s9], $0x80, s9, s9, $0xb8;
	[tilespmem:$0x14400] =	vst v63  }
0x55: {  	s12 =	simm.s32 @!p1 $0x8400;
	s11 =	simm.s32 @!p1 $0x100  }
0x56: {  	[tilespmem:s12], [sflag:$0x1] =	stream.indirect.gather @!p1 [hbm4b:s1+s9], $0x80, s11, s9, $0xb8;
	[tilespmem:$0x14400] =	vst v63  }
0x57: {  	s11 =	simm.s32 @!p1 $0x180;
	s12 =	simm.s32 @!p1 $0xC400  }
0x58: {  	[tilespmem:s12], [sflag:$0x1] =	stream.indirect.gather @!p1 [hbm4b:s1+s9], $0x80, s11, s9, $0xb8;
	[tilespmem:$0x14400] =	vst v63  }
0x59: {  	s13 =	simm.s32 @!p1 $0x1;
	s11 =	simm.s32 @!p1 $0x200;
	s12 =	simm.s32 @!p1 $0x10400  }
0x5a: {  	[tilespmem:s12], [sflag:$0x1] =	stream.indirect.gather @!p1 [hbm4b:s1+s9], $0x80, s11, s9, $0xb8;
	[tilespmem:$0x14400] =	vst v63  }
0x5b: {  	_ =	swait.ge @!p1 [sflag:s13], $0x4000  }
0x5c: {  	[sflag:s13] =	ssyncset.done @!p1 $0x0  }
0x5d: {  	[sflag:s13] =	ssyncadd.s32 @!p1 $0xFFFFC000  }
0x5e: {  	_ =	swait.ge @!p1 [sflag:s13], $0x4000  }
0x5f: {  	[sflag:s13] =	ssyncset.done @!p1 $0x0  }
0x60: {  	[sflag:s13] =	ssyncadd.s32 @!p1 $0xFFFFC000  }
0x61: {  	_ =	swait.ge @!p1 [sflag:s13], $0x4000  }
0x62: {  	[sflag:s13] =	ssyncset.done @!p1 $0x0  }
0x63: {  	[sflag:s13] =	ssyncadd.s32 @!p1 $0xFFFFC000  }
0x64: {  	_ =	swait.ge @!p1 [sflag:s13], $0x4000  }
0x65: {  	[sflag:s13] =	ssyncset.done @!p1 $0x0  }
0x66: {  	s2 =	sadd.s32 $0x1, s2;
	[sflag:s13] =	ssyncadd.s32 @!p1 $0xFFFFC000  }
0x67: {  	p2 =	por !p0, p1;
	s9 =	simm.s32 @!p1 $0x2;
	_ =	swait.ge @!p1 [sflag:s13], $0x4000  }
0x68: {  	s9 =	simm.s32 @p2 $0x3;
	p2 =	sne.s32 s2, s4;
	[sflag:s13] =	ssyncset.done @!p1 $0x0  }
.Ltmp1:
0x69: {  	[sflag:s13] =	ssyncadd.s32 @!p1 $0xFFFFC000;
	(pc) =	sbr.rel @p2 .LBB2_1-.Ltmp1, $4  }
0x6a: {  	[hbm4b:s7+s8] =	stream.linear.scatter @!p1 [tilespmem:s10], [sflag:s9], $0x14000, $0x38;
	[tilespmem:$0x14400] =	vst v63  }
0x6b: {  	_ =	swait.ge @!p1 [sflag:s9], $0x14000  }
0x6c: {  	[sflag:s9] =	ssyncset.done @!p1 $0x0  }
0x6d: {  	[sflag:s9] =	ssyncadd.s32 @!p1 $0xFFFEC000  }
0x6e: {  	_ =	sfence.sel $0x180000  }
0x6f: {  	[bflag:$0x0] =	sbarrier.arrive $0xFFFF  }
0x70: {  	p0 =	sne.s32 s3, $0x0;
	_ =	strace $0x9000004D  }
0x71: {  	s0 =	sadd.s32 @!p0 $0x100000, s0;
	[bflag:$0x2] =	sbarrier.arrive $0xFFFF  }
0x72: {  	[sflag:s0] =	ssyncadd.tile.s32 @!p0 $0x1;
	_ =	shalt  }
.Lfunc_end2:
_tile_overlayer_lowered:
.L_overlay_start_2:
0x73: {  	(tag) =	ssettag $0x2  }
0x74: {  	s0 =	rddreg [dreg:$0x0];
	s2 =	stileid.u32  }
0x75: {  	s1 =	rddreg [dreg:$0x1];
	p0 =	sne.s32 s2, $0x0  }
0x76: {  	s3 =	rddreg [dreg:$0x2];
	[bflag:$0x3] =	sbarrier.arrive $0xFFFF;
	s2 =	simm.s32 @!p0 $0x1C02  }
0x77: {  	[timem:s3], [sflag:s2] =	dma.local @!p0 [hbm:s0], s1  }
0x78: {  	s0 =	simm.s32 @!p0 $0x2  }
0x79: {  	_ =	swait.ge @!p0 [sflag:s0], s1  }
0x7a: {  	s1 =	ssub.s32 @!p0 $0x0, s1;
	[sflag:s0] =	ssyncset.done @!p0 $0x0  }
0x7b: {  	[sflag:s0] =	ssyncadd.s32 @!p0 s1  }
0x7c: {  	[bflag:$0x3] =	sbarrier.arrive $0xFFFF  }
0x7d: {  	_ =	shalt  }

// kernel: kernel.9.cloned.1.call-start
scs
__scs_entry_jumppad:
0x0: {  	(pc) =	sbr.rel $0x88, $3  }
0x1: {  	(tag) =	ssettag $0x0;
	lr =	simm.s32 $0x1  }
0x2: {  	[smem:$0x3F95] =	sst lr;
	_ =	strace $0xD0000000  }
0x3: {  	_ = 	snop  }
0x4: {  	_ = 	snop  }
0x5: {  	_ = 	snop  }
0x6: {  	_ = 	snop  }
0x7: {  	_ = 	snop  }
__scs_overlays_trampoline_lowered:
0x8: {  	[smem:$0x3FA4] =	sst s0  }
0x9: {  	[smem:$0x3FA5] =	sst s1  }
0xa: {  	[smem:$0x3FA6] =	sst s2  }
0xb: {  	[smem:$0x3FA7] =	sst s3  }
0xc: {  	[smem:$0x3FA8] =	sst s4  }
0xd: {  	[smem:$0x3FA9] =	sst s5  }
0xe: {  	[smem:$0x3FAA] =	sst s6  }
0xf: {  	[smem:$0x3FAB] =	sst s7  }
0x10: {  	[smem:$0x3FAC] =	sst s8  }
0x11: {  	[smem:$0x3FAD] =	sst s9;
	s0 =	simm.s32 @!p0 $0x0  }
0x12: {  	s1 =	sld [smem:$0x3F93];
	s0 =	simm.s32 @p0 $0x1  }
0x13: {  	[smem:$0x3FAE] =	sst s0;
	s0 =	simm.s32 @!p1 $0x0  }
0x14: {  	s2 =	sld [smem:$0x3F92];
	s0 =	simm.s32 @p1 $0x1  }
0x15: {  	[smem:$0x3FAF] =	sst s0;
	s0 =	simm.s32 @!p2 $0x0  }
0x16: {  	s3 =	sld [smem:$0x3FDB];
	s0 =	simm.s32 @p2 $0x1  }
0x17: {  	s4 =	simm.s32 $0x1BF5;
	[smem:$0x3FB1] =	sst s0  }
0x18: {  	s0 =	sld [smem:$0x3F94];
	_ =	swait.ge [sflag:s4], $0x0  }
0x19: {  	s7 =	sld [smem:$0x3F95]  }
0x1a: {  	s8 =	sadd.s32 $0xFFFFE003, lr  }
0x1b: {  	s9 =	sadd.s32 $0xFFFFFEF7, lr;
	s5 =	simm.s32 $0xFFFFFFFF;
	p2 =	slt.u32 s8, $0xFFFFF086  }
0x1c: {  	p1 =	slt.u32 s9, $0xF7A;
	s5 =	simm.s32 @!p2 $0x0  }
0x1d: {  	s5 =	simm.s32 @p1 $0x1;
	p0 =	seq.s32 s7, s2  }
0x1e: {  	s7 =	smul.u32 @!p0 $0xF7A, s2;
	p2 =	seq.s32 @!p0 s5, $0x0  }
0x1f: {  	s9 =	smul.u32 $0xF7A, s1;
	s8 =	simm.s32 @!p0 $0x1BF5;
	p2 =	por !p2, p0  }
0x20: {  	[sflag:s8] =	ssyncset.s32 @!p0 $0xFFFFF086;
	s6 =	sadd.s32 @!p0 s3, s7;
	s7 =	simm.s32 @!p0 $0x108  }
0x21: {  	s3 =	sadd.s32 s3, s9;
	s6 =	sadd.s32 @!p0 $0x88, s6;
	s7 =	simm.s32 @p2 $0x1082  }
0x22: {  	[simem:s7], [sflag:s8] =	dma.local @!p0 [hbm:s6], $0xF7A  }
0x23: {  	s9 =	sor.u32 $0xD0000000, s2;
	s6 =	simm.s32 $0x108;
	_ =	swait.ge @!p0 [sflag:s8], $0x0  }
0x24: {  	s3 =	sadd.s32 $0x88, s3;
	s6 =	simm.s32 @!p1 $0x1082;
	[sflag:s4] =	ssyncset.s32 $0xFFFFF086  }
0x25: {  	[simem:s6], [sflag:s4] =	dma.local [hbm:s3], $0xF7A  }
0x26: {  	[smem:$0x3F95] =	sst s1;
	(tag) =	ssettag s2;
	_ =	strace s9  }
0x27: {  	s1 =	sld [smem:$0x3FA5]  }
0x28: {  	s2 =	sld [smem:$0x3FA6]  }
0x29: {  	s4 =	sld [smem:$0x3FA8]  }
0x2a: {  	p0 =	seq.s32 s5, $0x0;
	s5 =	sld [smem:$0x3FA9]  }
0x2b: {  	s6 =	sld [smem:$0x3FAA]  }
0x2c: {  	s7 =	sld [smem:$0x3FAB]  }
0x2d: {  	s3 =	simm.s32 $0x108;
	s8 =	sld [smem:$0x3FAC]  }
0x2e: {  	s3 =	simm.s32 @!p0 $0x1082;
	s9 =	sld [smem:$0x3FAD]  }
0x2f: {  	lr =	sadd.s32 s0, s3;
	s0 =	sld [smem:$0x3FA4]  }
0x30: {  	s3 =	sld [smem:$0x3FA7]  }
0x31: {  	[smem:$0x3FB0] =	sst s10  }
0x32: {  	s10 =	sld [smem:$0x3FAE];
	_ =	sdelay $0x3  }
0x33: {  	p0 =	seq.s32 s10, $0x1;
	s10 =	sld [smem:$0x3FB0];
	_ =	sdelay $0x3  }
0x34: {  	[smem:$0x3FB0] =	sst s10  }
0x35: {  	s10 =	sld [smem:$0x3FAF];
	_ =	sdelay $0x3  }
0x36: {  	p1 =	seq.s32 s10, $0x1;
	s10 =	sld [smem:$0x3FB0];
	_ =	sdelay $0x3  }
0x37: {  	[smem:$0x3FB0] =	sst s10  }
0x38: {  	s10 =	sld [smem:$0x3FB1]  }
0x39: {  	_ = 	snop;
	(pc) =	sbr.ind lr, $3  }
0x3a: {  	_ = 	snop  }
0x3b: {  	_ = 	snop  }
0x3c: {  	p2 =	seq.s32 s10, $0x1;
	s10 =	sld [smem:$0x3FB0]  }
0x3d: {  	_ =	shalt  }
0x3e: {  	_ =	shalt  }
0x3f: {  	_ =	shalt  }
0x40: {  	_ =	shalt  }
0x41: {  	_ =	shalt  }
0x42: {  	_ =	shalt  }
0x43: {  	_ =	shalt  }
0x44: {  	_ =	shalt  }
0x45: {  	_ =	shalt  }
0x46: {  	_ =	shalt  }
0x47: {  	_ =	shalt  }
0x48: {  	_ =	shalt  }
0x49: {  	_ =	shalt  }
0x4a: {  	_ =	shalt  }
0x4b: {  	_ =	shalt  }
0x4c: {  	_ =	shalt  }
0x4d: {  	_ =	shalt  }
0x4e: {  	_ =	shalt  }
0x4f: {  	_ =	shalt  }
0x50: {  	_ =	shalt  }
0x51: {  	_ =	shalt  }
0x52: {  	_ =	shalt  }
0x53: {  	_ =	shalt  }
0x54: {  	_ =	shalt  }
0x55: {  	_ =	shalt  }
0x56: {  	_ =	shalt  }
0x57: {  	_ =	shalt  }
0x58: {  	_ =	shalt  }
0x59: {  	_ =	shalt  }
0x5a: {  	_ =	shalt  }
0x5b: {  	_ =	shalt  }
0x5c: {  	_ =	shalt  }
0x5d: {  	_ =	shalt  }
0x5e: {  	_ =	shalt  }
0x5f: {  	_ =	shalt  }
0x60: {  	_ =	shalt  }
0x61: {  	_ =	shalt  }
0x62: {  	_ =	shalt  }
0x63: {  	_ =	shalt  }
0x64: {  	_ =	shalt  }
0x65: {  	_ =	shalt  }
0x66: {  	_ =	shalt  }
0x67: {  	_ =	shalt  }
0x68: {  	_ =	shalt  }
0x69: {  	_ =	shalt  }
0x6a: {  	_ =	shalt  }
0x6b: {  	_ =	shalt  }
0x6c: {  	_ =	shalt  }
0x6d: {  	_ =	shalt  }
0x6e: {  	_ =	shalt  }
0x6f: {  	_ =	shalt  }
0x70: {  	_ =	shalt  }
0x71: {  	_ =	shalt  }
0x72: {  	_ =	shalt  }
0x73: {  	_ =	shalt  }
0x74: {  	_ =	shalt  }
0x75: {  	_ =	shalt  }
0x76: {  	_ =	shalt  }
0x77: {  	_ =	shalt  }
0x78: {  	_ =	shalt  }
0x79: {  	_ =	shalt  }
0x7a: {  	_ =	shalt  }
0x7b: {  	_ =	shalt  }
0x7c: {  	_ =	shalt  }
0x7d: {  	_ =	shalt  }
0x7e: {  	_ =	shalt  }
0x7f: {  	_ =	shalt  }
0x80: {  	_ =	shalt  }
0x81: {  	_ =	shalt  }
0x82: {  	_ =	shalt  }
0x83: {  	_ =	shalt  }
0x84: {  	_ =	shalt  }
0x85: {  	_ =	shalt  }
0x86: {  	_ =	shalt  }
0x87: {  	_ =	shalt  }
.Lfunc_end0:
.L_simem_size_0:
called_computation_lowered:
.L_overlay_start_0:
0x88: {  	s2 =	sld [smem:$0x3FD9]  }
0x89: {  	s3 =	sld [smem:$0x3FFE];
	_ =	sdelay $0x1  }
0x8a: {  	s1 =	srdreg.scid  }
0x8b: {  	s0 =	sand.u32 $0x1, s1  }
0x8c: {  	s14 =	sshll.u32 s0, $0xA;
	s2 =	sadd.s32 s3, s2  }
0x8d: {  	s2 =	sadd.s32 s2, s14  }
0x8e: {  	[smem:$0x3FBC] =	sst s2  }
0x8f: {  	_ = 	snop  }
0x90: {  	s2 =	sld [smem:$0x3FD0];
	_ =	sdelay $0x2  }
0x91: {  	s15 =	simm.s32 $0xA;
	s4 =	simm.s32 $0x10  }
0x92: {  	[smem:s4], [sflag:s15] =	dma.local [hbm:s2], $0x1  }
0x93: {  	_ =	swait.eq [sflag:s15], $0x1  }
0x94: {  	[sflag:s15] =	ssyncset.done $0x0  }
0x95: {  	[sflag:s15] =	ssyncadd.s32 $0xFFFFFFFF  }
0x96: {  	s16 =	sld [smem:$0x11];
	(tm) =	ssettm $0x1  }
0x97: {  	s17 =	sld [smem:$0x3FFB];
	_ =	sdelay $0x3  }
0x98: {  	_ =	strace s17  }
0x99: {  	s3 =	sld [smem:$0x3FFC];
	_ =	sdelay $0x3  }
0x9a: {  	_ =	strace s3  }
0x9b: {  	s3 =	sld [smem:$0x3FFD];
	_ =	sdelay $0x3  }
0x9c: {  	_ =	strace s3  }
0x9d: {  	_ =	strace $0x8FFFFFFF  }
0x9e: {  	s18 =	sld [smem:$0x3FDB];
	_ =	sdelay $0x1  }
0x9f: {  	s19 =	simm.s32 $_scs_section_size  }
0xa0: {  	s5 =	simm.s32 $_size__tile_overlayer_lowered;
	s6 =	simm.s32 $_tile_overlayer_lowered  }
0xa1: {  	s22 =	simm.s32 $0x1BFF;
	s21 =	sshll.u32 s6, $0x1;
	s3 =	sadd.s32 s19, s18  }
0xa2: {  	s7 =	simm.s32 $0x0;
	s20 =	sshll.u32 s5, $0x1;
	s5 =	sadd.s32 s21, s3  }
0xa3: {  	[timem:s7], [sflag:s22] =	dma.local [hbm:s5], s20  }
0xa4: {  	_ =	swait.ge [sflag:s22], s20  }
0xa5: {  	s4 =	ssub.s32 $0x0, s20;
	[sflag:s22] =	ssyncset.done $0x0  }
0xa6: {  	[sflag:s22] =	ssyncadd.s32 s4;
	_ =	sdelay $0x1  }
0xa7: {  	s23 =	simm.s32 $0x1B8B  }
0xa8: {  	_ =	swait.ge [sflag:s23], $0x1  }
0xa9: {  	[sflag:s23] =	ssyncset.done $0x0  }
0xaa: {  	s25 =	simm.s32 $0x1B8E;
	s24 =	sld [smem:$0x3FFE];
	[sflag:s23] =	ssyncadd.s32 $0xFFFFFFFF  }
0xab: {  	s26 =	simm.s32 $execute0_lowered;
	[smem:$0x3FD2] =	sst s25  }
0xac: {  	s5 =	sshll.u32 s26, $0x1;
	_ =	strace $0x80000046;
	[dreg:$0x1] =	wrdreg $0xFFFFFFFF  }
0xad: {  	s28 =	simm.s32 $_size_execute0_lowered;
	s3 =	sadd.s32 s3, s5;
	[dreg:$0x0] =	wrdreg $0x0  }
0xae: {  	s5 =	sshll.u32 s28, $0x1;
	[dreg:$0x2] =	wrdreg s3  }
0xaf: {  	[dreg:$0x3] =	wrdreg s5  }
0xb0: {  	[dreg:$0x4] =	wrdreg $0xC0  }
0xb1: {  	_ =	task [dreg:s7], $0x5FFFF  }
0xb2: {  	[dreg:$0x1] =	wrdreg $0xFFFFFFFF  }
0xb3: {  	[dreg:$0x0] =	wrdreg $0x60  }
0xb4: {  	[dreg:$0x2] =	wrdreg s16  }
0xb5: {  	[dreg:$0x3] =	wrdreg s24  }
0xb6: {  	[dreg:$0x4] =	wrdreg $0x9  }
0xb7: {  	_ =	task.clear_ibuf [dreg:s7], $0x5FFFF;
	_ =	strace $0x90000046  }
0xb8: {  	s29 =	simm.s32 $0x9;
	_ =	strace $0x80000048  }
0xb9: {  	_ =	swait.ge [sflag:s29], $0x1  }
0xba: {  	[sflag:s29] =	ssyncadd.s32 $0xFFFFFFFF  }
0xbb: {  	_ =	strace $0x90000048  }
0xbc: {  	_ =	sfence  }
0xbd: {  	s30 =	sld [smem:$0x0];
	_ =	sdelay $0x2  }
0xbe: {  	s31 =	sshll.u32 s1, $0xD;
	s1 =	sshrl.u32 s1, $0x2  }
0xbf: {  	s3 =	sand.u32 $0x4000, s31;
	s1 =	sadd.s32 s1, s30  }
0xc0: {  	s0 =	sor.u32 s3, s0;
	s1 =	sshll.u32 s1, $0x11  }
0xc1: {  	s0 =	sor.u32 s1, s0  }
0xc2: {  	s0 =	sadd.s32 $0x8F2B, s0  }
0xc3: {  	[sflag:s0] =	ssyncadd.remote.s32 $0x1  }
0xc4: {  	_ =	sfence.sel $0xFFFF  }
0xc5: {  	[dreg:$0x0] =	wrdreg $0xFFFFFFFF;
	(pc) =	sbr.abs _section_cstart, $3  }
0xc6: {  	[dreg:$0x1] =	wrdreg $0xFFFFFFFF  }
0xc7: {  	_ =	task.clear_ibuf [dreg:s7], $0x2FFFF;
	_ =	strace $0x9FFFFFFF  }
0xc8: {  	(tm) =	ssettm $0x7FFFFFFF  }
0xc9: {  	_ =	shalt  }
tec
execute0_lowered:
.L_overlay_start_1:
0x0: {  	(tag) =	ssettag $0x1  }
0x1: {  	s1 =	rddreg [dreg:$0x0]  }
0x2: {  	s3 =	rddreg [dreg:$0x1]  }
0x3: {  	s0 =	rddreg [dreg:$0x2];
	s2 =	simm.s32 $0x0;
	s4 =	srdreg.scid  }
0x4: {  	[smem:$0x7FF] =	sst s2;
	s4 =	sand.u32 $0x1, s4;
	s5 =	sadd.s32 $0x22800, s3  }
0x5: {  	s6 =	sadd.s32 $0x12E00, s3;
	s8 =	sadd.s32 $0x3400, s3;
	s9 =	sadd.s32 $0x4A800, s3  }
0x6: {  	s11 =	sadd.s32 $0x52C800, s3;
	s3 =	stileid.u32;
	_ =	strace $0x80000047  }
0x7: {  	s7 =	ssub.s32 $0x2, s4;
	p0 =	seq.s32 s4, $0x1;
	s30 =	smul.u32 $0x2800, s3  }
0x8: {  	s31 =	sshll.u32 s3, $0x7;
	s10 =	sshrl.u32 s7, $0x1;
	s6 =	smov.u32 @p0 s8  }
0x9: {  	s9 =	smov.u32 @p0 s11;
	s1 =	smov.u32 @p0 s5;
	s7 =	ssub.s32 s7, s10  }
0xa: {  	s5 =	sadd.s32 s30, s9;
	s6 =	sadd.s32 s31, s6;
	s4 =	smax.u32 s7, $0x1  }
.LBB2_1:
0xb: {  	s7 =	sadd.s32 $0x0, s3  }
0xc: {  	p1 =	sgt.u32 s7, $0x1F3  }
0xd: {  	s7 =	simm.s32 @!p1 $0x0;
	s8 =	simm.s32 @!p1 $0x3  }
0xe: {  	[tilespmem:s7], [sflag:$0x3] =	stream.linear.gather @!p1 [hbm4b:s6+s7], $0x280, $0x38;
	[tilespmem:$0x14400] =	vst v63  }
0xf: {  	_ =	swait.ge @!p1 [sflag:s8], $0x280  }
0x10: {  	[sflag:s8] =	ssyncset.done @!p1 $0x0;
	p1 =	por p1, p1  }
0x11: {  	[sflag:s8] =	ssyncadd.s32 @!p1 $0xFFFFFD80;
	s8 =	simm.s32 @!p1 $0x80;
	s9 =	simm.s32 @!p1 $0x400  }
0x12: {  	[tilespmem:s9], [sflag:$0x1] =	stream.indirect.gather @!p1 [hbm4b:s1+s8], $0x80, s7, s8, $0xb8;
	[tilespmem:$0x14400] =	vst v63  }
0x13: {  	s10 =	simm.s32 @!p1 $0x4400  }
0x14: {  	[tilespmem:s10], [sflag:$0x1] =	stream.indirect.gather @!p1 [hbm4b:s1+s8], $0x80, s8, s8, $0xb8;
	[tilespmem:$0x14400] =	vst v63  }
0x15: {  	s11 =	simm.s32 @!p1 $0x8400;
	s10 =	simm.s32 @!p1 $0x100  }
0x16: {  	[tilespmem:s11], [sflag:$0x1] =	stream.indirect.gather @!p1 [hbm4b:s1+s8], $0x80, s10, s8, $0xb8;
	[tilespmem:$0x14400] =	vst v63  }
0x17: {  	s10 =	simm.s32 @!p1 $0x180;
	s11 =	simm.s32 @!p1 $0xC400  }
0x18: {  	[tilespmem:s11], [sflag:$0x1] =	stream.indirect.gather @!p1 [hbm4b:s1+s8], $0x80, s10, s8, $0xb8;
	[tilespmem:$0x14400] =	vst v63  }
0x19: {  	s13 =	simm.s32 @!p1 $0x1;
	s10 =	simm.s32 @!p1 $0x200;
	s11 =	simm.s32 @!p1 $0x10400  }
0x1a: {  	[tilespmem:s11], [sflag:$0x1] =	stream.indirect.gather @!p1 [hbm4b:s1+s8], $0x80, s10, s8, $0xb8;
	[tilespmem:$0x14400] =	vst v63  }
0x1b: {  	_ =	swait.ge @!p1 [sflag:s13], $0x4000  }
0x1c: {  	[sflag:s13] =	ssyncset.done @!p1 $0x0  }
0x1d: {  	[sflag:s13] =	ssyncadd.s32 @!p1 $0xFFFFC000  }
0x1e: {  	_ =	swait.ge @!p1 [sflag:s13], $0x4000  }
0x1f: {  	[sflag:s13] =	ssyncset.done @!p1 $0x0  }
0x20: {  	[sflag:s13] =	ssyncadd.s32 @!p1 $0xFFFFC000  }
0x21: {  	_ =	swait.ge @!p1 [sflag:s13], $0x4000  }
0x22: {  	[sflag:s13] =	ssyncset.done @!p1 $0x0  }
0x23: {  	[sflag:s13] =	ssyncadd.s32 @!p1 $0xFFFFC000  }
0x24: {  	_ =	swait.ge @!p1 [sflag:s13], $0x4000  }
0x25: {  	[sflag:s13] =	ssyncset.done @!p1 $0x0  }
0x26: {  	[sflag:s13] =	ssyncadd.s32 @!p1 $0xFFFFC000  }
0x27: {  	_ =	swait.ge @!p1 [sflag:s13], $0x4000  }
0x28: {  	p2 =	por !p0, p1;
	s12 =	simm.s32 @!p1 $0x2;
	[sflag:s13] =	ssyncset.done @!p1 $0x0  }
0x29: {  	s31 =	sadd.s32 $0x10, s3;
	s12 =	simm.s32 @p2 $0x3;
	[sflag:s13] =	ssyncadd.s32 @!p1 $0xFFFFC000  }
0x2a: {  	[hbm4b:s5+s7] =	stream.linear.scatter @!p1 [tilespmem:s9], [sflag:s12], $0x14000, $0x38;
	[tilespmem:$0x14400] =	vst v63  }
0x2b: {  	p3 =	sgt.u32 s31, $0x1F3;
	s8 =	simm.s32 $0x20;
	_ =	swait.ge @!p1 [sflag:s12], $0x14000  }
0x2c: {  	s9 =	sadd.s32 $0x800, s6;
	s7 =	sadd.s32 $0x28000, s5;
	[sflag:s12] =	ssyncset.done @!p1 $0x0  }
.LBB2_2:
0x2d: {  	s10 =	simm.s32 @!p3 $0x0;
	s13 =	simm.s32 @!p3 $0x3;
	[sflag:s12] =	ssyncadd.s32 @!p1 $0xFFFEC000  }
0x2e: {  	[tilespmem:s10], [sflag:$0x3] =	stream.linear.gather @!p3 [hbm4b:s9+s10], $0x280, $0x38;
	[tilespmem:$0x14400] =	vst v63  }
0x2f: {  	s11 =	smov.u32 s8;
	s8 =	sadd.s32 $0x10, s8;
	_ =	swait.ge @!p3 [sflag:s13], $0x280  }
0x30: {  	p1 =	por p3, p3;
	p2 =	sne.s32 s8, $0x200;
	[sflag:s13] =	ssyncset.done @!p3 $0x0  }
0x31: {  	s12 =	simm.s32 @!p1 $0x80;
	[sflag:s13] =	ssyncadd.s32 @!p1 $0xFFFFFD80;
	s13 =	simm.s32 @!p1 $0x400  }
0x32: {  	[tilespmem:s13], [sflag:$0x1] =	stream.indirect.gather @!p1 [hbm4b:s1+s12], $0x80, s10, s12, $0xb8;
	[tilespmem:$0x14400] =	vst v63  }
0x33: {  	s14 =	simm.s32 @!p1 $0x4400  }
0x34: {  	[tilespmem:s14], [sflag:$0x1] =	stream.indirect.gather @!p1 [hbm4b:s1+s12], $0x80, s12, s12, $0xb8;
	[tilespmem:$0x14400] =	vst v63  }
0x35: {  	s15 =	simm.s32 @!p1 $0x8400;
	s14 =	simm.s32 @!p1 $0x100  }
0x36: {  	[tilespmem:s15], [sflag:$0x1] =	stream.indirect.gather @!p1 [hbm4b:s1+s12], $0x80, s14, s12, $0xb8;
	[tilespmem:$0x14400] =	vst v63  }
0x37: {  	s14 =	simm.s32 @!p1 $0x180;
	s15 =	simm.s32 @!p1 $0xC400  }
0x38: {  	[tilespmem:s15], [sflag:$0x1] =	stream.indirect.gather @!p1 [hbm4b:s1+s12], $0x80, s14, s12, $0xb8;
	[tilespmem:$0x14400] =	vst v63  }
0x39: {  	s16 =	simm.s32 @!p1 $0x1;
	s14 =	simm.s32 @!p1 $0x200;
	s15 =	simm.s32 @!p1 $0x10400  }
0x3a: {  	[tilespmem:s15], [sflag:$0x1] =	stream.indirect.gather @!p1 [hbm4b:s1+s12], $0x80, s14, s12, $0xb8;
	[tilespmem:$0x14400] =	vst v63  }
0x3b: {  	_ =	swait.ge @!p1 [sflag:s16], $0x4000  }
0x3c: {  	[sflag:s16] =	ssyncset.done @!p1 $0x0  }
0x3d: {  	[sflag:s16] =	ssyncadd.s32 @!p1 $0xFFFFC000  }
0x3e: {  	_ =	swait.ge @!p1 [sflag:s16], $0x4000  }
0x3f: {  	[sflag:s16] =	ssyncset.done @!p1 $0x0  }
0x40: {  	[sflag:s16] =	ssyncadd.s32 @!p1 $0xFFFFC000  }
0x41: {  	_ =	swait.ge @!p1 [sflag:s16], $0x4000  }
0x42: {  	[sflag:s16] =	ssyncset.done @!p1 $0x0  }
0x43: {  	[sflag:s16] =	ssyncadd.s32 @!p1 $0xFFFFC000  }
0x44: {  	_ =	swait.ge @!p1 [sflag:s16], $0x4000  }
0x45: {  	[sflag:s16] =	ssyncset.done @!p1 $0x0  }
0x46: {  	[sflag:s16] =	ssyncadd.s32 @!p1 $0xFFFFC000  }
0x47: {  	p3 =	por !p0, p1;
	_ =	swait.ge @!p1 [sflag:s16], $0x4000  }
.Ltmp0:
0x48: {  	s12 =	simm.s32 @!p1 $0x2;
	[sflag:s16] =	ssyncset.done @!p1 $0x0;
	(pc) =	sbr.rel @p2 .LBB2_2-.Ltmp0, $4  }
0x49: {  	s12 =	simm.s32 @p3 $0x3;
	[sflag:s16] =	ssyncadd.s32 @!p1 $0xFFFFC000  }
0x4a: {  	[hbm4b:s7+s10] =	stream.linear.scatter @!p1 [tilespmem:s13], [sflag:s12], $0x14000, $0x38;
	[tilespmem:$0x14400] =	vst v63  }
0x4b: {  	s9 =	sadd.s32 $0x800, s9;
	s10 =	sadd.s32 s11, s3;
	_ =	swait.ge @!p1 [sflag:s12], $0x14000  }
0x4c: {  	s7 =	sadd.s32 $0x28000, s7;
	p3 =	sgt.u32 s10, $0x1F3;
	[sflag:s12] =	ssyncset.done @!p1 $0x0  }
0x4d: {  	s8 =	simm.s32 @!p3 $0x0;
	s10 =	simm.s32 @!p3 $0x3;
	[sflag:s12] =	ssyncadd.s32 @!p1 $0xFFFEC000  }
0x4e: {  	[tilespmem:s8], [sflag:$0x3] =	stream.linear.gather @!p3 [hbm4b:s9+s8], $0x280, $0x38;
	[tilespmem:$0x14400] =	vst v63  }
0x4f: {  	_ =	swait.ge @!p3 [sflag:s10], $0x280  }
0x50: {  	p1 =	por p3, p3;
	[sflag:s10] =	ssyncset.done @!p3 $0x0  }
0x51: {  	s9 =	simm.s32 @!p1 $0x80;
	[sflag:s10] =	ssyncadd.s32 @!p1 $0xFFFFFD80;
	s10 =	simm.s32 @!p1 $0x400  }
0x52: {  	[tilespmem:s10], [sflag:$0x1] =	stream.indirect.gather @!p1 [hbm4b:s1+s9], $0x80, s8, s9, $0xb8;
	[tilespmem:$0x14400] =	vst v63  }
0x53: {  	s11 =	simm.s32 @!p1 $0x4400  }
0x54: {  	[tilespmem:s11], [sflag:$0x1] =	stream.indirect.gather @!p1 [hbm4b:s1+s9], $0x80, s9, s9, $0xb8;
	[tilespmem:$0x14400] =	vst v63  }
0x55: {  	s12 =	simm.s32 @!p1 $0x8400;
	s11 =	simm.s32 @!p1 $0x100  }
0x56: {  	[tilespmem:s12], [sflag:$0x1] =	stream.indirect.gather @!p1 [hbm4b:s1+s9], $0x80, s11, s9, $0xb8;
	[tilespmem:$0x14400] =	vst v63  }
0x57: {  	s11 =	simm.s32 @!p1 $0x180;
	s12 =	simm.s32 @!p1 $0xC400  }
0x58: {  	[tilespmem:s12], [sflag:$0x1] =	stream.indirect.gather @!p1 [hbm4b:s1+s9], $0x80, s11, s9, $0xb8;
	[tilespmem:$0x14400] =	vst v63  }
0x59: {  	s13 =	simm.s32 @!p1 $0x1;
	s11 =	simm.s32 @!p1 $0x200;
	s12 =	simm.s32 @!p1 $0x10400  }
0x5a: {  	[tilespmem:s12], [sflag:$0x1] =	stream.indirect.gather @!p1 [hbm4b:s1+s9], $0x80, s11, s9, $0xb8;
	[tilespmem:$0x14400] =	vst v63  }
0x5b: {  	_ =	swait.ge @!p1 [sflag:s13], $0x4000  }
0x5c: {  	[sflag:s13] =	ssyncset.done @!p1 $0x0  }
0x5d: {  	[sflag:s13] =	ssyncadd.s32 @!p1 $0xFFFFC000  }
0x5e: {  	_ =	swait.ge @!p1 [sflag:s13], $0x4000  }
0x5f: {  	[sflag:s13] =	ssyncset.done @!p1 $0x0  }
0x60: {  	[sflag:s13] =	ssyncadd.s32 @!p1 $0xFFFFC000  }
0x61: {  	_ =	swait.ge @!p1 [sflag:s13], $0x4000  }
0x62: {  	[sflag:s13] =	ssyncset.done @!p1 $0x0  }
0x63: {  	[sflag:s13] =	ssyncadd.s32 @!p1 $0xFFFFC000  }
0x64: {  	_ =	swait.ge @!p1 [sflag:s13], $0x4000  }
0x65: {  	[sflag:s13] =	ssyncset.done @!p1 $0x0  }
0x66: {  	s2 =	sadd.s32 $0x1, s2;
	[sflag:s13] =	ssyncadd.s32 @!p1 $0xFFFFC000  }
0x67: {  	p2 =	por !p0, p1;
	s9 =	simm.s32 @!p1 $0x2;
	_ =	swait.ge @!p1 [sflag:s13], $0x4000  }
0x68: {  	s9 =	simm.s32 @p2 $0x3;
	p2 =	sne.s32 s2, s4;
	[sflag:s13] =	ssyncset.done @!p1 $0x0  }
.Ltmp1:
0x69: {  	[sflag:s13] =	ssyncadd.s32 @!p1 $0xFFFFC000;
	(pc) =	sbr.rel @p2 .LBB2_1-.Ltmp1, $4  }
0x6a: {  	[hbm4b:s7+s8] =	stream.linear.scatter @!p1 [tilespmem:s10], [sflag:s9], $0x14000, $0x38;
	[tilespmem:$0x14400] =	vst v63  }
0x6b: {  	_ =	swait.ge @!p1 [sflag:s9], $0x14000  }
0x6c: {  	[sflag:s9] =	ssyncset.done @!p1 $0x0  }
0x6d: {  	[sflag:s9] =	ssyncadd.s32 @!p1 $0xFFFEC000  }
0x6e: {  	_ =	sfence.sel $0x180000  }
0x6f: {  	[bflag:$0x0] =	sbarrier.arrive $0xFFFF  }
0x70: {  	p0 =	sne.s32 s3, $0x0;
	_ =	strace $0x90000047  }
0x71: {  	s0 =	sadd.s32 @!p0 $0x100000, s0;
	[bflag:$0x2] =	sbarrier.arrive $0xFFFF  }
0x72: {  	[sflag:s0] =	ssyncadd.tile.s32 @!p0 $0x1;
	_ =	shalt  }
.Lfunc_end2:
_tile_overlayer_lowered:
.L_overlay_start_2:
0x73: {  	(tag) =	ssettag $0x2  }
0x74: {  	s0 =	rddreg [dreg:$0x0];
	s2 =	stileid.u32  }
0x75: {  	s1 =	rddreg [dreg:$0x1];
	p0 =	sne.s32 s2, $0x0  }
0x76: {  	s3 =	rddreg [dreg:$0x2];
	[bflag:$0x3] =	sbarrier.arrive $0xFFFF;
	s2 =	simm.s32 @!p0 $0x1C02  }
0x77: {  	[timem:s3], [sflag:s2] =	dma.local @!p0 [hbm:s0], s1  }
0x78: {  	s0 =	simm.s32 @!p0 $0x2  }
0x79: {  	_ =	swait.ge @!p0 [sflag:s0], s1  }
0x7a: {  	s1 =	ssub.s32 @!p0 $0x0, s1;
	[sflag:s0] =	ssyncset.done @!p0 $0x0  }
0x7b: {  	[sflag:s0] =	ssyncadd.s32 @!p0 s1  }
0x7c: {  	[bflag:$0x3] =	sbarrier.arrive $0xFFFF  }
0x7d: {  	_ =	shalt  }

</sc_bundles>
